<compile_context>
chip_gen: v7x
topology: tpu7x:2x2x1
jax: 0.10.2.dev20260603
libtpu: 0.0.44.dev20260713+nightly
codegen_flags: <defaults>
</compile_context>

<pallas_src>
import dataclasses
import functools

import jax
import jax.numpy as jnp
from jax import lax
from jax.experimental import pallas as pl
from jax.experimental.pallas import tpu as pltpu
from jax.experimental.pallas import tpu_sc as plsc

N = 10000
E = 320000
D = 128

NC = 2
NS = 16
L = 16
NW = NC * NS
EPW = E // NW
K = 40
NBLK = EPW // K
NPAD = 10240
ROWS_PT = NPAD // NS

_MESH = plsc.VectorSubcoreMesh(core_axis_name="c", subcore_axis_name="s")

_SC_PARAMS = pltpu.CompilerParams()
if "needs_layout_passes" in pltpu.CompilerParams.__dataclass_fields__:
    _SC_PARAMS = dataclasses.replace(_SC_PARAMS, needs_layout_passes=False)





@functools.partial(
    pl.kernel,
    out_type=jax.ShapeDtypeStruct((NW, N), jnp.float32),
    mesh=_MESH,
    compiler_params=_SC_PARAMS,
    scratch_types=[
        pltpu.VMEM((EPW,), jnp.int32),
        pltpu.VMEM((N,), jnp.float32),
    ],
)
def _deg_kernel(ei_hbm, out_hbm, idx_v, hist_v):
    wid = lax.axis_index("s") * NC + lax.axis_index("c")

    @pl.loop(0, N, step=L)
    def _(i):
        hist_v[pl.ds(i, L)] = jnp.zeros((L,), jnp.float32)

    pltpu.sync_copy(ei_hbm.at[pl.ds(E + wid * EPW, EPW)], idx_v)
    ones = jnp.ones((L,), jnp.float32)

    @pl.loop(0, EPW, step=5 * L)
    def _(i):
        for u in range(5):
            plsc.addupdate_scatter(hist_v, [idx_v[pl.ds(i + u * L, L)]], ones)

    pltpu.sync_copy(hist_v, out_hbm.at[wid])


NBUF = 5
ZCH = K


@functools.partial(
    pl.kernel,
    out_type=jax.ShapeDtypeStruct((NC, NPAD, D), jnp.float32),
    mesh=_MESH,
    compiler_params=_SC_PARAMS,
    scratch_types=[
        pltpu.VMEM((EPW,), jnp.int32),
        pltpu.VMEM((EPW,), jnp.int32),
        pltpu.VMEM((NBUF, K, D), jnp.float32),
        pltpu.VMEM_SHARED((NPAD, D), jnp.float32),
    ] + [pltpu.SemaphoreType.DMA] * NBUF,
)
def _edge_kernel(y_hbm, ei_hbm, out_hbm,
                 src_v, dst_v, rows_v, z_sh, *sems):
    cid = lax.axis_index("c")
    sid = lax.axis_index("s")
    wid = sid * NC + cid

    pltpu.sync_copy(ei_hbm.at[pl.ds(wid * EPW, EPW)], src_v)
    pltpu.sync_copy(ei_hbm.at[pl.ds(E + wid * EPW, EPW)], dst_v)

    def gather(blk, b):
        return pltpu.make_async_copy(
            y_hbm.at[src_v.at[pl.ds(blk * K, K)]], rows_v.at[b], sems[b])

    def scatter(blk, b):
        pltpu.sync_copy(rows_v.at[b],
                        z_sh.at[dst_v.at[pl.ds(blk * K, K)]], add=True)

    for b in range(1, NBUF):
        gather(b, b).start()

    @pl.loop(0, ZCH)
    def _(r):
        @pl.loop(0, D, step=L)
        def _(c):
            rows_v[0, r, pl.ds(c, L)] = jnp.zeros((L,), jnp.float32)

    @pl.loop(0, ROWS_PT // ZCH)
    def _(j):
        pltpu.sync_copy(rows_v.at[0, pl.ds(0, ZCH)],
                        z_sh.at[pl.ds(sid * ROWS_PT + j * ZCH, ZCH)])

    gather(0, 0).start()
    plsc.subcore_barrier()

    @pl.loop(0, NBLK - NBUF, step=NBUF)
    def _(t):
        for b in range(NBUF):
            gather(t + b, b).wait()
            scatter(t + b, b)
            gather(t + b + NBUF, b).start()

    t_last = NBLK - NBUF
    for b in range(NBUF):
        gather(t_last + b, b).wait()
        scatter(t_last + b, b)

    plsc.subcore_barrier()
    pltpu.sync_copy(
        z_sh.at[pl.ds(sid * ROWS_PT, ROWS_PT)],
        out_hbm.at[cid, pl.ds(sid * ROWS_PT, ROWS_PT)],
    )



RB = 2000
_GRID = N // RB


def _dot(a, w_ref):
    return lax.dot_general(
        a, w_ref[...], (((1,), (0,)), ((), ())),
        precision=lax.Precision.HIGHEST,
        preferred_element_type=jnp.float32,
    )


def _matmul(x, w):
    def body(x_ref, w_ref, o_ref):
        o_ref[...] = _dot(x_ref[...], w_ref)

    return pl.pallas_call(
        body,
        grid=(_GRID,),
        in_specs=[
            pl.BlockSpec((RB, D), lambda i: (i, 0)),
            pl.BlockSpec((D, D), lambda i: (0, 0)),
        ],
        out_specs=pl.BlockSpec((RB, D), lambda i: (i, 0)),
        out_shape=jax.ShapeDtypeStruct((N, D), jnp.float32),
    )(x, w)


def _dinv_kernel(degp):
    def body(degp_ref, dinv_ref):
        deg = jnp.sum(degp_ref[...], axis=0) + 1.0
        dinv_ref[...] = lax.rsqrt(deg)[:, None]

    return pl.pallas_call(
        body,
        out_shape=jax.ShapeDtypeStruct((N, 1), jnp.float32),
    )(degp)


def _scale_kernel(dinv, t1):
    def body(dinv_ref, t_ref, y_ref):
        y_ref[...] = t_ref[...] * dinv_ref[...]

    return pl.pallas_call(
        body,
        grid=(_GRID,),
        in_specs=[
            pl.BlockSpec((RB, 1), lambda i: (i, 0)),
            pl.BlockSpec((RB, D), lambda i: (i, 0)),
        ],
        out_specs=pl.BlockSpec((RB, D), lambda i: (i, 0)),
        out_shape=jax.ShapeDtypeStruct((N, D), jnp.float32),
    )(dinv, t1)


def _mid_kernel(z, y1, dinv, b1, w2):
    def body(z_ref, y_ref, dinv_ref, b_ref, w_ref, y2_ref):
        ztot = z_ref[0] + z_ref[1] + y_ref[...]
        h = jnp.maximum(ztot * dinv_ref[...] + b_ref[...], 0.0)
        y2_ref[...] = _dot(h, w_ref) * dinv_ref[...]

    return pl.pallas_call(
        body,
        grid=(_GRID,),
        in_specs=[
            pl.BlockSpec((NC, RB, D), lambda i: (0, i, 0)),
            pl.BlockSpec((RB, D), lambda i: (i, 0)),
            pl.BlockSpec((RB, 1), lambda i: (i, 0)),
            pl.BlockSpec((1, D), lambda i: (0, 0)),
            pl.BlockSpec((D, D), lambda i: (0, 0)),
        ],
        out_specs=pl.BlockSpec((RB, D), lambda i: (i, 0)),
        out_shape=jax.ShapeDtypeStruct((N, D), jnp.float32),
    )(z, y1, dinv, b1, w2)


def _final_kernel(z, y2, dinv, b2):
    def body(z_ref, y_ref, dinv_ref, b_ref, o_ref):
        ztot = z_ref[0] + z_ref[1] + y_ref[...]
        o_ref[...] = ztot * dinv_ref[...] + b_ref[...]

    return pl.pallas_call(
        body,
        grid=(_GRID,),
        in_specs=[
            pl.BlockSpec((NC, RB, D), lambda i: (0, i, 0)),
            pl.BlockSpec((RB, D), lambda i: (i, 0)),
            pl.BlockSpec((RB, 1), lambda i: (i, 0)),
            pl.BlockSpec((1, D), lambda i: (0, 0)),
        ],
        out_specs=pl.BlockSpec((RB, D), lambda i: (i, 0)),
        out_shape=jax.ShapeDtypeStruct((N, D), jnp.float32),
    )(z, y2, dinv, b2)



def kernel(x, edge_index, W1, b1, W2, b2):
    ei_flat = jnp.asarray(edge_index, jnp.int32).reshape(2 * E)

    degp = _deg_kernel(ei_flat)
    t1 = _matmul(x, W1)
    dinv = _dinv_kernel(degp)
    y1 = _scale_kernel(dinv, t1)
    z1 = _edge_kernel(y1, ei_flat)
    y2 = _mid_kernel(z1, y1, dinv, b1.reshape(1, D), W2)
    z2 = _edge_kernel(y2, ei_flat)
    return _final_kernel(z2, y2, dinv, b2.reshape(1, D))

# --- scband reference (transcript-rebuilt; emitter-appended) ---
"""Pipeline reference for scband-gcn-29119878267593 (READ-ONLY COPY).

The authoritative reference and input builder live on the scoring server;
editing this copy changes nothing except your own understanding.
"""

import jax, jax.numpy as jnp
import numpy as np

N_NODES = 10000
N_EDGES = 320000
D_IN = 128
D_HID = 128
D_OUT = 128


def setup_inputs(seed: int = 0) -> dict:
    key = jax.random.key(seed)
    k1, k2, k3, k4, k5, k6 = jax.random.split(key, 6)
    x = jax.random.normal(k1, (N_NODES, D_IN), dtype=jnp.float32)
    edge_index = jax.random.randint(k2, (2, N_EDGES), 0, N_NODES, dtype=jnp.int64)
    s1 = 1.0 / np.sqrt(D_IN)
    s2 = 1.0 / np.sqrt(D_HID)
    W1 = jax.random.uniform(k3, (D_IN, D_HID), dtype=jnp.float32, minval=-s1, maxval=s1)
    b1 = jax.random.uniform(k4, (D_HID,), dtype=jnp.float32, minval=-s1, maxval=s1)
    W2 = jax.random.uniform(k5, (D_HID, D_OUT), dtype=jnp.float32, minval=-s2, maxval=s2)
    b2 = jax.random.uniform(k6, (D_OUT,), dtype=jnp.float32, minval=-s2, maxval=s2)
    return {"x": x, "edge_index": edge_index, "W1": W1, "b1": b1, "W2": W2, "b2": b2}


def _gcn_conv(x, src, dst, W, b, num_nodes):
    # x' = D^{-1/2} (A + I) D^{-1/2} X W + b  (self-loops already appended to src/dst)
    xw = x @ W
    deg = jnp.zeros((num_nodes,), dtype=xw.dtype).at[dst].add(1.0)
    dinv = jnp.where(deg > 0, jax.lax.rsqrt(jnp.maximum(deg, 1e-12)), 0.0)
    norm = dinv[src] * dinv[dst]
    msg = xw[src] * norm[:, None]
    out = jnp.zeros((num_nodes, xw.shape[1]), dtype=xw.dtype).at[dst].add(msg)
    return out + b


def reference(x, edge_index, W1, b1, W2, b2):
    num_nodes = x.shape[0]
    loop = jnp.arange(num_nodes, dtype=edge_index.dtype)
    src = jnp.concatenate([edge_index[0], loop])
    dst = jnp.concatenate([edge_index[1], loop])
    h = _gcn_conv(x, src, dst, W1, b1, num_nodes)
    h = jax.nn.relu(h)
    out = _gcn_conv(h, src, dst, W2, b2, num_nodes)
    return out

if __name__ == "__main__":
    import jax
    _d = setup_inputs()
    print(jax.jit(kernel)(*tuple(_d.values())))

</pallas_src>

<mosaic_0001>
#map = affine_map<(d0, d1) -> (0, 0)>
#map1 = affine_map<(d0, d1) -> (0)>
#map2 = affine_map<(d0, d1) -> (0, 0, 0)>
module attributes {stable_mosaic.version = 14 : i64} {
  func.func @_edge_kernel(%arg0: i32, %arg1: i32, %arg2: memref<10000x128xf32, #tpu.memory_space<hbm>>, %arg3: memref<640000xi32, #tpu.memory_space<hbm>>, %arg4: memref<2x10240x128xf32, #tpu.memory_space<hbm>>, %arg5: memref<10000xi32, #tpu.memory_space<vmem>>, %arg6: memref<10000xi32, #tpu.memory_space<vmem>>, %arg7: memref<5x40x128xf32, #tpu.memory_space<vmem>>, %arg8: memref<10240x128xf32, #tpu.memory_space<vmem_shared>>, %arg9: memref<!tpu.dma_semaphore, #tpu.memory_space<semaphore_mem>>, %arg10: memref<!tpu.dma_semaphore, #tpu.memory_space<semaphore_mem>>, %arg11: memref<!tpu.dma_semaphore, #tpu.memory_space<semaphore_mem>>, %arg12: memref<!tpu.dma_semaphore, #tpu.memory_space<semaphore_mem>>, %arg13: memref<!tpu.dma_semaphore, #tpu.memory_space<semaphore_mem>>) attributes {dimension_semantics = [#tpu.dimension_semantics<core_parallel>, #tpu.dimension_semantics<subcore_parallel>], iteration_bounds = array<i64: 2, 16>, scalar_prefetch = 0 : i64, scratch_operands = 9 : i64, tpu.core_type = #tpu.core_type<sc_vector_subcore>, window_params = [{transform_indices = #map}, {transform_indices = #map1}, {transform_indices = #map2}]} {
    %mul3A = arith.constant 2 : i32
    %mul3A_0 = arith.muli %arg1, %mul3A : i32
    %add3A = arith.addi %mul3A_0, %arg0 : i32
    %mul3A_1 = arith.constant 10000 : i32
    %mul3A_2 = arith.muli %add3A, %mul3A_1 : i32
    "tpu.region"() ({
      %run_scoped3A_128 = tpu.sem_alloc : memref<!tpu.dma_semaphore, #tpu.memory_space<semaphore_mem>>
      %dma_start3A_129 = tpu.memref_slice %arg3[%mul3A_2] : memref<640000xi32, #tpu.memory_space<hbm>> -> memref<10000xi32, #tpu.memory_space<hbm>>
      %dma_start3A_130 = tpu.memref_slice %arg3[%mul3A_2] : memref<640000xi32, #tpu.memory_space<hbm>> -> memref<10000xi32, #tpu.memory_space<hbm>>
      tpu.enqueue_dma source(%dma_start3A_130 : memref<10000xi32, #tpu.memory_space<hbm>>) target(%arg5 : memref<10000xi32, #tpu.memory_space<vmem>>) target_semaphore(%run_scoped3A_128 : memref<!tpu.dma_semaphore, #tpu.memory_space<semaphore_mem>>)
      %dma_wait3A_131 = tpu.memref_slice %arg3[%mul3A_2] : memref<640000xi32, #tpu.memory_space<hbm>> -> memref<10000xi32, #tpu.memory_space<hbm>>
      %dma_wait3A_132 = tpu.memref_slice %arg3[%mul3A_2] : memref<640000xi32, #tpu.memory_space<hbm>> -> memref<10000xi32, #tpu.memory_space<hbm>>
      tpu.wait_dma2 semaphore(%run_scoped3A_128 : memref<!tpu.dma_semaphore, #tpu.memory_space<semaphore_mem>>) src(%dma_wait3A_132 : memref<10000xi32, #tpu.memory_space<hbm>>) dst(%arg5 : memref<10000xi32, #tpu.memory_space<vmem>>)
      tpu.yield
    }) : () -> ()
    %mul3A_3 = arith.constant 10000 : i32
    %mul3A_4 = arith.muli %add3A, %mul3A_3 : i32
    %add3A_5 = arith.constant 320000 : i32
    %add3A_6 = arith.addi %add3A_5, %mul3A_4 : i32
    "tpu.region"() ({
      %run_scoped3A_128 = tpu.sem_alloc : memref<!tpu.dma_semaphore, #tpu.memory_space<semaphore_mem>>
      %dma_start3A_129 = tpu.memref_slice %arg3[%add3A_6] : memref<640000xi32, #tpu.memory_space<hbm>> -> memref<10000xi32, #tpu.memory_space<hbm>>
      %dma_start3A_130 = tpu.memref_slice %arg3[%add3A_6] : memref<640000xi32, #tpu.memory_space<hbm>> -> memref<10000xi32, #tpu.memory_space<hbm>>
      tpu.enqueue_dma source(%dma_start3A_130 : memref<10000xi32, #tpu.memory_space<hbm>>) target(%arg6 : memref<10000xi32, #tpu.memory_space<vmem>>) target_semaphore(%run_scoped3A_128 : memref<!tpu.dma_semaphore, #tpu.memory_space<semaphore_mem>>)
      %dma_wait3A_131 = tpu.memref_slice %arg3[%add3A_6] : memref<640000xi32, #tpu.memory_space<hbm>> -> memref<10000xi32, #tpu.memory_space<hbm>>
      %dma_wait3A_132 = tpu.memref_slice %arg3[%add3A_6] : memref<640000xi32, #tpu.memory_space<hbm>> -> memref<10000xi32, #tpu.memory_space<hbm>>
      tpu.wait_dma2 semaphore(%run_scoped3A_128 : memref<!tpu.dma_semaphore, #tpu.memory_space<semaphore_mem>>) src(%dma_wait3A_132 : memref<10000xi32, #tpu.memory_space<hbm>>) dst(%arg6 : memref<10000xi32, #tpu.memory_space<vmem>>)
      tpu.yield
    }) : () -> ()
    %dma_start3A = arith.constant 1 : i32
    %dma_start3A_7 = arith.constant 0 : i32
    %dma_start3A_8 = arith.constant 0 : i32
    %dma_start3A_9 = tpu.memref_slice %arg7[%dma_start3A, %dma_start3A_7, %dma_start3A_8] : memref<5x40x128xf32, #tpu.memory_space<vmem>> -> memref<1x40x128xf32, #tpu.memory_space<vmem>>
    %dma_start3A_10 = tpu.memref_squeeze %dma_start3A_9 : memref<1x40x128xf32, #tpu.memory_space<vmem>> -> memref<40x128xf32, #tpu.memory_space<vmem>>
    %dma_start3A_11 = arith.constant 40 : i32
    %dma_start3A_12 = tpu.memref_slice %arg5[%dma_start3A_11] : memref<10000xi32, #tpu.memory_space<vmem>> -> memref<40xi32, #tpu.memory_space<vmem>>
    %dma_start3A_13 = arith.constant 0 : i32
    %dma_start3A_14 = arith.constant 0 : i32
    %dma_start3A_15 = tpu.memref_slice %arg2[%dma_start3A_13, %dma_start3A_14] : memref<10000x128xf32, #tpu.memory_space<hbm>> -> memref<10000x128xf32, #tpu.memory_space<hbm>>
    tpu.enqueue_indirect_dma source(%dma_start3A_15 : memref<10000x128xf32, #tpu.memory_space<hbm>>) target(%dma_start3A_10 : memref<40x128xf32, #tpu.memory_space<vmem>>) offsets(%dma_start3A_12 : memref<40xi32, #tpu.memory_space<vmem>>) semaphore(%arg10 : memref<!tpu.dma_semaphore, #tpu.memory_space<semaphore_mem>>)
    %dma_start3A_16 = arith.constant 2 : i32
    %dma_start3A_17 = arith.constant 0 : i32
    %dma_start3A_18 = arith.constant 0 : i32
    %dma_start3A_19 = tpu.memref_slice %arg7[%dma_start3A_16, %dma_start3A_17, %dma_start3A_18] : memref<5x40x128xf32, #tpu.memory_space<vmem>> -> memref<1x40x128xf32, #tpu.memory_space<vmem>>
    %dma_start3A_20 = tpu.memref_squeeze %dma_start3A_19 : memref<1x40x128xf32, #tpu.memory_space<vmem>> -> memref<40x128xf32, #tpu.memory_space<vmem>>
    %dma_start3A_21 = arith.constant 80 : i32
    %dma_start3A_22 = tpu.memref_slice %arg5[%dma_start3A_21] : memref<10000xi32, #tpu.memory_space<vmem>> -> memref<40xi32, #tpu.memory_space<vmem>>
    %dma_start3A_23 = arith.constant 0 : i32
    %dma_start3A_24 = arith.constant 0 : i32
    %dma_start3A_25 = tpu.memref_slice %arg2[%dma_start3A_23, %dma_start3A_24] : memref<10000x128xf32, #tpu.memory_space<hbm>> -> memref<10000x128xf32, #tpu.memory_space<hbm>>
    tpu.enqueue_indirect_dma source(%dma_start3A_25 : memref<10000x128xf32, #tpu.memory_space<hbm>>) target(%dma_start3A_20 : memref<40x128xf32, #tpu.memory_space<vmem>>) offsets(%dma_start3A_22 : memref<40xi32, #tpu.memory_space<vmem>>) semaphore(%arg11 : memref<!tpu.dma_semaphore, #tpu.memory_space<semaphore_mem>>)
    %dma_start3A_26 = arith.constant 3 : i32
    %dma_start3A_27 = arith.constant 0 : i32
    %dma_start3A_28 = arith.constant 0 : i32
    %dma_start3A_29 = tpu.memref_slice %arg7[%dma_start3A_26, %dma_start3A_27, %dma_start3A_28] : memref<5x40x128xf32, #tpu.memory_space<vmem>> -> memref<1x40x128xf32, #tpu.memory_space<vmem>>
    %dma_start3A_30 = tpu.memref_squeeze %dma_start3A_29 : memref<1x40x128xf32, #tpu.memory_space<vmem>> -> memref<40x128xf32, #tpu.memory_space<vmem>>
    %dma_start3A_31 = arith.constant 120 : i32
    %dma_start3A_32 = tpu.memref_slice %arg5[%dma_start3A_31] : memref<10000xi32, #tpu.memory_space<vmem>> -> memref<40xi32, #tpu.memory_space<vmem>>
    %dma_start3A_33 = arith.constant 0 : i32
    %dma_start3A_34 = arith.constant 0 : i32
    %dma_start3A_35 = tpu.memref_slice %arg2[%dma_start3A_33, %dma_start3A_34] : memref<10000x128xf32, #tpu.memory_space<hbm>> -> memref<10000x128xf32, #tpu.memory_space<hbm>>
    tpu.enqueue_indirect_dma source(%dma_start3A_35 : memref<10000x128xf32, #tpu.memory_space<hbm>>) target(%dma_start3A_30 : memref<40x128xf32, #tpu.memory_space<vmem>>) offsets(%dma_start3A_32 : memref<40xi32, #tpu.memory_space<vmem>>) semaphore(%arg12 : memref<!tpu.dma_semaphore, #tpu.memory_space<semaphore_mem>>)
    %dma_start3A_36 = arith.constant 4 : i32
    %dma_start3A_37 = arith.constant 0 : i32
    %dma_start3A_38 = arith.constant 0 : i32
    %dma_start3A_39 = tpu.memref_slice %arg7[%dma_start3A_36, %dma_start3A_37, %dma_start3A_38] : memref<5x40x128xf32, #tpu.memory_space<vmem>> -> memref<1x40x128xf32, #tpu.memory_space<vmem>>
    %dma_start3A_40 = tpu.memref_squeeze %dma_start3A_39 : memref<1x40x128xf32, #tpu.memory_space<vmem>> -> memref<40x128xf32, #tpu.memory_space<vmem>>
    %dma_start3A_41 = arith.constant 160 : i32
    %dma_start3A_42 = tpu.memref_slice %arg5[%dma_start3A_41] : memref<10000xi32, #tpu.memory_space<vmem>> -> memref<40xi32, #tpu.memory_space<vmem>>
    %dma_start3A_43 = arith.constant 0 : i32
    %dma_start3A_44 = arith.constant 0 : i32
    %dma_start3A_45 = tpu.memref_slice %arg2[%dma_start3A_43, %dma_start3A_44] : memref<10000x128xf32, #tpu.memory_space<hbm>> -> memref<10000x128xf32, #tpu.memory_space<hbm>>
    tpu.enqueue_indirect_dma source(%dma_start3A_45 : memref<10000x128xf32, #tpu.memory_space<hbm>>) target(%dma_start3A_40 : memref<40x128xf32, #tpu.memory_space<vmem>>) offsets(%dma_start3A_42 : memref<40xi32, #tpu.memory_space<vmem>>) semaphore(%arg13 : memref<!tpu.dma_semaphore, #tpu.memory_space<semaphore_mem>>)
    %scan3A = arith.constant 0 : i32
    %scan3A_46 = arith.constant 40 : i32
    %scan3A_47 = arith.addi %scan3A, %scan3A_46 : i32
    %scan3A_48 = arith.constant 1 : i32
    scf.for %scan3A_128 = %scan3A to %scan3A_47 step %scan3A_48  : i32 {
      %mul3A_129 = arith.constant 1 : i32
      %mul3A_130 = arith.muli %scan3A_128, %mul3A_129 : i32
      %add3A_131 = arith.constant 0 : i32
      %add3A_132 = arith.addi %add3A_131, %mul3A_130 : i32
      %scan3A_133 = arith.constant 0 : i32
      %scan3A_134 = arith.constant 8 : i32
      %scan3A_135 = arith.addi %scan3A_133, %scan3A_134 : i32
      %scan3A_136 = arith.constant 1 : i32
      scf.for %scan3A_138 = %scan3A_133 to %scan3A_135 step %scan3A_136  : i32 {
        %mul3A_139 = arith.constant 16 : i32
        %mul3A_140 = arith.muli %scan3A_138, %mul3A_139 : i32
        %add3A_141 = arith.constant 0 : i32
        %add3A_142 = arith.addi %add3A_141, %mul3A_140 : i32
        %broadcast_in_dim3A = arith.constant 0.000000e+00 : f32
        %broadcast_in_dim3A_143 = vector.broadcast %broadcast_in_dim3A : f32 to vector<16xf32>
        %swap3A = arith.constant 0 : i32
        %swap3A_144 = arith.index_cast %swap3A : i32 to index
        %swap3A_145 = arith.index_cast %add3A_132 : i32 to index
        %swap3A_146 = arith.index_cast %add3A_142 : i32 to index
        %swap3A_147 = tpu.vector_load %arg7[%swap3A_144, %swap3A_145, %swap3A_146] {strides = array<i32>} : memref<5x40x128xf32, #tpu.memory_space<vmem>>, vector<16xf32>,
        tpu.vector_store %arg7[%swap3A_144, %swap3A_145, %swap3A_146], %broadcast_in_dim3A_143 {strides = array<i32>} : memref<5x40x128xf32, #tpu.memory_space<vmem>>, vector<16xf32>,
      }
      %scan3A_137 = arith.constant 8 : i32
    }
    %scan3A_49 = arith.constant 40 : i32
    %scan3A_50 = arith.constant 0 : i32
    %scan3A_51 = arith.constant 16 : i32
    %scan3A_52 = arith.addi %scan3A_50, %scan3A_51 : i32
    %scan3A_53 = arith.constant 1 : i32
    scf.for %scan3A_128 = %scan3A_50 to %scan3A_52 step %scan3A_53  : i32 {
      %mul3A_129 = arith.constant 1 : i32
      %mul3A_130 = arith.muli %scan3A_128, %mul3A_129 : i32
      %add3A_131 = arith.constant 0 : i32
      %add3A_132 = arith.addi %add3A_131, %mul3A_130 : i32
      %mul3A_133 = arith.constant 640 : i32
      %mul3A_134 = arith.muli %arg1, %mul3A_133 : i32
      %mul3A_135 = arith.constant 40 : i32
      %mul3A_136 = arith.muli %add3A_132, %mul3A_135 : i32
      %add3A_137 = arith.addi %mul3A_134, %mul3A_136 : i32
      %run_scoped3A_138 = arith.constant 0 : i32
      "tpu.region"() ({
        %run_scoped3A_139 = tpu.sem_alloc : memref<!tpu.dma_semaphore, #tpu.memory_space<semaphore_mem>>
        %dma_start3A_140 = arith.constant 0 : i32
        %dma_start3A_141 = arith.constant 0 : i32
        %dma_start3A_142 = tpu.memref_slice %arg7[%run_scoped3A_138, %dma_start3A_140, %dma_start3A_141] : memref<5x40x128xf32, #tpu.memory_space<vmem>> -> memref<1x40x128xf32, #tpu.memory_space<vmem>>
        %dma_start3A_143 = tpu.memref_squeeze %dma_start3A_142 : memref<1x40x128xf32, #tpu.memory_space<vmem>> -> memref<40x128xf32, #tpu.memory_space<vmem>>
        %dma_start3A_144 = arith.constant 0 : i32
        %dma_start3A_145 = tpu.memref_slice %arg8[%add3A_137, %dma_start3A_144] : memref<10240x128xf32, #tpu.memory_space<vmem_shared>> -> memref<40x128xf32, #tpu.memory_space<vmem_shared>>
        %dma_start3A_146 = arith.constant 0 : i32
        %dma_start3A_147 = tpu.memref_slice %arg8[%add3A_137, %dma_start3A_146] : memref<10240x128xf32, #tpu.memory_space<vmem_shared>> -> memref<40x128xf32, #tpu.memory_space<vmem_shared>>
        %dma_start3A_148 = arith.constant 0 : i32
        %dma_start3A_149 = arith.constant 0 : i32
        %dma_start3A_150 = tpu.memref_slice %arg7[%run_scoped3A_138, %dma_start3A_148, %dma_start3A_149] : memref<5x40x128xf32, #tpu.memory_space<vmem>> -> memref<1x40x128xf32, #tpu.memory_space<vmem>>
        %dma_start3A_151 = tpu.memref_squeeze %dma_start3A_150 : memref<1x40x128xf32, #tpu.memory_space<vmem>> -> memref<40x128xf32, #tpu.memory_space<vmem>>
        tpu.enqueue_dma source(%dma_start3A_151 : memref<40x128xf32, #tpu.memory_space<vmem>>) target(%dma_start3A_147 : memref<40x128xf32, #tpu.memory_space<vmem_shared>>) target_semaphore(%run_scoped3A_139 : memref<!tpu.dma_semaphore, #tpu.memory_space<semaphore_mem>>)
        %dma_wait3A_152 = arith.constant 0 : i32
        %dma_wait3A_153 = arith.constant 0 : i32
        %dma_wait3A_154 = tpu.memref_slice %arg7[%run_scoped3A_138, %dma_wait3A_152, %dma_wait3A_153] : memref<5x40x128xf32, #tpu.memory_space<vmem>> -> memref<1x40x128xf32, #tpu.memory_space<vmem>>
        %dma_wait3A_155 = tpu.memref_squeeze %dma_wait3A_154 : memref<1x40x128xf32, #tpu.memory_space<vmem>> -> memref<40x128xf32, #tpu.memory_space<vmem>>
        %dma_wait3A_156 = arith.constant 0 : i32
        %dma_wait3A_157 = tpu.memref_slice %arg8[%add3A_137, %dma_wait3A_156] : memref<10240x128xf32, #tpu.memory_space<vmem_shared>> -> memref<40x128xf32, #tpu.memory_space<vmem_shared>>
        %dma_wait3A_158 = arith.constant 0 : i32
        %dma_wait3A_159 = tpu.memref_slice %arg8[%add3A_137, %dma_wait3A_158] : memref<10240x128xf32, #tpu.memory_space<vmem_shared>> -> memref<40x128xf32, #tpu.memory_space<vmem_shared>>
        %dma_wait3A_160 = arith.constant 0 : i32
        %dma_wait3A_161 = arith.constant 0 : i32
        %dma_wait3A_162 = tpu.memref_slice %arg7[%run_scoped3A_138, %dma_wait3A_160, %dma_wait3A_161] : memref<5x40x128xf32, #tpu.memory_space<vmem>> -> memref<1x40x128xf32, #tpu.memory_space<vmem>>
        %dma_wait3A_163 = tpu.memref_squeeze %dma_wait3A_162 : memref<1x40x128xf32, #tpu.memory_space<vmem>> -> memref<40x128xf32, #tpu.memory_space<vmem>>
        tpu.wait_dma2 semaphore(%run_scoped3A_139 : memref<!tpu.dma_semaphore, #tpu.memory_space<semaphore_mem>>) src(%dma_wait3A_163 : memref<40x128xf32, #tpu.memory_space<vmem>>) dst(%dma_wait3A_159 : memref<40x128xf32, #tpu.memory_space<vmem_shared>>)
        tpu.yield
      }) : () -> ()
    }
    %scan3A_54 = arith.constant 16 : i32
    %dma_start3A_55 = arith.constant 0 : i32
    %dma_start3A_56 = arith.constant 0 : i32
    %dma_start3A_57 = arith.constant 0 : i32
    %dma_start3A_58 = tpu.memref_slice %arg7[%dma_start3A_55, %dma_start3A_56, %dma_start3A_57] : memref<5x40x128xf32, #tpu.memory_space<vmem>> -> memref<1x40x128xf32, #tpu.memory_space<vmem>>
    %dma_start3A_59 = tpu.memref_squeeze %dma_start3A_58 : memref<1x40x128xf32, #tpu.memory_space<vmem>> -> memref<40x128xf32, #tpu.memory_space<vmem>>
    %dma_start3A_60 = arith.constant 0 : i32
    %dma_start3A_61 = tpu.memref_slice %arg5[%dma_start3A_60] : memref<10000xi32, #tpu.memory_space<vmem>> -> memref<40xi32, #tpu.memory_space<vmem>>
    %dma_start3A_62 = arith.constant 0 : i32
    %dma_start3A_63 = arith.constant 0 : i32
    %dma_start3A_64 = tpu.memref_slice %arg2[%dma_start3A_62, %dma_start3A_63] : memref<10000x128xf32, #tpu.memory_space<hbm>> -> memref<10000x128xf32, #tpu.memory_space<hbm>>
    tpu.enqueue_indirect_dma source(%dma_start3A_64 : memref<10000x128xf32, #tpu.memory_space<hbm>>) target(%dma_start3A_59 : memref<40x128xf32, #tpu.memory_space<vmem>>) offsets(%dma_start3A_61 : memref<40xi32, #tpu.memory_space<vmem>>) semaphore(%arg9 : memref<!tpu.dma_semaphore, #tpu.memory_space<semaphore_mem>>)
    %barrier3A = arith.constant 0 : index
    tpu.barrier barrier_id(%barrier3A)
    %scan3A_65 = arith.constant 0 : i32
    %scan3A_66 = arith.constant 49 : i32
    %scan3A_67 = arith.addi %scan3A_65, %scan3A_66 : i32
    %scan3A_68 = arith.constant 1 : i32
    scf.for %scan3A_128 = %scan3A_65 to %scan3A_67 step %scan3A_68  : i32 {
      %mul3A_129 = arith.constant 5 : i32
      %mul3A_130 = arith.muli %scan3A_128, %mul3A_129 : i32
      %add3A_131 = arith.constant 0 : i32
      %add3A_132 = arith.addi %add3A_131, %mul3A_130 : i32
      %add3A_133 = arith.constant 0 : i32
      %add3A_134 = arith.addi %add3A_132, %add3A_133 : i32
      %mul3A_135 = arith.constant 40 : i32
      %mul3A_136 = arith.muli %add3A_134, %mul3A_135 : i32
      %dma_wait3A_137 = arith.constant 0 : i32
      %dma_wait3A_138 = arith.constant 0 : i32
      %dma_wait3A_139 = arith.constant 0 : i32
      %dma_wait3A_140 = tpu.memref_slice %arg7[%dma_wait3A_137, %dma_wait3A_138, %dma_wait3A_139] : memref<5x40x128xf32, #tpu.memory_space<vmem>> -> memref<1x40x128xf32, #tpu.memory_space<vmem>>
      %dma_wait3A_141 = tpu.memref_squeeze %dma_wait3A_140 : memref<1x40x128xf32, #tpu.memory_space<vmem>> -> memref<40x128xf32, #tpu.memory_space<vmem>>
      %dma_wait3A_142 = tpu.memref_slice %arg5[%mul3A_136] : memref<10000xi32, #tpu.memory_space<vmem>> -> memref<40xi32, #tpu.memory_space<vmem>>
      %dma_wait3A_143 = arith.constant 0 : i32
      %dma_wait3A_144 = arith.constant 0 : i32
      %dma_wait3A_145 = tpu.memref_slice %arg2[%dma_wait3A_143, %dma_wait3A_144] : memref<10000x128xf32, #tpu.memory_space<hbm>> -> memref<10000x128xf32, #tpu.memory_space<hbm>>
      tpu.wait_indirect_dma semaphore(%arg9 : memref<!tpu.dma_semaphore, #tpu.memory_space<semaphore_mem>>) src(%dma_wait3A_145 : memref<10000x128xf32, #tpu.memory_space<hbm>>) dst(%dma_wait3A_141 : memref<40x128xf32, #tpu.memory_space<vmem>>)
      %add3A_146 = arith.constant 0 : i32
      %add3A_147 = arith.addi %add3A_132, %add3A_146 : i32
      %mul3A_148 = arith.constant 40 : i32
      %mul3A_149 = arith.muli %add3A_147, %mul3A_148 : i32
      %run_scoped3A_150 = arith.constant 0 : i32
      "tpu.region"() ({
        %run_scoped3A_298 = tpu.sem_alloc : memref<!tpu.dma_semaphore, #tpu.memory_space<semaphore_mem>>
        %dma_start3A_299 = arith.constant 0 : i32
        %dma_start3A_300 = arith.constant 0 : i32
        %dma_start3A_301 = tpu.memref_slice %arg7[%run_scoped3A_150, %dma_start3A_299, %dma_start3A_300] : memref<5x40x128xf32, #tpu.memory_space<vmem>> -> memref<1x40x128xf32, #tpu.memory_space<vmem>>
        %dma_start3A_302 = tpu.memref_squeeze %dma_start3A_301 : memref<1x40x128xf32, #tpu.memory_space<vmem>> -> memref<40x128xf32, #tpu.memory_space<vmem>>
        %dma_start3A_303 = tpu.memref_slice %arg6[%mul3A_149] : memref<10000xi32, #tpu.memory_space<vmem>> -> memref<40xi32, #tpu.memory_space<vmem>>
        %dma_start3A_304 = arith.constant 0 : i32
        %dma_start3A_305 = arith.constant 0 : i32
        %dma_start3A_306 = tpu.memref_slice %arg8[%dma_start3A_304, %dma_start3A_305] : memref<10240x128xf32, #tpu.memory_space<vmem_shared>> -> memref<10240x128xf32, #tpu.memory_space<vmem_shared>>
        tpu.enqueue_indirect_dma source(%dma_start3A_302 : memref<40x128xf32, #tpu.memory_space<vmem>>) target(%dma_start3A_306 : memref<10240x128xf32, #tpu.memory_space<vmem_shared>>) offsets(%dma_start3A_303 : memref<40xi32, #tpu.memory_space<vmem>>) semaphore(%run_scoped3A_298 : memref<!tpu.dma_semaphore, #tpu.memory_space<semaphore_mem>>) {add = true}
        %dma_wait3A_307 = arith.constant 0 : i32
        %dma_wait3A_308 = arith.constant 0 : i32
        %dma_wait3A_309 = tpu.memref_slice %arg7[%run_scoped3A_150, %dma_wait3A_307, %dma_wait3A_308] : memref<5x40x128xf32, #tpu.memory_space<vmem>> -> memref<1x40x128xf32, #tpu.memory_space<vmem>>
        %dma_wait3A_310 = tpu.memref_squeeze %dma_wait3A_309 : memref<1x40x128xf32, #tpu.memory_space<vmem>> -> memref<40x128xf32, #tpu.memory_space<vmem>>
        %dma_wait3A_311 = tpu.memref_slice %arg6[%mul3A_149] : memref<10000xi32, #tpu.memory_space<vmem>> -> memref<40xi32, #tpu.memory_space<vmem>>
        %dma_wait3A_312 = arith.constant 0 : i32
        %dma_wait3A_313 = arith.constant 0 : i32
        %dma_wait3A_314 = tpu.memref_slice %arg8[%dma_wait3A_312, %dma_wait3A_313] : memref<10240x128xf32, #tpu.memory_space<vmem_shared>> -> memref<10240x128xf32, #tpu.memory_space<vmem_shared>>
        tpu.wait_indirect_dma semaphore(%run_scoped3A_298 : memref<!tpu.dma_semaphore, #tpu.memory_space<semaphore_mem>>) src(%dma_wait3A_310 : memref<40x128xf32, #tpu.memory_space<vmem>>) dst(%dma_wait3A_314 : memref<10240x128xf32, #tpu.memory_space<vmem_shared>>)
        tpu.yield
      }) : () -> ()
      %add3A_151 = arith.constant 0 : i32
      %add3A_152 = arith.addi %add3A_132, %add3A_151 : i32
      %add3A_153 = arith.constant 5 : i32
      %add3A_154 = arith.addi %add3A_152, %add3A_153 : i32
      %mul3A_155 = arith.constant 40 : i32
      %mul3A_156 = arith.muli %add3A_154, %mul3A_155 : i32
      %dma_start3A_157 = arith.constant 0 : i32
      %dma_start3A_158 = arith.constant 0 : i32
      %dma_start3A_159 = arith.constant 0 : i32
      %dma_start3A_160 = tpu.memref_slice %arg7[%dma_start3A_157, %dma_start3A_158, %dma_start3A_159] : memref<5x40x128xf32, #tpu.memory_space<vmem>> -> memref<1x40x128xf32, #tpu.memory_space<vmem>>
      %dma_start3A_161 = tpu.memref_squeeze %dma_start3A_160 : memref<1x40x128xf32, #tpu.memory_space<vmem>> -> memref<40x128xf32, #tpu.memory_space<vmem>>
      %dma_start3A_162 = tpu.memref_slice %arg5[%mul3A_156] : memref<10000xi32, #tpu.memory_space<vmem>> -> memref<40xi32, #tpu.memory_space<vmem>>
      %dma_start3A_163 = arith.constant 0 : i32
      %dma_start3A_164 = arith.constant 0 : i32
      %dma_start3A_165 = tpu.memref_slice %arg2[%dma_start3A_163, %dma_start3A_164] : memref<10000x128xf32, #tpu.memory_space<hbm>> -> memref<10000x128xf32, #tpu.memory_space<hbm>>
      tpu.enqueue_indirect_dma source(%dma_start3A_165 : memref<10000x128xf32, #tpu.memory_space<hbm>>) target(%dma_start3A_161 : memref<40x128xf32, #tpu.memory_space<vmem>>) offsets(%dma_start3A_162 : memref<40xi32, #tpu.memory_space<vmem>>) semaphore(%arg9 : memref<!tpu.dma_semaphore, #tpu.memory_space<semaphore_mem>>)
      %add3A_166 = arith.constant 1 : i32
      %add3A_167 = arith.addi %add3A_132, %add3A_166 : i32
      %mul3A_168 = arith.constant 40 : i32
      %mul3A_169 = arith.muli %add3A_167, %mul3A_168 : i32
      %dma_wait3A_170 = arith.constant 1 : i32
      %dma_wait3A_171 = arith.constant 0 : i32
      %dma_wait3A_172 = arith.constant 0 : i32
      %dma_wait3A_173 = tpu.memref_slice %arg7[%dma_wait3A_170, %dma_wait3A_171, %dma_wait3A_172] : memref<5x40x128xf32, #tpu.memory_space<vmem>> -> memref<1x40x128xf32, #tpu.memory_space<vmem>>
      %dma_wait3A_174 = tpu.memref_squeeze %dma_wait3A_173 : memref<1x40x128xf32, #tpu.memory_space<vmem>> -> memref<40x128xf32, #tpu.memory_space<vmem>>
      %dma_wait3A_175 = tpu.memref_slice %arg5[%mul3A_169] : memref<10000xi32, #tpu.memory_space<vmem>> -> memref<40xi32, #tpu.memory_space<vmem>>
      %dma_wait3A_176 = arith.constant 0 : i32
      %dma_wait3A_177 = arith.constant 0 : i32
      %dma_wait3A_178 = tpu.memref_slice %arg2[%dma_wait3A_176, %dma_wait3A_177] : memref<10000x128xf32, #tpu.memory_space<hbm>> -> memref<10000x128xf32, #tpu.memory_space<hbm>>
      tpu.wait_indirect_dma semaphore(%arg10 : memref<!tpu.dma_semaphore, #tpu.memory_space<semaphore_mem>>) src(%dma_wait3A_178 : memref<10000x128xf32, #tpu.memory_space<hbm>>) dst(%dma_wait3A_174 : memref<40x128xf32, #tpu.memory_space<vmem>>)
      %add3A_179 = arith.constant 1 : i32
      %add3A_180 = arith.addi %add3A_132, %add3A_179 : i32
      %mul3A_181 = arith.constant 40 : i32
      %mul3A_182 = arith.muli %add3A_180, %mul3A_181 : i32
      %run_scoped3A_183 = arith.constant 1 : i32
      "tpu.region"() ({
        %run_scoped3A_298 = tpu.sem_alloc : memref<!tpu.dma_semaphore, #tpu.memory_space<semaphore_mem>>
        %dma_start3A_299 = arith.constant 0 : i32
        %dma_start3A_300 = arith.constant 0 : i32
        %dma_start3A_301 = tpu.memref_slice %arg7[%run_scoped3A_183, %dma_start3A_299, %dma_start3A_300] : memref<5x40x128xf32, #tpu.memory_space<vmem>> -> memref<1x40x128xf32, #tpu.memory_space<vmem>>
        %dma_start3A_302 = tpu.memref_squeeze %dma_start3A_301 : memref<1x40x128xf32, #tpu.memory_space<vmem>> -> memref<40x128xf32, #tpu.memory_space<vmem>>
        %dma_start3A_303 = tpu.memref_slice %arg6[%mul3A_182] : memref<10000xi32, #tpu.memory_space<vmem>> -> memref<40xi32, #tpu.memory_space<vmem>>
        %dma_start3A_304 = arith.constant 0 : i32
        %dma_start3A_305 = arith.constant 0 : i32
        %dma_start3A_306 = tpu.memref_slice %arg8[%dma_start3A_304, %dma_start3A_305] : memref<10240x128xf32, #tpu.memory_space<vmem_shared>> -> memref<10240x128xf32, #tpu.memory_space<vmem_shared>>
        tpu.enqueue_indirect_dma source(%dma_start3A_302 : memref<40x128xf32, #tpu.memory_space<vmem>>) target(%dma_start3A_306 : memref<10240x128xf32, #tpu.memory_space<vmem_shared>>) offsets(%dma_start3A_303 : memref<40xi32, #tpu.memory_space<vmem>>) semaphore(%run_scoped3A_298 : memref<!tpu.dma_semaphore, #tpu.memory_space<semaphore_mem>>) {add = true}
        %dma_wait3A_307 = arith.constant 0 : i32
        %dma_wait3A_308 = arith.constant 0 : i32
        %dma_wait3A_309 = tpu.memref_slice %arg7[%run_scoped3A_183, %dma_wait3A_307, %dma_wait3A_308] : memref<5x40x128xf32, #tpu.memory_space<vmem>> -> memref<1x40x128xf32, #tpu.memory_space<vmem>>
        %dma_wait3A_310 = tpu.memref_squeeze %dma_wait3A_309 : memref<1x40x128xf32, #tpu.memory_space<vmem>> -> memref<40x128xf32, #tpu.memory_space<vmem>>
        %dma_wait3A_311 = tpu.memref_slice %arg6[%mul3A_182] : memref<10000xi32, #tpu.memory_space<vmem>> -> memref<40xi32, #tpu.memory_space<vmem>>
        %dma_wait3A_312 = arith.constant 0 : i32
        %dma_wait3A_313 = arith.constant 0 : i32
        %dma_wait3A_314 = tpu.memref_slice %arg8[%dma_wait3A_312, %dma_wait3A_313] : memref<10240x128xf32, #tpu.memory_space<vmem_shared>> -> memref<10240x128xf32, #tpu.memory_space<vmem_shared>>
        tpu.wait_indirect_dma semaphore(%run_scoped3A_298 : memref<!tpu.dma_semaphore, #tpu.memory_space<semaphore_mem>>) src(%dma_wait3A_310 : memref<40x128xf32, #tpu.memory_space<vmem>>) dst(%dma_wait3A_314 : memref<10240x128xf32, #tpu.memory_space<vmem_shared>>)
        tpu.yield
      }) : () -> ()
      %add3A_184 = arith.constant 1 : i32
      %add3A_185 = arith.addi %add3A_132, %add3A_184 : i32
      %add3A_186 = arith.constant 5 : i32
      %add3A_187 = arith.addi %add3A_185, %add3A_186 : i32
      %mul3A_188 = arith.constant 40 : i32
      %mul3A_189 = arith.muli %add3A_187, %mul3A_188 : i32
      %dma_start3A_190 = arith.constant 1 : i32
      %dma_start3A_191 = arith.constant 0 : i32
      %dma_start3A_192 = arith.constant 0 : i32
      %dma_start3A_193 = tpu.memref_slice %arg7[%dma_start3A_190, %dma_start3A_191, %dma_start3A_192] : memref<5x40x128xf32, #tpu.memory_space<vmem>> -> memref<1x40x128xf32, #tpu.memory_space<vmem>>
      %dma_start3A_194 = tpu.memref_squeeze %dma_start3A_193 : memref<1x40x128xf32, #tpu.memory_space<vmem>> -> memref<40x128xf32, #tpu.memory_space<vmem>>
      %dma_start3A_195 = tpu.memref_slice %arg5[%mul3A_189] : memref<10000xi32, #tpu.memory_space<vmem>> -> memref<40xi32, #tpu.memory_space<vmem>>
      %dma_start3A_196 = arith.constant 0 : i32
      %dma_start3A_197 = arith.constant 0 : i32
      %dma_start3A_198 = tpu.memref_slice %arg2[%dma_start3A_196, %dma_start3A_197] : memref<10000x128xf32, #tpu.memory_space<hbm>> -> memref<10000x128xf32, #tpu.memory_space<hbm>>
      tpu.enqueue_indirect_dma source(%dma_start3A_198 : memref<10000x128xf32, #tpu.memory_space<hbm>>) target(%dma_start3A_194 : memref<40x128xf32, #tpu.memory_space<vmem>>) offsets(%dma_start3A_195 : memref<40xi32, #tpu.memory_space<vmem>>) semaphore(%arg10 : memref<!tpu.dma_semaphore, #tpu.memory_space<semaphore_mem>>)
      %add3A_199 = arith.constant 2 : i32
      %add3A_200 = arith.addi %add3A_132, %add3A_199 : i32
      %mul3A_201 = arith.constant 40 : i32
      %mul3A_202 = arith.muli %add3A_200, %mul3A_201 : i32
      %dma_wait3A_203 = arith.constant 2 : i32
      %dma_wait3A_204 = arith.constant 0 : i32
      %dma_wait3A_205 = arith.constant 0 : i32
      %dma_wait3A_206 = tpu.memref_slice %arg7[%dma_wait3A_203, %dma_wait3A_204, %dma_wait3A_205] : memref<5x40x128xf32, #tpu.memory_space<vmem>> -> memref<1x40x128xf32, #tpu.memory_space<vmem>>
      %dma_wait3A_207 = tpu.memref_squeeze %dma_wait3A_206 : memref<1x40x128xf32, #tpu.memory_space<vmem>> -> memref<40x128xf32, #tpu.memory_space<vmem>>
      %dma_wait3A_208 = tpu.memref_slice %arg5[%mul3A_202] : memref<10000xi32, #tpu.memory_space<vmem>> -> memref<40xi32, #tpu.memory_space<vmem>>
      %dma_wait3A_209 = arith.constant 0 : i32
      %dma_wait3A_210 = arith.constant 0 : i32
      %dma_wait3A_211 = tpu.memref_slice %arg2[%dma_wait3A_209, %dma_wait3A_210] : memref<10000x128xf32, #tpu.memory_space<hbm>> -> memref<10000x128xf32, #tpu.memory_space<hbm>>
      tpu.wait_indirect_dma semaphore(%arg11 : memref<!tpu.dma_semaphore, #tpu.memory_space<semaphore_mem>>) src(%dma_wait3A_211 : memref<10000x128xf32, #tpu.memory_space<hbm>>) dst(%dma_wait3A_207 : memref<40x128xf32, #tpu.memory_space<vmem>>)
      %add3A_212 = arith.constant 2 : i32
      %add3A_213 = arith.addi %add3A_132, %add3A_212 : i32
      %mul3A_214 = arith.constant 40 : i32
      %mul3A_215 = arith.muli %add3A_213, %mul3A_214 : i32
      %run_scoped3A_216 = arith.constant 2 : i32
      "tpu.region"() ({
        %run_scoped3A_298 = tpu.sem_alloc : memref<!tpu.dma_semaphore, #tpu.memory_space<semaphore_mem>>
        %dma_start3A_299 = arith.constant 0 : i32
        %dma_start3A_300 = arith.constant 0 : i32
        %dma_start3A_301 = tpu.memref_slice %arg7[%run_scoped3A_216, %dma_start3A_299, %dma_start3A_300] : memref<5x40x128xf32, #tpu.memory_space<vmem>> -> memref<1x40x128xf32, #tpu.memory_space<vmem>>
        %dma_start3A_302 = tpu.memref_squeeze %dma_start3A_301 : memref<1x40x128xf32, #tpu.memory_space<vmem>> -> memref<40x128xf32, #tpu.memory_space<vmem>>
        %dma_start3A_303 = tpu.memref_slice %arg6[%mul3A_215] : memref<10000xi32, #tpu.memory_space<vmem>> -> memref<40xi32, #tpu.memory_space<vmem>>
        %dma_start3A_304 = arith.constant 0 : i32
        %dma_start3A_305 = arith.constant 0 : i32
        %dma_start3A_306 = tpu.memref_slice %arg8[%dma_start3A_304, %dma_start3A_305] : memref<10240x128xf32, #tpu.memory_space<vmem_shared>> -> memref<10240x128xf32, #tpu.memory_space<vmem_shared>>
        tpu.enqueue_indirect_dma source(%dma_start3A_302 : memref<40x128xf32, #tpu.memory_space<vmem>>) target(%dma_start3A_306 : memref<10240x128xf32, #tpu.memory_space<vmem_shared>>) offsets(%dma_start3A_303 : memref<40xi32, #tpu.memory_space<vmem>>) semaphore(%run_scoped3A_298 : memref<!tpu.dma_semaphore, #tpu.memory_space<semaphore_mem>>) {add = true}
        %dma_wait3A_307 = arith.constant 0 : i32
        %dma_wait3A_308 = arith.constant 0 : i32
        %dma_wait3A_309 = tpu.memref_slice %arg7[%run_scoped3A_216, %dma_wait3A_307, %dma_wait3A_308] : memref<5x40x128xf32, #tpu.memory_space<vmem>> -> memref<1x40x128xf32, #tpu.memory_space<vmem>>
        %dma_wait3A_310 = tpu.memref_squeeze %dma_wait3A_309 : memref<1x40x128xf32, #tpu.memory_space<vmem>> -> memref<40x128xf32, #tpu.memory_space<vmem>>
        %dma_wait3A_311 = tpu.memref_slice %arg6[%mul3A_215] : memref<10000xi32, #tpu.memory_space<vmem>> -> memref<40xi32, #tpu.memory_space<vmem>>
        %dma_wait3A_312 = arith.constant 0 : i32
        %dma_wait3A_313 = arith.constant 0 : i32
        %dma_wait3A_314 = tpu.memref_slice %arg8[%dma_wait3A_312, %dma_wait3A_313] : memref<10240x128xf32, #tpu.memory_space<vmem_shared>> -> memref<10240x128xf32, #tpu.memory_space<vmem_shared>>
        tpu.wait_indirect_dma semaphore(%run_scoped3A_298 : memref<!tpu.dma_semaphore, #tpu.memory_space<semaphore_mem>>) src(%dma_wait3A_310 : memref<40x128xf32, #tpu.memory_space<vmem>>) dst(%dma_wait3A_314 : memref<10240x128xf32, #tpu.memory_space<vmem_shared>>)
        tpu.yield
      }) : () -> ()
      %add3A_217 = arith.constant 2 : i32
      %add3A_218 = arith.addi %add3A_132, %add3A_217 : i32
      %add3A_219 = arith.constant 5 : i32
      %add3A_220 = arith.addi %add3A_218, %add3A_219 : i32
      %mul3A_221 = arith.constant 40 : i32
      %mul3A_222 = arith.muli %add3A_220, %mul3A_221 : i32
      %dma_start3A_223 = arith.constant 2 : i32
      %dma_start3A_224 = arith.constant 0 : i32
      %dma_start3A_225 = arith.constant 0 : i32
      %dma_start3A_226 = tpu.memref_slice %arg7[%dma_start3A_223, %dma_start3A_224, %dma_start3A_225] : memref<5x40x128xf32, #tpu.memory_space<vmem>> -> memref<1x40x128xf32, #tpu.memory_space<vmem>>
      %dma_start3A_227 = tpu.memref_squeeze %dma_start3A_226 : memref<1x40x128xf32, #tpu.memory_space<vmem>> -> memref<40x128xf32, #tpu.memory_space<vmem>>
      %dma_start3A_228 = tpu.memref_slice %arg5[%mul3A_222] : memref<10000xi32, #tpu.memory_space<vmem>> -> memref<40xi32, #tpu.memory_space<vmem>>
      %dma_start3A_229 = arith.constant 0 : i32
      %dma_start3A_230 = arith.constant 0 : i32
      %dma_start3A_231 = tpu.memref_slice %arg2[%dma_start3A_229, %dma_start3A_230] : memref<10000x128xf32, #tpu.memory_space<hbm>> -> memref<10000x128xf32, #tpu.memory_space<hbm>>
      tpu.enqueue_indirect_dma source(%dma_start3A_231 : memref<10000x128xf32, #tpu.memory_space<hbm>>) target(%dma_start3A_227 : memref<40x128xf32, #tpu.memory_space<vmem>>) offsets(%dma_start3A_228 : memref<40xi32, #tpu.memory_space<vmem>>) semaphore(%arg11 : memref<!tpu.dma_semaphore, #tpu.memory_space<semaphore_mem>>)
      %add3A_232 = arith.constant 3 : i32
      %add3A_233 = arith.addi %add3A_132, %add3A_232 : i32
      %mul3A_234 = arith.constant 40 : i32
      %mul3A_235 = arith.muli %add3A_233, %mul3A_234 : i32
      %dma_wait3A_236 = arith.constant 3 : i32
      %dma_wait3A_237 = arith.constant 0 : i32
      %dma_wait3A_238 = arith.constant 0 : i32
      %dma_wait3A_239 = tpu.memref_slice %arg7[%dma_wait3A_236, %dma_wait3A_237, %dma_wait3A_238] : memref<5x40x128xf32, #tpu.memory_space<vmem>> -> memref<1x40x128xf32, #tpu.memory_space<vmem>>
      %dma_wait3A_240 = tpu.memref_squeeze %dma_wait3A_239 : memref<1x40x128xf32, #tpu.memory_space<vmem>> -> memref<40x128xf32, #tpu.memory_space<vmem>>
      %dma_wait3A_241 = tpu.memref_slice %arg5[%mul3A_235] : memref<10000xi32, #tpu.memory_space<vmem>> -> memref<40xi32, #tpu.memory_space<vmem>>
      %dma_wait3A_242 = arith.constant 0 : i32
      %dma_wait3A_243 = arith.constant 0 : i32
      %dma_wait3A_244 = tpu.memref_slice %arg2[%dma_wait3A_242, %dma_wait3A_243] : memref<10000x128xf32, #tpu.memory_space<hbm>> -> memref<10000x128xf32, #tpu.memory_space<hbm>>
      tpu.wait_indirect_dma semaphore(%arg12 : memref<!tpu.dma_semaphore, #tpu.memory_space<semaphore_mem>>) src(%dma_wait3A_244 : memref<10000x128xf32, #tpu.memory_space<hbm>>) dst(%dma_wait3A_240 : memref<40x128xf32, #tpu.memory_space<vmem>>)
      %add3A_245 = arith.constant 3 : i32
      %add3A_246 = arith.addi %add3A_132, %add3A_245 : i32
      %mul3A_247 = arith.constant 40 : i32
      %mul3A_248 = arith.muli %add3A_246, %mul3A_247 : i32
      %run_scoped3A_249 = arith.constant 3 : i32
      "tpu.region"() ({
        %run_scoped3A_298 = tpu.sem_alloc : memref<!tpu.dma_semaphore, #tpu.memory_space<semaphore_mem>>
        %dma_start3A_299 = arith.constant 0 : i32
        %dma_start3A_300 = arith.constant 0 : i32
        %dma_start3A_301 = tpu.memref_slice %arg7[%run_scoped3A_249, %dma_start3A_299, %dma_start3A_300] : memref<5x40x128xf32, #tpu.memory_space<vmem>> -> memref<1x40x128xf32, #tpu.memory_space<vmem>>
        %dma_start3A_302 = tpu.memref_squeeze %dma_start3A_301 : memref<1x40x128xf32, #tpu.memory_space<vmem>> -> memref<40x128xf32, #tpu.memory_space<vmem>>
        %dma_start3A_303 = tpu.memref_slice %arg6[%mul3A_248] : memref<10000xi32, #tpu.memory_space<vmem>> -> memref<40xi32, #tpu.memory_space<vmem>>
        %dma_start3A_304 = arith.constant 0 : i32
        %dma_start3A_305 = arith.constant 0 : i32
        %dma_start3A_306 = tpu.memref_slice %arg8[%dma_start3A_304, %dma_start3A_305] : memref<10240x128xf32, #tpu.memory_space<vmem_shared>> -> memref<10240x128xf32, #tpu.memory_space<vmem_shared>>
        tpu.enqueue_indirect_dma source(%dma_start3A_302 : memref<40x128xf32, #tpu.memory_space<vmem>>) target(%dma_start3A_306 : memref<10240x128xf32, #tpu.memory_space<vmem_shared>>) offsets(%dma_start3A_303 : memref<40xi32, #tpu.memory_space<vmem>>) semaphore(%run_scoped3A_298 : memref<!tpu.dma_semaphore, #tpu.memory_space<semaphore_mem>>) {add = true}
        %dma_wait3A_307 = arith.constant 0 : i32
        %dma_wait3A_308 = arith.constant 0 : i32
        %dma_wait3A_309 = tpu.memref_slice %arg7[%run_scoped3A_249, %dma_wait3A_307, %dma_wait3A_308] : memref<5x40x128xf32, #tpu.memory_space<vmem>> -> memref<1x40x128xf32, #tpu.memory_space<vmem>>
        %dma_wait3A_310 = tpu.memref_squeeze %dma_wait3A_309 : memref<1x40x128xf32, #tpu.memory_space<vmem>> -> memref<40x128xf32, #tpu.memory_space<vmem>>
        %dma_wait3A_311 = tpu.memref_slice %arg6[%mul3A_248] : memref<10000xi32, #tpu.memory_space<vmem>> -> memref<40xi32, #tpu.memory_space<vmem>>
        %dma_wait3A_312 = arith.constant 0 : i32
        %dma_wait3A_313 = arith.constant 0 : i32
        %dma_wait3A_314 = tpu.memref_slice %arg8[%dma_wait3A_312, %dma_wait3A_313] : memref<10240x128xf32, #tpu.memory_space<vmem_shared>> -> memref<10240x128xf32, #tpu.memory_space<vmem_shared>>
        tpu.wait_indirect_dma semaphore(%run_scoped3A_298 : memref<!tpu.dma_semaphore, #tpu.memory_space<semaphore_mem>>) src(%dma_wait3A_310 : memref<40x128xf32, #tpu.memory_space<vmem>>) dst(%dma_wait3A_314 : memref<10240x128xf32, #tpu.memory_space<vmem_shared>>)
        tpu.yield
      }) : () -> ()
      %add3A_250 = arith.constant 3 : i32
      %add3A_251 = arith.addi %add3A_132, %add3A_250 : i32
      %add3A_252 = arith.constant 5 : i32
      %add3A_253 = arith.addi %add3A_251, %add3A_252 : i32
      %mul3A_254 = arith.constant 40 : i32
      %mul3A_255 = arith.muli %add3A_253, %mul3A_254 : i32
      %dma_start3A_256 = arith.constant 3 : i32
      %dma_start3A_257 = arith.constant 0 : i32
      %dma_start3A_258 = arith.constant 0 : i32
      %dma_start3A_259 = tpu.memref_slice %arg7[%dma_start3A_256, %dma_start3A_257, %dma_start3A_258] : memref<5x40x128xf32, #tpu.memory_space<vmem>> -> memref<1x40x128xf32, #tpu.memory_space<vmem>>
      %dma_start3A_260 = tpu.memref_squeeze %dma_start3A_259 : memref<1x40x128xf32, #tpu.memory_space<vmem>> -> memref<40x128xf32, #tpu.memory_space<vmem>>
      %dma_start3A_261 = tpu.memref_slice %arg5[%mul3A_255] : memref<10000xi32, #tpu.memory_space<vmem>> -> memref<40xi32, #tpu.memory_space<vmem>>
      %dma_start3A_262 = arith.constant 0 : i32
      %dma_start3A_263 = arith.constant 0 : i32
      %dma_start3A_264 = tpu.memref_slice %arg2[%dma_start3A_262, %dma_start3A_263] : memref<10000x128xf32, #tpu.memory_space<hbm>> -> memref<10000x128xf32, #tpu.memory_space<hbm>>
      tpu.enqueue_indirect_dma source(%dma_start3A_264 : memref<10000x128xf32, #tpu.memory_space<hbm>>) target(%dma_start3A_260 : memref<40x128xf32, #tpu.memory_space<vmem>>) offsets(%dma_start3A_261 : memref<40xi32, #tpu.memory_space<vmem>>) semaphore(%arg12 : memref<!tpu.dma_semaphore, #tpu.memory_space<semaphore_mem>>)
      %add3A_265 = arith.constant 4 : i32
      %add3A_266 = arith.addi %add3A_132, %add3A_265 : i32
      %mul3A_267 = arith.constant 40 : i32
      %mul3A_268 = arith.muli %add3A_266, %mul3A_267 : i32
      %dma_wait3A_269 = arith.constant 4 : i32
      %dma_wait3A_270 = arith.constant 0 : i32
      %dma_wait3A_271 = arith.constant 0 : i32
      %dma_wait3A_272 = tpu.memref_slice %arg7[%dma_wait3A_269, %dma_wait3A_270, %dma_wait3A_271] : memref<5x40x128xf32, #tpu.memory_space<vmem>> -> memref<1x40x128xf32, #tpu.memory_space<vmem>>
      %dma_wait3A_273 = tpu.memref_squeeze %dma_wait3A_272 : memref<1x40x128xf32, #tpu.memory_space<vmem>> -> memref<40x128xf32, #tpu.memory_space<vmem>>
      %dma_wait3A_274 = tpu.memref_slice %arg5[%mul3A_268] : memref<10000xi32, #tpu.memory_space<vmem>> -> memref<40xi32, #tpu.memory_space<vmem>>
      %dma_wait3A_275 = arith.constant 0 : i32
      %dma_wait3A_276 = arith.constant 0 : i32
      %dma_wait3A_277 = tpu.memref_slice %arg2[%dma_wait3A_275, %dma_wait3A_276] : memref<10000x128xf32, #tpu.memory_space<hbm>> -> memref<10000x128xf32, #tpu.memory_space<hbm>>
      tpu.wait_indirect_dma semaphore(%arg13 : memref<!tpu.dma_semaphore, #tpu.memory_space<semaphore_mem>>) src(%dma_wait3A_277 : memref<10000x128xf32, #tpu.memory_space<hbm>>) dst(%dma_wait3A_273 : memref<40x128xf32, #tpu.memory_space<vmem>>)
      %add3A_278 = arith.constant 4 : i32
      %add3A_279 = arith.addi %add3A_132, %add3A_278 : i32
      %mul3A_280 = arith.constant 40 : i32
      %mul3A_281 = arith.muli %add3A_279, %mul3A_280 : i32
      %run_scoped3A_282 = arith.constant 4 : i32
      "tpu.region"() ({
        %run_scoped3A_298 = tpu.sem_alloc : memref<!tpu.dma_semaphore, #tpu.memory_space<semaphore_mem>>
        %dma_start3A_299 = arith.constant 0 : i32
        %dma_start3A_300 = arith.constant 0 : i32
        %dma_start3A_301 = tpu.memref_slice %arg7[%run_scoped3A_282, %dma_start3A_299, %dma_start3A_300] : memref<5x40x128xf32, #tpu.memory_space<vmem>> -> memref<1x40x128xf32, #tpu.memory_space<vmem>>
        %dma_start3A_302 = tpu.memref_squeeze %dma_start3A_301 : memref<1x40x128xf32, #tpu.memory_space<vmem>> -> memref<40x128xf32, #tpu.memory_space<vmem>>
        %dma_start3A_303 = tpu.memref_slice %arg6[%mul3A_281] : memref<10000xi32, #tpu.memory_space<vmem>> -> memref<40xi32, #tpu.memory_space<vmem>>
        %dma_start3A_304 = arith.constant 0 : i32
        %dma_start3A_305 = arith.constant 0 : i32
        %dma_start3A_306 = tpu.memref_slice %arg8[%dma_start3A_304, %dma_start3A_305] : memref<10240x128xf32, #tpu.memory_space<vmem_shared>> -> memref<10240x128xf32, #tpu.memory_space<vmem_shared>>
        tpu.enqueue_indirect_dma source(%dma_start3A_302 : memref<40x128xf32, #tpu.memory_space<vmem>>) target(%dma_start3A_306 : memref<10240x128xf32, #tpu.memory_space<vmem_shared>>) offsets(%dma_start3A_303 : memref<40xi32, #tpu.memory_space<vmem>>) semaphore(%run_scoped3A_298 : memref<!tpu.dma_semaphore, #tpu.memory_space<semaphore_mem>>) {add = true}
        %dma_wait3A_307 = arith.constant 0 : i32
        %dma_wait3A_308 = arith.constant 0 : i32
        %dma_wait3A_309 = tpu.memref_slice %arg7[%run_scoped3A_282, %dma_wait3A_307, %dma_wait3A_308] : memref<5x40x128xf32, #tpu.memory_space<vmem>> -> memref<1x40x128xf32, #tpu.memory_space<vmem>>
        %dma_wait3A_310 = tpu.memref_squeeze %dma_wait3A_309 : memref<1x40x128xf32, #tpu.memory_space<vmem>> -> memref<40x128xf32, #tpu.memory_space<vmem>>
        %dma_wait3A_311 = tpu.memref_slice %arg6[%mul3A_281] : memref<10000xi32, #tpu.memory_space<vmem>> -> memref<40xi32, #tpu.memory_space<vmem>>
        %dma_wait3A_312 = arith.constant 0 : i32
        %dma_wait3A_313 = arith.constant 0 : i32
        %dma_wait3A_314 = tpu.memref_slice %arg8[%dma_wait3A_312, %dma_wait3A_313] : memref<10240x128xf32, #tpu.memory_space<vmem_shared>> -> memref<10240x128xf32, #tpu.memory_space<vmem_shared>>
        tpu.wait_indirect_dma semaphore(%run_scoped3A_298 : memref<!tpu.dma_semaphore, #tpu.memory_space<semaphore_mem>>) src(%dma_wait3A_310 : memref<40x128xf32, #tpu.memory_space<vmem>>) dst(%dma_wait3A_314 : memref<10240x128xf32, #tpu.memory_space<vmem_shared>>)
        tpu.yield
      }) : () -> ()
      %add3A_283 = arith.constant 4 : i32
      %add3A_284 = arith.addi %add3A_132, %add3A_283 : i32
      %add3A_285 = arith.constant 5 : i32
      %add3A_286 = arith.addi %add3A_284, %add3A_285 : i32
      %mul3A_287 = arith.constant 40 : i32
      %mul3A_288 = arith.muli %add3A_286, %mul3A_287 : i32
      %dma_start3A_289 = arith.constant 4 : i32
      %dma_start3A_290 = arith.constant 0 : i32
      %dma_start3A_291 = arith.constant 0 : i32
      %dma_start3A_292 = tpu.memref_slice %arg7[%dma_start3A_289, %dma_start3A_290, %dma_start3A_291] : memref<5x40x128xf32, #tpu.memory_space<vmem>> -> memref<1x40x128xf32, #tpu.memory_space<vmem>>
      %dma_start3A_293 = tpu.memref_squeeze %dma_start3A_292 : memref<1x40x128xf32, #tpu.memory_space<vmem>> -> memref<40x128xf32, #tpu.memory_space<vmem>>
      %dma_start3A_294 = tpu.memref_slice %arg5[%mul3A_288] : memref<10000xi32, #tpu.memory_space<vmem>> -> memref<40xi32, #tpu.memory_space<vmem>>
      %dma_start3A_295 = arith.constant 0 : i32
      %dma_start3A_296 = arith.constant 0 : i32
      %dma_start3A_297 = tpu.memref_slice %arg2[%dma_start3A_295, %dma_start3A_296] : memref<10000x128xf32, #tpu.memory_space<hbm>> -> memref<10000x128xf32, #tpu.memory_space<hbm>>
      tpu.enqueue_indirect_dma source(%dma_start3A_297 : memref<10000x128xf32, #tpu.memory_space<hbm>>) target(%dma_start3A_293 : memref<40x128xf32, #tpu.memory_space<vmem>>) offsets(%dma_start3A_294 : memref<40xi32, #tpu.memory_space<vmem>>) semaphore(%arg13 : memref<!tpu.dma_semaphore, #tpu.memory_space<semaphore_mem>>)
    }
    %scan3A_69 = arith.constant 49 : i32
    %dma_wait3A = arith.constant 0 : i32
    %dma_wait3A_70 = arith.constant 0 : i32
    %dma_wait3A_71 = arith.constant 0 : i32
    %dma_wait3A_72 = tpu.memref_slice %arg7[%dma_wait3A, %dma_wait3A_70, %dma_wait3A_71] : memref<5x40x128xf32, #tpu.memory_space<vmem>> -> memref<1x40x128xf32, #tpu.memory_space<vmem>>
    %dma_wait3A_73 = tpu.memref_squeeze %dma_wait3A_72 : memref<1x40x128xf32, #tpu.memory_space<vmem>> -> memref<40x128xf32, #tpu.memory_space<vmem>>
    %dma_wait3A_74 = arith.constant 9800 : i32
    %dma_wait3A_75 = tpu.memref_slice %arg5[%dma_wait3A_74] : memref<10000xi32, #tpu.memory_space<vmem>> -> memref<40xi32, #tpu.memory_space<vmem>>
    %dma_wait3A_76 = arith.constant 0 : i32
    %dma_wait3A_77 = arith.constant 0 : i32
    %dma_wait3A_78 = tpu.memref_slice %arg2[%dma_wait3A_76, %dma_wait3A_77] : memref<10000x128xf32, #tpu.memory_space<hbm>> -> memref<10000x128xf32, #tpu.memory_space<hbm>>
    tpu.wait_indirect_dma semaphore(%arg9 : memref<!tpu.dma_semaphore, #tpu.memory_space<semaphore_mem>>) src(%dma_wait3A_78 : memref<10000x128xf32, #tpu.memory_space<hbm>>) dst(%dma_wait3A_73 : memref<40x128xf32, #tpu.memory_space<vmem>>)
    %run_scoped3A = arith.constant 0 : i32
    "tpu.region"() ({
      %run_scoped3A_128 = tpu.sem_alloc : memref<!tpu.dma_semaphore, #tpu.memory_space<semaphore_mem>>
      %dma_start3A_129 = arith.constant 0 : i32
      %dma_start3A_130 = arith.constant 0 : i32
      %dma_start3A_131 = tpu.memref_slice %arg7[%run_scoped3A, %dma_start3A_129, %dma_start3A_130] : memref<5x40x128xf32, #tpu.memory_space<vmem>> -> memref<1x40x128xf32, #tpu.memory_space<vmem>>
      %dma_start3A_132 = tpu.memref_squeeze %dma_start3A_131 : memref<1x40x128xf32, #tpu.memory_space<vmem>> -> memref<40x128xf32, #tpu.memory_space<vmem>>
      %dma_start3A_133 = arith.constant 9800 : i32
      %dma_start3A_134 = tpu.memref_slice %arg6[%dma_start3A_133] : memref<10000xi32, #tpu.memory_space<vmem>> -> memref<40xi32, #tpu.memory_space<vmem>>
      %dma_start3A_135 = arith.constant 0 : i32
      %dma_start3A_136 = arith.constant 0 : i32
      %dma_start3A_137 = tpu.memref_slice %arg8[%dma_start3A_135, %dma_start3A_136] : memref<10240x128xf32, #tpu.memory_space<vmem_shared>> -> memref<10240x128xf32, #tpu.memory_space<vmem_shared>>
      tpu.enqueue_indirect_dma source(%dma_start3A_132 : memref<40x128xf32, #tpu.memory_space<vmem>>) target(%dma_start3A_137 : memref<10240x128xf32, #tpu.memory_space<vmem_shared>>) offsets(%dma_start3A_134 : memref<40xi32, #tpu.memory_space<vmem>>) semaphore(%run_scoped3A_128 : memref<!tpu.dma_semaphore, #tpu.memory_space<semaphore_mem>>) {add = true}
      %dma_wait3A_138 = arith.constant 0 : i32
      %dma_wait3A_139 = arith.constant 0 : i32
      %dma_wait3A_140 = tpu.memref_slice %arg7[%run_scoped3A, %dma_wait3A_138, %dma_wait3A_139] : memref<5x40x128xf32, #tpu.memory_space<vmem>> -> memref<1x40x128xf32, #tpu.memory_space<vmem>>
      %dma_wait3A_141 = tpu.memref_squeeze %dma_wait3A_140 : memref<1x40x128xf32, #tpu.memory_space<vmem>> -> memref<40x128xf32, #tpu.memory_space<vmem>>
      %dma_wait3A_142 = arith.constant 9800 : i32
      %dma_wait3A_143 = tpu.memref_slice %arg6[%dma_wait3A_142] : memref<10000xi32, #tpu.memory_space<vmem>> -> memref<40xi32, #tpu.memory_space<vmem>>
      %dma_wait3A_144 = arith.constant 0 : i32
      %dma_wait3A_145 = arith.constant 0 : i32
      %dma_wait3A_146 = tpu.memref_slice %arg8[%dma_wait3A_144, %dma_wait3A_145] : memref<10240x128xf32, #tpu.memory_space<vmem_shared>> -> memref<10240x128xf32, #tpu.memory_space<vmem_shared>>
      tpu.wait_indirect_dma semaphore(%run_scoped3A_128 : memref<!tpu.dma_semaphore, #tpu.memory_space<semaphore_mem>>) src(%dma_wait3A_141 : memref<40x128xf32, #tpu.memory_space<vmem>>) dst(%dma_wait3A_146 : memref<10240x128xf32, #tpu.memory_space<vmem_shared>>)
      tpu.yield
    }) : () -> ()
    %dma_wait3A_79 = arith.constant 1 : i32
    %dma_wait3A_80 = arith.constant 0 : i32
    %dma_wait3A_81 = arith.constant 0 : i32
    %dma_wait3A_82 = tpu.memref_slice %arg7[%dma_wait3A_79, %dma_wait3A_80, %dma_wait3A_81] : memref<5x40x128xf32, #tpu.memory_space<vmem>> -> memref<1x40x128xf32, #tpu.memory_space<vmem>>
    %dma_wait3A_83 = tpu.memref_squeeze %dma_wait3A_82 : memref<1x40x128xf32, #tpu.memory_space<vmem>> -> memref<40x128xf32, #tpu.memory_space<vmem>>
    %dma_wait3A_84 = arith.constant 9840 : i32
    %dma_wait3A_85 = tpu.memref_slice %arg5[%dma_wait3A_84] : memref<10000xi32, #tpu.memory_space<vmem>> -> memref<40xi32, #tpu.memory_space<vmem>>
    %dma_wait3A_86 = arith.constant 0 : i32
    %dma_wait3A_87 = arith.constant 0 : i32
    %dma_wait3A_88 = tpu.memref_slice %arg2[%dma_wait3A_86, %dma_wait3A_87] : memref<10000x128xf32, #tpu.memory_space<hbm>> -> memref<10000x128xf32, #tpu.memory_space<hbm>>
    tpu.wait_indirect_dma semaphore(%arg10 : memref<!tpu.dma_semaphore, #tpu.memory_space<semaphore_mem>>) src(%dma_wait3A_88 : memref<10000x128xf32, #tpu.memory_space<hbm>>) dst(%dma_wait3A_83 : memref<40x128xf32, #tpu.memory_space<vmem>>)
    %run_scoped3A_89 = arith.constant 1 : i32
    "tpu.region"() ({
      %run_scoped3A_128 = tpu.sem_alloc : memref<!tpu.dma_semaphore, #tpu.memory_space<semaphore_mem>>
      %dma_start3A_129 = arith.constant 0 : i32
      %dma_start3A_130 = arith.constant 0 : i32
      %dma_start3A_131 = tpu.memref_slice %arg7[%run_scoped3A_89, %dma_start3A_129, %dma_start3A_130] : memref<5x40x128xf32, #tpu.memory_space<vmem>> -> memref<1x40x128xf32, #tpu.memory_space<vmem>>
      %dma_start3A_132 = tpu.memref_squeeze %dma_start3A_131 : memref<1x40x128xf32, #tpu.memory_space<vmem>> -> memref<40x128xf32, #tpu.memory_space<vmem>>
      %dma_start3A_133 = arith.constant 9840 : i32
      %dma_start3A_134 = tpu.memref_slice %arg6[%dma_start3A_133] : memref<10000xi32, #tpu.memory_space<vmem>> -> memref<40xi32, #tpu.memory_space<vmem>>
      %dma_start3A_135 = arith.constant 0 : i32
      %dma_start3A_136 = arith.constant 0 : i32
      %dma_start3A_137 = tpu.memref_slice %arg8[%dma_start3A_135, %dma_start3A_136] : memref<10240x128xf32, #tpu.memory_space<vmem_shared>> -> memref<10240x128xf32, #tpu.memory_space<vmem_shared>>
      tpu.enqueue_indirect_dma source(%dma_start3A_132 : memref<40x128xf32, #tpu.memory_space<vmem>>) target(%dma_start3A_137 : memref<10240x128xf32, #tpu.memory_space<vmem_shared>>) offsets(%dma_start3A_134 : memref<40xi32, #tpu.memory_space<vmem>>) semaphore(%run_scoped3A_128 : memref<!tpu.dma_semaphore, #tpu.memory_space<semaphore_mem>>) {add = true}
      %dma_wait3A_138 = arith.constant 0 : i32
      %dma_wait3A_139 = arith.constant 0 : i32
      %dma_wait3A_140 = tpu.memref_slice %arg7[%run_scoped3A_89, %dma_wait3A_138, %dma_wait3A_139] : memref<5x40x128xf32, #tpu.memory_space<vmem>> -> memref<1x40x128xf32, #tpu.memory_space<vmem>>
      %dma_wait3A_141 = tpu.memref_squeeze %dma_wait3A_140 : memref<1x40x128xf32, #tpu.memory_space<vmem>> -> memref<40x128xf32, #tpu.memory_space<vmem>>
      %dma_wait3A_142 = arith.constant 9840 : i32
      %dma_wait3A_143 = tpu.memref_slice %arg6[%dma_wait3A_142] : memref<10000xi32, #tpu.memory_space<vmem>> -> memref<40xi32, #tpu.memory_space<vmem>>
      %dma_wait3A_144 = arith.constant 0 : i32
      %dma_wait3A_145 = arith.constant 0 : i32
      %dma_wait3A_146 = tpu.memref_slice %arg8[%dma_wait3A_144, %dma_wait3A_145] : memref<10240x128xf32, #tpu.memory_space<vmem_shared>> -> memref<10240x128xf32, #tpu.memory_space<vmem_shared>>
      tpu.wait_indirect_dma semaphore(%run_scoped3A_128 : memref<!tpu.dma_semaphore, #tpu.memory_space<semaphore_mem>>) src(%dma_wait3A_141 : memref<40x128xf32, #tpu.memory_space<vmem>>) dst(%dma_wait3A_146 : memref<10240x128xf32, #tpu.memory_space<vmem_shared>>)
      tpu.yield
    }) : () -> ()
    %dma_wait3A_90 = arith.constant 2 : i32
    %dma_wait3A_91 = arith.constant 0 : i32
    %dma_wait3A_92 = arith.constant 0 : i32
    %dma_wait3A_93 = tpu.memref_slice %arg7[%dma_wait3A_90, %dma_wait3A_91, %dma_wait3A_92] : memref<5x40x128xf32, #tpu.memory_space<vmem>> -> memref<1x40x128xf32, #tpu.memory_space<vmem>>
    %dma_wait3A_94 = tpu.memref_squeeze %dma_wait3A_93 : memref<1x40x128xf32, #tpu.memory_space<vmem>> -> memref<40x128xf32, #tpu.memory_space<vmem>>
    %dma_wait3A_95 = arith.constant 9880 : i32
    %dma_wait3A_96 = tpu.memref_slice %arg5[%dma_wait3A_95] : memref<10000xi32, #tpu.memory_space<vmem>> -> memref<40xi32, #tpu.memory_space<vmem>>
    %dma_wait3A_97 = arith.constant 0 : i32
    %dma_wait3A_98 = arith.constant 0 : i32
    %dma_wait3A_99 = tpu.memref_slice %arg2[%dma_wait3A_97, %dma_wait3A_98] : memref<10000x128xf32, #tpu.memory_space<hbm>> -> memref<10000x128xf32, #tpu.memory_space<hbm>>
    tpu.wait_indirect_dma semaphore(%arg11 : memref<!tpu.dma_semaphore, #tpu.memory_space<semaphore_mem>>) src(%dma_wait3A_99 : memref<10000x128xf32, #tpu.memory_space<hbm>>) dst(%dma_wait3A_94 : memref<40x128xf32, #tpu.memory_space<vmem>>)
    %run_scoped3A_100 = arith.constant 2 : i32
    "tpu.region"() ({
      %run_scoped3A_128 = tpu.sem_alloc : memref<!tpu.dma_semaphore, #tpu.memory_space<semaphore_mem>>
      %dma_start3A_129 = arith.constant 0 : i32
      %dma_start3A_130 = arith.constant 0 : i32
      %dma_start3A_131 = tpu.memref_slice %arg7[%run_scoped3A_100, %dma_start3A_129, %dma_start3A_130] : memref<5x40x128xf32, #tpu.memory_space<vmem>> -> memref<1x40x128xf32, #tpu.memory_space<vmem>>
      %dma_start3A_132 = tpu.memref_squeeze %dma_start3A_131 : memref<1x40x128xf32, #tpu.memory_space<vmem>> -> memref<40x128xf32, #tpu.memory_space<vmem>>
      %dma_start3A_133 = arith.constant 9880 : i32
      %dma_start3A_134 = tpu.memref_slice %arg6[%dma_start3A_133] : memref<10000xi32, #tpu.memory_space<vmem>> -> memref<40xi32, #tpu.memory_space<vmem>>
      %dma_start3A_135 = arith.constant 0 : i32
      %dma_start3A_136 = arith.constant 0 : i32
      %dma_start3A_137 = tpu.memref_slice %arg8[%dma_start3A_135, %dma_start3A_136] : memref<10240x128xf32, #tpu.memory_space<vmem_shared>> -> memref<10240x128xf32, #tpu.memory_space<vmem_shared>>
      tpu.enqueue_indirect_dma source(%dma_start3A_132 : memref<40x128xf32, #tpu.memory_space<vmem>>) target(%dma_start3A_137 : memref<10240x128xf32, #tpu.memory_space<vmem_shared>>) offsets(%dma_start3A_134 : memref<40xi32, #tpu.memory_space<vmem>>) semaphore(%run_scoped3A_128 : memref<!tpu.dma_semaphore, #tpu.memory_space<semaphore_mem>>) {add = true}
      %dma_wait3A_138 = arith.constant 0 : i32
      %dma_wait3A_139 = arith.constant 0 : i32
      %dma_wait3A_140 = tpu.memref_slice %arg7[%run_scoped3A_100, %dma_wait3A_138, %dma_wait3A_139] : memref<5x40x128xf32, #tpu.memory_space<vmem>> -> memref<1x40x128xf32, #tpu.memory_space<vmem>>
      %dma_wait3A_141 = tpu.memref_squeeze %dma_wait3A_140 : memref<1x40x128xf32, #tpu.memory_space<vmem>> -> memref<40x128xf32, #tpu.memory_space<vmem>>
      %dma_wait3A_142 = arith.constant 9880 : i32
      %dma_wait3A_143 = tpu.memref_slice %arg6[%dma_wait3A_142] : memref<10000xi32, #tpu.memory_space<vmem>> -> memref<40xi32, #tpu.memory_space<vmem>>
      %dma_wait3A_144 = arith.constant 0 : i32
      %dma_wait3A_145 = arith.constant 0 : i32
      %dma_wait3A_146 = tpu.memref_slice %arg8[%dma_wait3A_144, %dma_wait3A_145] : memref<10240x128xf32, #tpu.memory_space<vmem_shared>> -> memref<10240x128xf32, #tpu.memory_space<vmem_shared>>
      tpu.wait_indirect_dma semaphore(%run_scoped3A_128 : memref<!tpu.dma_semaphore, #tpu.memory_space<semaphore_mem>>) src(%dma_wait3A_141 : memref<40x128xf32, #tpu.memory_space<vmem>>) dst(%dma_wait3A_146 : memref<10240x128xf32, #tpu.memory_space<vmem_shared>>)
      tpu.yield
    }) : () -> ()
    %dma_wait3A_101 = arith.constant 3 : i32
    %dma_wait3A_102 = arith.constant 0 : i32
    %dma_wait3A_103 = arith.constant 0 : i32
    %dma_wait3A_104 = tpu.memref_slice %arg7[%dma_wait3A_101, %dma_wait3A_102, %dma_wait3A_103] : memref<5x40x128xf32, #tpu.memory_space<vmem>> -> memref<1x40x128xf32, #tpu.memory_space<vmem>>
    %dma_wait3A_105 = tpu.memref_squeeze %dma_wait3A_104 : memref<1x40x128xf32, #tpu.memory_space<vmem>> -> memref<40x128xf32, #tpu.memory_space<vmem>>
    %dma_wait3A_106 = arith.constant 9920 : i32
    %dma_wait3A_107 = tpu.memref_slice %arg5[%dma_wait3A_106] : memref<10000xi32, #tpu.memory_space<vmem>> -> memref<40xi32, #tpu.memory_space<vmem>>
    %dma_wait3A_108 = arith.constant 0 : i32
    %dma_wait3A_109 = arith.constant 0 : i32
    %dma_wait3A_110 = tpu.memref_slice %arg2[%dma_wait3A_108, %dma_wait3A_109] : memref<10000x128xf32, #tpu.memory_space<hbm>> -> memref<10000x128xf32, #tpu.memory_space<hbm>>
    tpu.wait_indirect_dma semaphore(%arg12 : memref<!tpu.dma_semaphore, #tpu.memory_space<semaphore_mem>>) src(%dma_wait3A_110 : memref<10000x128xf32, #tpu.memory_space<hbm>>) dst(%dma_wait3A_105 : memref<40x128xf32, #tpu.memory_space<vmem>>)
    %run_scoped3A_111 = arith.constant 3 : i32
    "tpu.region"() ({
      %run_scoped3A_128 = tpu.sem_alloc : memref<!tpu.dma_semaphore, #tpu.memory_space<semaphore_mem>>
      %dma_start3A_129 = arith.constant 0 : i32
      %dma_start3A_130 = arith.constant 0 : i32
      %dma_start3A_131 = tpu.memref_slice %arg7[%run_scoped3A_111, %dma_start3A_129, %dma_start3A_130] : memref<5x40x128xf32, #tpu.memory_space<vmem>> -> memref<1x40x128xf32, #tpu.memory_space<vmem>>
      %dma_start3A_132 = tpu.memref_squeeze %dma_start3A_131 : memref<1x40x128xf32, #tpu.memory_space<vmem>> -> memref<40x128xf32, #tpu.memory_space<vmem>>
      %dma_start3A_133 = arith.constant 9920 : i32
      %dma_start3A_134 = tpu.memref_slice %arg6[%dma_start3A_133] : memref<10000xi32, #tpu.memory_space<vmem>> -> memref<40xi32, #tpu.memory_space<vmem>>
      %dma_start3A_135 = arith.constant 0 : i32
      %dma_start3A_136 = arith.constant 0 : i32
      %dma_start3A_137 = tpu.memref_slice %arg8[%dma_start3A_135, %dma_start3A_136] : memref<10240x128xf32, #tpu.memory_space<vmem_shared>> -> memref<10240x128xf32, #tpu.memory_space<vmem_shared>>
      tpu.enqueue_indirect_dma source(%dma_start3A_132 : memref<40x128xf32, #tpu.memory_space<vmem>>) target(%dma_start3A_137 : memref<10240x128xf32, #tpu.memory_space<vmem_shared>>) offsets(%dma_start3A_134 : memref<40xi32, #tpu.memory_space<vmem>>) semaphore(%run_scoped3A_128 : memref<!tpu.dma_semaphore, #tpu.memory_space<semaphore_mem>>) {add = true}
      %dma_wait3A_138 = arith.constant 0 : i32
      %dma_wait3A_139 = arith.constant 0 : i32
      %dma_wait3A_140 = tpu.memref_slice %arg7[%run_scoped3A_111, %dma_wait3A_138, %dma_wait3A_139] : memref<5x40x128xf32, #tpu.memory_space<vmem>> -> memref<1x40x128xf32, #tpu.memory_space<vmem>>
      %dma_wait3A_141 = tpu.memref_squeeze %dma_wait3A_140 : memref<1x40x128xf32, #tpu.memory_space<vmem>> -> memref<40x128xf32, #tpu.memory_space<vmem>>
      %dma_wait3A_142 = arith.constant 9920 : i32
      %dma_wait3A_143 = tpu.memref_slice %arg6[%dma_wait3A_142] : memref<10000xi32, #tpu.memory_space<vmem>> -> memref<40xi32, #tpu.memory_space<vmem>>
      %dma_wait3A_144 = arith.constant 0 : i32
      %dma_wait3A_145 = arith.constant 0 : i32
      %dma_wait3A_146 = tpu.memref_slice %arg8[%dma_wait3A_144, %dma_wait3A_145] : memref<10240x128xf32, #tpu.memory_space<vmem_shared>> -> memref<10240x128xf32, #tpu.memory_space<vmem_shared>>
      tpu.wait_indirect_dma semaphore(%run_scoped3A_128 : memref<!tpu.dma_semaphore, #tpu.memory_space<semaphore_mem>>) src(%dma_wait3A_141 : memref<40x128xf32, #tpu.memory_space<vmem>>) dst(%dma_wait3A_146 : memref<10240x128xf32, #tpu.memory_space<vmem_shared>>)
      tpu.yield
    }) : () -> ()
    %dma_wait3A_112 = arith.constant 4 : i32
    %dma_wait3A_113 = arith.constant 0 : i32
    %dma_wait3A_114 = arith.constant 0 : i32
    %dma_wait3A_115 = tpu.memref_slice %arg7[%dma_wait3A_112, %dma_wait3A_113, %dma_wait3A_114] : memref<5x40x128xf32, #tpu.memory_space<vmem>> -> memref<1x40x128xf32, #tpu.memory_space<vmem>>
    %dma_wait3A_116 = tpu.memref_squeeze %dma_wait3A_115 : memref<1x40x128xf32, #tpu.memory_space<vmem>> -> memref<40x128xf32, #tpu.memory_space<vmem>>
    %dma_wait3A_117 = arith.constant 9960 : i32
    %dma_wait3A_118 = tpu.memref_slice %arg5[%dma_wait3A_117] : memref<10000xi32, #tpu.memory_space<vmem>> -> memref<40xi32, #tpu.memory_space<vmem>>
    %dma_wait3A_119 = arith.constant 0 : i32
    %dma_wait3A_120 = arith.constant 0 : i32
    %dma_wait3A_121 = tpu.memref_slice %arg2[%dma_wait3A_119, %dma_wait3A_120] : memref<10000x128xf32, #tpu.memory_space<hbm>> -> memref<10000x128xf32, #tpu.memory_space<hbm>>
    tpu.wait_indirect_dma semaphore(%arg13 : memref<!tpu.dma_semaphore, #tpu.memory_space<semaphore_mem>>) src(%dma_wait3A_121 : memref<10000x128xf32, #tpu.memory_space<hbm>>) dst(%dma_wait3A_116 : memref<40x128xf32, #tpu.memory_space<vmem>>)
    %run_scoped3A_122 = arith.constant 4 : i32
    "tpu.region"() ({
      %run_scoped3A_128 = tpu.sem_alloc : memref<!tpu.dma_semaphore, #tpu.memory_space<semaphore_mem>>
      %dma_start3A_129 = arith.constant 0 : i32
      %dma_start3A_130 = arith.constant 0 : i32
      %dma_start3A_131 = tpu.memref_slice %arg7[%run_scoped3A_122, %dma_start3A_129, %dma_start3A_130] : memref<5x40x128xf32, #tpu.memory_space<vmem>> -> memref<1x40x128xf32, #tpu.memory_space<vmem>>
      %dma_start3A_132 = tpu.memref_squeeze %dma_start3A_131 : memref<1x40x128xf32, #tpu.memory_space<vmem>> -> memref<40x128xf32, #tpu.memory_space<vmem>>
      %dma_start3A_133 = arith.constant 9960 : i32
      %dma_start3A_134 = tpu.memref_slice %arg6[%dma_start3A_133] : memref<10000xi32, #tpu.memory_space<vmem>> -> memref<40xi32, #tpu.memory_space<vmem>>
      %dma_start3A_135 = arith.constant 0 : i32
      %dma_start3A_136 = arith.constant 0 : i32
      %dma_start3A_137 = tpu.memref_slice %arg8[%dma_start3A_135, %dma_start3A_136] : memref<10240x128xf32, #tpu.memory_space<vmem_shared>> -> memref<10240x128xf32, #tpu.memory_space<vmem_shared>>
      tpu.enqueue_indirect_dma source(%dma_start3A_132 : memref<40x128xf32, #tpu.memory_space<vmem>>) target(%dma_start3A_137 : memref<10240x128xf32, #tpu.memory_space<vmem_shared>>) offsets(%dma_start3A_134 : memref<40xi32, #tpu.memory_space<vmem>>) semaphore(%run_scoped3A_128 : memref<!tpu.dma_semaphore, #tpu.memory_space<semaphore_mem>>) {add = true}
      %dma_wait3A_138 = arith.constant 0 : i32
      %dma_wait3A_139 = arith.constant 0 : i32
      %dma_wait3A_140 = tpu.memref_slice %arg7[%run_scoped3A_122, %dma_wait3A_138, %dma_wait3A_139] : memref<5x40x128xf32, #tpu.memory_space<vmem>> -> memref<1x40x128xf32, #tpu.memory_space<vmem>>
      %dma_wait3A_141 = tpu.memref_squeeze %dma_wait3A_140 : memref<1x40x128xf32, #tpu.memory_space<vmem>> -> memref<40x128xf32, #tpu.memory_space<vmem>>
      %dma_wait3A_142 = arith.constant 9960 : i32
      %dma_wait3A_143 = tpu.memref_slice %arg6[%dma_wait3A_142] : memref<10000xi32, #tpu.memory_space<vmem>> -> memref<40xi32, #tpu.memory_space<vmem>>
      %dma_wait3A_144 = arith.constant 0 : i32
      %dma_wait3A_145 = arith.constant 0 : i32
      %dma_wait3A_146 = tpu.memref_slice %arg8[%dma_wait3A_144, %dma_wait3A_145] : memref<10240x128xf32, #tpu.memory_space<vmem_shared>> -> memref<10240x128xf32, #tpu.memory_space<vmem_shared>>
      tpu.wait_indirect_dma semaphore(%run_scoped3A_128 : memref<!tpu.dma_semaphore, #tpu.memory_space<semaphore_mem>>) src(%dma_wait3A_141 : memref<40x128xf32, #tpu.memory_space<vmem>>) dst(%dma_wait3A_146 : memref<10240x128xf32, #tpu.memory_space<vmem_shared>>)
      tpu.yield
    }) : () -> ()
    %barrier3A_123 = arith.constant 0 : index
    tpu.barrier barrier_id(%barrier3A_123)
    %mul3A_124 = arith.constant 640 : i32
    %mul3A_125 = arith.muli %arg1, %mul3A_124 : i32
    %mul3A_126 = arith.constant 640 : i32
    %mul3A_127 = arith.muli %arg1, %mul3A_126 : i32
    "tpu.region"() ({
      %run_scoped3A_128 = tpu.sem_alloc : memref<!tpu.dma_semaphore, #tpu.memory_space<semaphore_mem>>
      %dma_start3A_129 = arith.constant 0 : i32
      %dma_start3A_130 = tpu.memref_slice %arg4[%arg0, %mul3A_127, %dma_start3A_129] : memref<2x10240x128xf32, #tpu.memory_space<hbm>> -> memref<1x640x128xf32, #tpu.memory_space<hbm>>
      %dma_start3A_131 = tpu.memref_squeeze %dma_start3A_130 : memref<1x640x128xf32, #tpu.memory_space<hbm>> -> memref<640x128xf32, #tpu.memory_space<hbm>>
      %dma_start3A_132 = arith.constant 0 : i32
      %dma_start3A_133 = tpu.memref_slice %arg8[%mul3A_125, %dma_start3A_132] : memref<10240x128xf32, #tpu.memory_space<vmem_shared>> -> memref<640x128xf32, #tpu.memory_space<vmem_shared>>
      tpu.enqueue_dma source(%dma_start3A_133 : memref<640x128xf32, #tpu.memory_space<vmem_shared>>) target(%dma_start3A_131 : memref<640x128xf32, #tpu.memory_space<hbm>>) target_semaphore(%run_scoped3A_128 : memref<!tpu.dma_semaphore, #tpu.memory_space<semaphore_mem>>)
      %dma_wait3A_134 = arith.constant 0 : i32
      %dma_wait3A_135 = tpu.memref_slice %arg4[%arg0, %mul3A_127, %dma_wait3A_134] : memref<2x10240x128xf32, #tpu.memory_space<hbm>> -> memref<1x640x128xf32, #tpu.memory_space<hbm>>
      %dma_wait3A_136 = tpu.memref_squeeze %dma_wait3A_135 : memref<1x640x128xf32, #tpu.memory_space<hbm>> -> memref<640x128xf32, #tpu.memory_space<hbm>>
      %dma_wait3A_137 = arith.constant 0 : i32
      %dma_wait3A_138 = tpu.memref_slice %arg8[%mul3A_125, %dma_wait3A_137] : memref<10240x128xf32, #tpu.memory_space<vmem_shared>> -> memref<640x128xf32, #tpu.memory_space<vmem_shared>>
      tpu.wait_dma2 semaphore(%run_scoped3A_128 : memref<!tpu.dma_semaphore, #tpu.memory_space<semaphore_mem>>) src(%dma_wait3A_138 : memref<640x128xf32, #tpu.memory_space<vmem_shared>>) dst(%dma_wait3A_136 : memref<640x128xf32, #tpu.memory_space<hbm>>)
      tpu.yield
    }) : () -> ()
    return
  }
}

#map = affine_map<(d0, d1) -> (0, 0)>
#map1 = affine_map<(d0, d1) -> (0)>
#map2 = affine_map<(d0, d1) -> (0, 0, 0)>
module attributes {stable_mosaic.version = 14 : i64} {
  func.func @_edge_kernel(%arg0: i32, %arg1: i32, %arg2: memref<10000x128xf32, #tpu.memory_space<hbm>>, %arg3: memref<640000xi32, #tpu.memory_space<hbm>>, %arg4: memref<2x10240x128xf32, #tpu.memory_space<hbm>>, %arg5: memref<10000xi32, #tpu.memory_space<vmem>>, %arg6: memref<10000xi32, #tpu.memory_space<vmem>>, %arg7: memref<5x40x128xf32, #tpu.memory_space<vmem>>, %arg8: memref<10240x128xf32, #tpu.memory_space<vmem_shared>>, %arg9: memref<!tpu.dma_semaphore, #tpu.memory_space<semaphore_mem>>, %arg10: memref<!tpu.dma_semaphore, #tpu.memory_space<semaphore_mem>>, %arg11: memref<!tpu.dma_semaphore, #tpu.memory_space<semaphore_mem>>, %arg12: memref<!tpu.dma_semaphore, #tpu.memory_space<semaphore_mem>>, %arg13: memref<!tpu.dma_semaphore, #tpu.memory_space<semaphore_mem>>) attributes {dimension_semantics = [#tpu.dimension_semantics<core_parallel>, #tpu.dimension_semantics<subcore_parallel>], iteration_bounds = array<i64: 2, 16>, scalar_prefetch = 0 : i64, scratch_operands = 9 : i64, tpu.core_type = #tpu.core_type<sc_vector_subcore>, window_params = [{transform_indices = #map}, {transform_indices = #map1}, {transform_indices = #map2}]} {
    %mul3A = arith.constant 2 : i32
    %mul3A_0 = arith.muli %arg1, %mul3A : i32
    %add3A = arith.addi %mul3A_0, %arg0 : i32
    %mul3A_1 = arith.constant 10000 : i32
    %mul3A_2 = arith.muli %add3A, %mul3A_1 : i32
    "tpu.region"() ({
      %run_scoped3A_128 = tpu.sem_alloc : memref<!tpu.dma_semaphore, #tpu.memory_space<semaphore_mem>>
      %dma_start3A_129 = tpu.memref_slice %arg3[%mul3A_2] : memref<640000xi32, #tpu.memory_space<hbm>> -> memref<10000xi32, #tpu.memory_space<hbm>>
      %dma_start3A_130 = tpu.memref_slice %arg3[%mul3A_2] : memref<640000xi32, #tpu.memory_space<hbm>> -> memref<10000xi32, #tpu.memory_space<hbm>>
      tpu.enqueue_dma source(%dma_start3A_130 : memref<10000xi32, #tpu.memory_space<hbm>>) target(%arg5 : memref<10000xi32, #tpu.memory_space<vmem>>) target_semaphore(%run_scoped3A_128 : memref<!tpu.dma_semaphore, #tpu.memory_space<semaphore_mem>>)
      %dma_wait3A_131 = tpu.memref_slice %arg3[%mul3A_2] : memref<640000xi32, #tpu.memory_space<hbm>> -> memref<10000xi32, #tpu.memory_space<hbm>>
      %dma_wait3A_132 = tpu.memref_slice %arg3[%mul3A_2] : memref<640000xi32, #tpu.memory_space<hbm>> -> memref<10000xi32, #tpu.memory_space<hbm>>
      tpu.wait_dma2 semaphore(%run_scoped3A_128 : memref<!tpu.dma_semaphore, #tpu.memory_space<semaphore_mem>>) src(%dma_wait3A_132 : memref<10000xi32, #tpu.memory_space<hbm>>) dst(%arg5 : memref<10000xi32, #tpu.memory_space<vmem>>)
      tpu.yield
    }) : () -> ()
    %mul3A_3 = arith.constant 10000 : i32
    %mul3A_4 = arith.muli %add3A, %mul3A_3 : i32
    %add3A_5 = arith.constant 320000 : i32
    %add3A_6 = arith.addi %add3A_5, %mul3A_4 : i32
    "tpu.region"() ({
      %run_scoped3A_128 = tpu.sem_alloc : memref<!tpu.dma_semaphore, #tpu.memory_space<semaphore_mem>>
      %dma_start3A_129 = tpu.memref_slice %arg3[%add3A_6] : memref<640000xi32, #tpu.memory_space<hbm>> -> memref<10000xi32, #tpu.memory_space<hbm>>
      %dma_start3A_130 = tpu.memref_slice %arg3[%add3A_6] : memref<640000xi32, #tpu.memory_space<hbm>> -> memref<10000xi32, #tpu.memory_space<hbm>>
      tpu.enqueue_dma source(%dma_start3A_130 : memref<10000xi32, #tpu.memory_space<hbm>>) target(%arg6 : memref<10000xi32, #tpu.memory_space<vmem>>) target_semaphore(%run_scoped3A_128 : memref<!tpu.dma_semaphore, #tpu.memory_space<semaphore_mem>>)
      %dma_wait3A_131 = tpu.memref_slice %arg3[%add3A_6] : memref<640000xi32, #tpu.memory_space<hbm>> -> memref<10000xi32, #tpu.memory_space<hbm>>
      %dma_wait3A_132 = tpu.memref_slice %arg3[%add3A_6] : memref<640000xi32, #tpu.memory_space<hbm>> -> memref<10000xi32, #tpu.memory_space<hbm>>
      tpu.wait_dma2 semaphore(%run_scoped3A_128 : memref<!tpu.dma_semaphore, #tpu.memory_space<semaphore_mem>>) src(%dma_wait3A_132 : memref<10000xi32, #tpu.memory_space<hbm>>) dst(%arg6 : memref<10000xi32, #tpu.memory_space<vmem>>)
      tpu.yield
    }) : () -> ()
    %dma_start3A = arith.constant 1 : i32
    %dma_start3A_7 = arith.constant 0 : i32
    %dma_start3A_8 = arith.constant 0 : i32
    %dma_start3A_9 = tpu.memref_slice %arg7[%dma_start3A, %dma_start3A_7, %dma_start3A_8] : memref<5x40x128xf32, #tpu.memory_space<vmem>> -> memref<1x40x128xf32, #tpu.memory_space<vmem>>
    %dma_start3A_10 = tpu.memref_squeeze %dma_start3A_9 : memref<1x40x128xf32, #tpu.memory_space<vmem>> -> memref<40x128xf32, #tpu.memory_space<vmem>>
    %dma_start3A_11 = arith.constant 40 : i32
    %dma_start3A_12 = tpu.memref_slice %arg5[%dma_start3A_11] : memref<10000xi32, #tpu.memory_space<vmem>> -> memref<40xi32, #tpu.memory_space<vmem>>
    %dma_start3A_13 = arith.constant 0 : i32
    %dma_start3A_14 = arith.constant 0 : i32
    %dma_start3A_15 = tpu.memref_slice %arg2[%dma_start3A_13, %dma_start3A_14] : memref<10000x128xf32, #tpu.memory_space<hbm>> -> memref<10000x128xf32, #tpu.memory_space<hbm>>
    tpu.enqueue_indirect_dma source(%dma_start3A_15 : memref<10000x128xf32, #tpu.memory_space<hbm>>) target(%dma_start3A_10 : memref<40x128xf32, #tpu.memory_space<vmem>>) offsets(%dma_start3A_12 : memref<40xi32, #tpu.memory_space<vmem>>) semaphore(%arg10 : memref<!tpu.dma_semaphore, #tpu.memory_space<semaphore_mem>>)
    %dma_start3A_16 = arith.constant 2 : i32
    %dma_start3A_17 = arith.constant 0 : i32
    %dma_start3A_18 = arith.constant 0 : i32
    %dma_start3A_19 = tpu.memref_slice %arg7[%dma_start3A_16, %dma_start3A_17, %dma_start3A_18] : memref<5x40x128xf32, #tpu.memory_space<vmem>> -> memref<1x40x128xf32, #tpu.memory_space<vmem>>
    %dma_start3A_20 = tpu.memref_squeeze %dma_start3A_19 : memref<1x40x128xf32, #tpu.memory_space<vmem>> -> memref<40x128xf32, #tpu.memory_space<vmem>>
    %dma_start3A_21 = arith.constant 80 : i32
    %dma_start3A_22 = tpu.memref_slice %arg5[%dma_start3A_21] : memref<10000xi32, #tpu.memory_space<vmem>> -> memref<40xi32, #tpu.memory_space<vmem>>
    %dma_start3A_23 = arith.constant 0 : i32
    %dma_start3A_24 = arith.constant 0 : i32
    %dma_start3A_25 = tpu.memref_slice %arg2[%dma_start3A_23, %dma_start3A_24] : memref<10000x128xf32, #tpu.memory_space<hbm>> -> memref<10000x128xf32, #tpu.memory_space<hbm>>
    tpu.enqueue_indirect_dma source(%dma_start3A_25 : memref<10000x128xf32, #tpu.memory_space<hbm>>) target(%dma_start3A_20 : memref<40x128xf32, #tpu.memory_space<vmem>>) offsets(%dma_start3A_22 : memref<40xi32, #tpu.memory_space<vmem>>) semaphore(%arg11 : memref<!tpu.dma_semaphore, #tpu.memory_space<semaphore_mem>>)
    %dma_start3A_26 = arith.constant 3 : i32
    %dma_start3A_27 = arith.constant 0 : i32
    %dma_start3A_28 = arith.constant 0 : i32
    %dma_start3A_29 = tpu.memref_slice %arg7[%dma_start3A_26, %dma_start3A_27, %dma_start3A_28] : memref<5x40x128xf32, #tpu.memory_space<vmem>> -> memref<1x40x128xf32, #tpu.memory_space<vmem>>
    %dma_start3A_30 = tpu.memref_squeeze %dma_start3A_29 : memref<1x40x128xf32, #tpu.memory_space<vmem>> -> memref<40x128xf32, #tpu.memory_space<vmem>>
    %dma_start3A_31 = arith.constant 120 : i32
    %dma_start3A_32 = tpu.memref_slice %arg5[%dma_start3A_31] : memref<10000xi32, #tpu.memory_space<vmem>> -> memref<40xi32, #tpu.memory_space<vmem>>
    %dma_start3A_33 = arith.constant 0 : i32
    %dma_start3A_34 = arith.constant 0 : i32
    %dma_start3A_35 = tpu.memref_slice %arg2[%dma_start3A_33, %dma_start3A_34] : memref<10000x128xf32, #tpu.memory_space<hbm>> -> memref<10000x128xf32, #tpu.memory_space<hbm>>
    tpu.enqueue_indirect_dma source(%dma_start3A_35 : memref<10000x128xf32, #tpu.memory_space<hbm>>) target(%dma_start3A_30 : memref<40x128xf32, #tpu.memory_space<vmem>>) offsets(%dma_start3A_32 : memref<40xi32, #tpu.memory_space<vmem>>) semaphore(%arg12 : memref<!tpu.dma_semaphore, #tpu.memory_space<semaphore_mem>>)
    %dma_start3A_36 = arith.constant 4 : i32
    %dma_start3A_37 = arith.constant 0 : i32
    %dma_start3A_38 = arith.constant 0 : i32
    %dma_start3A_39 = tpu.memref_slice %arg7[%dma_start3A_36, %dma_start3A_37, %dma_start3A_38] : memref<5x40x128xf32, #tpu.memory_space<vmem>> -> memref<1x40x128xf32, #tpu.memory_space<vmem>>
    %dma_start3A_40 = tpu.memref_squeeze %dma_start3A_39 : memref<1x40x128xf32, #tpu.memory_space<vmem>> -> memref<40x128xf32, #tpu.memory_space<vmem>>
    %dma_start3A_41 = arith.constant 160 : i32
    %dma_start3A_42 = tpu.memref_slice %arg5[%dma_start3A_41] : memref<10000xi32, #tpu.memory_space<vmem>> -> memref<40xi32, #tpu.memory_space<vmem>>
    %dma_start3A_43 = arith.constant 0 : i32
    %dma_start3A_44 = arith.constant 0 : i32
    %dma_start3A_45 = tpu.memref_slice %arg2[%dma_start3A_43, %dma_start3A_44] : memref<10000x128xf32, #tpu.memory_space<hbm>> -> memref<10000x128xf32, #tpu.memory_space<hbm>>
    tpu.enqueue_indirect_dma source(%dma_start3A_45 : memref<10000x128xf32, #tpu.memory_space<hbm>>) target(%dma_start3A_40 : memref<40x128xf32, #tpu.memory_space<vmem>>) offsets(%dma_start3A_42 : memref<40xi32, #tpu.memory_space<vmem>>) semaphore(%arg13 : memref<!tpu.dma_semaphore, #tpu.memory_space<semaphore_mem>>)
    %scan3A = arith.constant 0 : i32
    %scan3A_46 = arith.constant 40 : i32
    %scan3A_47 = arith.addi %scan3A, %scan3A_46 : i32
    %scan3A_48 = arith.constant 1 : i32
    scf.for %scan3A_128 = %scan3A to %scan3A_47 step %scan3A_48  : i32 {
      %mul3A_129 = arith.constant 1 : i32
      %mul3A_130 = arith.muli %scan3A_128, %mul3A_129 : i32
      %add3A_131 = arith.constant 0 : i32
      %add3A_132 = arith.addi %add3A_131, %mul3A_130 : i32
      %scan3A_133 = arith.constant 0 : i32
      %scan3A_134 = arith.constant 8 : i32
      %scan3A_135 = arith.addi %scan3A_133, %scan3A_134 : i32
      %scan3A_136 = arith.constant 1 : i32
      scf.for %scan3A_138 = %scan3A_133 to %scan3A_135 step %scan3A_136  : i32 {
        %mul3A_139 = arith.constant 16 : i32
        %mul3A_140 = arith.muli %scan3A_138, %mul3A_139 : i32
        %add3A_141 = arith.constant 0 : i32
        %add3A_142 = arith.addi %add3A_141, %mul3A_140 : i32
        %broadcast_in_dim3A = arith.constant 0.000000e+00 : f32
        %broadcast_in_dim3A_143 = vector.broadcast %broadcast_in_dim3A : f32 to vector<16xf32>
        %swap3A = arith.constant 0 : i32
        %swap3A_144 = arith.index_cast %swap3A : i32 to index
        %swap3A_145 = arith.index_cast %add3A_132 : i32 to index
        %swap3A_146 = arith.index_cast %add3A_142 : i32 to index
        %swap3A_147 = tpu.vector_load %arg7[%swap3A_144, %swap3A_145, %swap3A_146] {strides = array<i32>} : memref<5x40x128xf32, #tpu.memory_space<vmem>>, vector<16xf32>,
        tpu.vector_store %arg7[%swap3A_144, %swap3A_145, %swap3A_146], %broadcast_in_dim3A_143 {strides = array<i32>} : memref<5x40x128xf32, #tpu.memory_space<vmem>>, vector<16xf32>,
      }
      %scan3A_137 = arith.constant 8 : i32
    }
    %scan3A_49 = arith.constant 40 : i32
    %scan3A_50 = arith.constant 0 : i32
    %scan3A_51 = arith.constant 16 : i32
    %scan3A_52 = arith.addi %scan3A_50, %scan3A_51 : i32
    %scan3A_53 = arith.constant 1 : i32
    scf.for %scan3A_128 = %scan3A_50 to %scan3A_52 step %scan3A_53  : i32 {
      %mul3A_129 = arith.constant 1 : i32
      %mul3A_130 = arith.muli %scan3A_128, %mul3A_129 : i32
      %add3A_131 = arith.constant 0 : i32
      %add3A_132 = arith.addi %add3A_131, %mul3A_130 : i32
      %mul3A_133 = arith.constant 640 : i32
      %mul3A_134 = arith.muli %arg1, %mul3A_133 : i32
      %mul3A_135 = arith.constant 40 : i32
      %mul3A_136 = arith.muli %add3A_132, %mul3A_135 : i32
      %add3A_137 = arith.addi %mul3A_134, %mul3A_136 : i32
      %run_scoped3A_138 = arith.constant 0 : i32
      "tpu.region"() ({
        %run_scoped3A_139 = tpu.sem_alloc : memref<!tpu.dma_semaphore, #tpu.memory_space<semaphore_mem>>
        %dma_start3A_140 = arith.constant 0 : i32
        %dma_start3A_141 = arith.constant 0 : i32
        %dma_start3A_142 = tpu.memref_slice %arg7[%run_scoped3A_138, %dma_start3A_140, %dma_start3A_141] : memref<5x40x128xf32, #tpu.memory_space<vmem>> -> memref<1x40x128xf32, #tpu.memory_space<vmem>>
        %dma_start3A_143 = tpu.memref_squeeze %dma_start3A_142 : memref<1x40x128xf32, #tpu.memory_space<vmem>> -> memref<40x128xf32, #tpu.memory_space<vmem>>
        %dma_start3A_144 = arith.constant 0 : i32
        %dma_start3A_145 = tpu.memref_slice %arg8[%add3A_137, %dma_start3A_144] : memref<10240x128xf32, #tpu.memory_space<vmem_shared>> -> memref<40x128xf32, #tpu.memory_space<vmem_shared>>
        %dma_start3A_146 = arith.constant 0 : i32
        %dma_start3A_147 = tpu.memref_slice %arg8[%add3A_137, %dma_start3A_146] : memref<10240x128xf32, #tpu.memory_space<vmem_shared>> -> memref<40x128xf32, #tpu.memory_space<vmem_shared>>
        %dma_start3A_148 = arith.constant 0 : i32
        %dma_start3A_149 = arith.constant 0 : i32
        %dma_start3A_150 = tpu.memref_slice %arg7[%run_scoped3A_138, %dma_start3A_148, %dma_start3A_149] : memref<5x40x128xf32, #tpu.memory_space<vmem>> -> memref<1x40x128xf32, #tpu.memory_space<vmem>>
        %dma_start3A_151 = tpu.memref_squeeze %dma_start3A_150 : memref<1x40x128xf32, #tpu.memory_space<vmem>> -> memref<40x128xf32, #tpu.memory_space<vmem>>
        tpu.enqueue_dma source(%dma_start3A_151 : memref<40x128xf32, #tpu.memory_space<vmem>>) target(%dma_start3A_147 : memref<40x128xf32, #tpu.memory_space<vmem_shared>>) target_semaphore(%run_scoped3A_139 : memref<!tpu.dma_semaphore, #tpu.memory_space<semaphore_mem>>)
        %dma_wait3A_152 = arith.constant 0 : i32
        %dma_wait3A_153 = arith.constant 0 : i32
        %dma_wait3A_154 = tpu.memref_slice %arg7[%run_scoped3A_138, %dma_wait3A_152, %dma_wait3A_153] : memref<5x40x128xf32, #tpu.memory_space<vmem>> -> memref<1x40x128xf32, #tpu.memory_space<vmem>>
        %dma_wait3A_155 = tpu.memref_squeeze %dma_wait3A_154 : memref<1x40x128xf32, #tpu.memory_space<vmem>> -> memref<40x128xf32, #tpu.memory_space<vmem>>
        %dma_wait3A_156 = arith.constant 0 : i32
        %dma_wait3A_157 = tpu.memref_slice %arg8[%add3A_137, %dma_wait3A_156] : memref<10240x128xf32, #tpu.memory_space<vmem_shared>> -> memref<40x128xf32, #tpu.memory_space<vmem_shared>>
        %dma_wait3A_158 = arith.constant 0 : i32
        %dma_wait3A_159 = tpu.memref_slice %arg8[%add3A_137, %dma_wait3A_158] : memref<10240x128xf32, #tpu.memory_space<vmem_shared>> -> memref<40x128xf32, #tpu.memory_space<vmem_shared>>
        %dma_wait3A_160 = arith.constant 0 : i32
        %dma_wait3A_161 = arith.constant 0 : i32
        %dma_wait3A_162 = tpu.memref_slice %arg7[%run_scoped3A_138, %dma_wait3A_160, %dma_wait3A_161] : memref<5x40x128xf32, #tpu.memory_space<vmem>> -> memref<1x40x128xf32, #tpu.memory_space<vmem>>
        %dma_wait3A_163 = tpu.memref_squeeze %dma_wait3A_162 : memref<1x40x128xf32, #tpu.memory_space<vmem>> -> memref<40x128xf32, #tpu.memory_space<vmem>>
        tpu.wait_dma2 semaphore(%run_scoped3A_139 : memref<!tpu.dma_semaphore, #tpu.memory_space<semaphore_mem>>) src(%dma_wait3A_163 : memref<40x128xf32, #tpu.memory_space<vmem>>) dst(%dma_wait3A_159 : memref<40x128xf32, #tpu.memory_space<vmem_shared>>)
        tpu.yield
      }) : () -> ()
    }
    %scan3A_54 = arith.constant 16 : i32
    %dma_start3A_55 = arith.constant 0 : i32
    %dma_start3A_56 = arith.constant 0 : i32
    %dma_start3A_57 = arith.constant 0 : i32
    %dma_start3A_58 = tpu.memref_slice %arg7[%dma_start3A_55, %dma_start3A_56, %dma_start3A_57] : memref<5x40x128xf32, #tpu.memory_space<vmem>> -> memref<1x40x128xf32, #tpu.memory_space<vmem>>
    %dma_start3A_59 = tpu.memref_squeeze %dma_start3A_58 : memref<1x40x128xf32, #tpu.memory_space<vmem>> -> memref<40x128xf32, #tpu.memory_space<vmem>>
    %dma_start3A_60 = arith.constant 0 : i32
    %dma_start3A_61 = tpu.memref_slice %arg5[%dma_start3A_60] : memref<10000xi32, #tpu.memory_space<vmem>> -> memref<40xi32, #tpu.memory_space<vmem>>
    %dma_start3A_62 = arith.constant 0 : i32
    %dma_start3A_63 = arith.constant 0 : i32
    %dma_start3A_64 = tpu.memref_slice %arg2[%dma_start3A_62, %dma_start3A_63] : memref<10000x128xf32, #tpu.memory_space<hbm>> -> memref<10000x128xf32, #tpu.memory_space<hbm>>
    tpu.enqueue_indirect_dma source(%dma_start3A_64 : memref<10000x128xf32, #tpu.memory_space<hbm>>) target(%dma_start3A_59 : memref<40x128xf32, #tpu.memory_space<vmem>>) offsets(%dma_start3A_61 : memref<40xi32, #tpu.memory_space<vmem>>) semaphore(%arg9 : memref<!tpu.dma_semaphore, #tpu.memory_space<semaphore_mem>>)
    %barrier3A = arith.constant 0 : index
    tpu.barrier barrier_id(%barrier3A)
    %scan3A_65 = arith.constant 0 : i32
    %scan3A_66 = arith.constant 49 : i32
    %scan3A_67 = arith.addi %scan3A_65, %scan3A_66 : i32
    %scan3A_68 = arith.constant 1 : i32
    scf.for %scan3A_128 = %scan3A_65 to %scan3A_67 step %scan3A_68  : i32 {
      %mul3A_129 = arith.constant 5 : i32
      %mul3A_130 = arith.muli %scan3A_128, %mul3A_129 : i32
      %add3A_131 = arith.constant 0 : i32
      %add3A_132 = arith.addi %add3A_131, %mul3A_130 : i32
      %add3A_133 = arith.constant 0 : i32
      %add3A_134 = arith.addi %add3A_132, %add3A_133 : i32
      %mul3A_135 = arith.constant 40 : i32
      %mul3A_136 = arith.muli %add3A_134, %mul3A_135 : i32
      %dma_wait3A_137 = arith.constant 0 : i32
      %dma_wait3A_138 = arith.constant 0 : i32
      %dma_wait3A_139 = arith.constant 0 : i32
      %dma_wait3A_140 = tpu.memref_slice %arg7[%dma_wait3A_137, %dma_wait3A_138, %dma_wait3A_139] : memref<5x40x128xf32, #tpu.memory_space<vmem>> -> memref<1x40x128xf32, #tpu.memory_space<vmem>>
      %dma_wait3A_141 = tpu.memref_squeeze %dma_wait3A_140 : memref<1x40x128xf32, #tpu.memory_space<vmem>> -> memref<40x128xf32, #tpu.memory_space<vmem>>
      %dma_wait3A_142 = tpu.memref_slice %arg5[%mul3A_136] : memref<10000xi32, #tpu.memory_space<vmem>> -> memref<40xi32, #tpu.memory_space<vmem>>
      %dma_wait3A_143 = arith.constant 0 : i32
      %dma_wait3A_144 = arith.constant 0 : i32
      %dma_wait3A_145 = tpu.memref_slice %arg2[%dma_wait3A_143, %dma_wait3A_144] : memref<10000x128xf32, #tpu.memory_space<hbm>> -> memref<10000x128xf32, #tpu.memory_space<hbm>>
      tpu.wait_indirect_dma semaphore(%arg9 : memref<!tpu.dma_semaphore, #tpu.memory_space<semaphore_mem>>) src(%dma_wait3A_145 : memref<10000x128xf32, #tpu.memory_space<hbm>>) dst(%dma_wait3A_141 : memref<40x128xf32, #tpu.memory_space<vmem>>)
      %add3A_146 = arith.constant 0 : i32
      %add3A_147 = arith.addi %add3A_132, %add3A_146 : i32
      %mul3A_148 = arith.constant 40 : i32
      %mul3A_149 = arith.muli %add3A_147, %mul3A_148 : i32
      %run_scoped3A_150 = arith.constant 0 : i32
      "tpu.region"() ({
        %run_scoped3A_298 = tpu.sem_alloc : memref<!tpu.dma_semaphore, #tpu.memory_space<semaphore_mem>>
        %dma_start3A_299 = arith.constant 0 : i32
        %dma_start3A_300 = arith.constant 0 : i32
        %dma_start3A_301 = tpu.memref_slice %arg7[%run_scoped3A_150, %dma_start3A_299, %dma_start3A_300] : memref<5x40x128xf32, #tpu.memory_space<vmem>> -> memref<1x40x128xf32, #tpu.memory_space<vmem>>
        %dma_start3A_302 = tpu.memref_squeeze %dma_start3A_301 : memref<1x40x128xf32, #tpu.memory_space<vmem>> -> memref<40x128xf32, #tpu.memory_space<vmem>>
        %dma_start3A_303 = tpu.memref_slice %arg6[%mul3A_149] : memref<10000xi32, #tpu.memory_space<vmem>> -> memref<40xi32, #tpu.memory_space<vmem>>
        %dma_start3A_304 = arith.constant 0 : i32
        %dma_start3A_305 = arith.constant 0 : i32
        %dma_start3A_306 = tpu.memref_slice %arg8[%dma_start3A_304, %dma_start3A_305] : memref<10240x128xf32, #tpu.memory_space<vmem_shared>> -> memref<10240x128xf32, #tpu.memory_space<vmem_shared>>
        tpu.enqueue_indirect_dma source(%dma_start3A_302 : memref<40x128xf32, #tpu.memory_space<vmem>>) target(%dma_start3A_306 : memref<10240x128xf32, #tpu.memory_space<vmem_shared>>) offsets(%dma_start3A_303 : memref<40xi32, #tpu.memory_space<vmem>>) semaphore(%run_scoped3A_298 : memref<!tpu.dma_semaphore, #tpu.memory_space<semaphore_mem>>) {add = true}
        %dma_wait3A_307 = arith.constant 0 : i32
        %dma_wait3A_308 = arith.constant 0 : i32
        %dma_wait3A_309 = tpu.memref_slice %arg7[%run_scoped3A_150, %dma_wait3A_307, %dma_wait3A_308] : memref<5x40x128xf32, #tpu.memory_space<vmem>> -> memref<1x40x128xf32, #tpu.memory_space<vmem>>
        %dma_wait3A_310 = tpu.memref_squeeze %dma_wait3A_309 : memref<1x40x128xf32, #tpu.memory_space<vmem>> -> memref<40x128xf32, #tpu.memory_space<vmem>>
        %dma_wait3A_311 = tpu.memref_slice %arg6[%mul3A_149] : memref<10000xi32, #tpu.memory_space<vmem>> -> memref<40xi32, #tpu.memory_space<vmem>>
        %dma_wait3A_312 = arith.constant 0 : i32
        %dma_wait3A_313 = arith.constant 0 : i32
        %dma_wait3A_314 = tpu.memref_slice %arg8[%dma_wait3A_312, %dma_wait3A_313] : memref<10240x128xf32, #tpu.memory_space<vmem_shared>> -> memref<10240x128xf32, #tpu.memory_space<vmem_shared>>
        tpu.wait_indirect_dma semaphore(%run_scoped3A_298 : memref<!tpu.dma_semaphore, #tpu.memory_space<semaphore_mem>>) src(%dma_wait3A_310 : memref<40x128xf32, #tpu.memory_space<vmem>>) dst(%dma_wait3A_314 : memref<10240x128xf32, #tpu.memory_space<vmem_shared>>)
        tpu.yield
      }) : () -> ()
      %add3A_151 = arith.constant 0 : i32
      %add3A_152 = arith.addi %add3A_132, %add3A_151 : i32
      %add3A_153 = arith.constant 5 : i32
      %add3A_154 = arith.addi %add3A_152, %add3A_153 : i32
      %mul3A_155 = arith.constant 40 : i32
      %mul3A_156 = arith.muli %add3A_154, %mul3A_155 : i32
      %dma_start3A_157 = arith.constant 0 : i32
      %dma_start3A_158 = arith.constant 0 : i32
      %dma_start3A_159 = arith.constant 0 : i32
      %dma_start3A_160 = tpu.memref_slice %arg7[%dma_start3A_157, %dma_start3A_158, %dma_start3A_159] : memref<5x40x128xf32, #tpu.memory_space<vmem>> -> memref<1x40x128xf32, #tpu.memory_space<vmem>>
      %dma_start3A_161 = tpu.memref_squeeze %dma_start3A_160 : memref<1x40x128xf32, #tpu.memory_space<vmem>> -> memref<40x128xf32, #tpu.memory_space<vmem>>
      %dma_start3A_162 = tpu.memref_slice %arg5[%mul3A_156] : memref<10000xi32, #tpu.memory_space<vmem>> -> memref<40xi32, #tpu.memory_space<vmem>>
      %dma_start3A_163 = arith.constant 0 : i32
      %dma_start3A_164 = arith.constant 0 : i32
      %dma_start3A_165 = tpu.memref_slice %arg2[%dma_start3A_163, %dma_start3A_164] : memref<10000x128xf32, #tpu.memory_space<hbm>> -> memref<10000x128xf32, #tpu.memory_space<hbm>>
      tpu.enqueue_indirect_dma source(%dma_start3A_165 : memref<10000x128xf32, #tpu.memory_space<hbm>>) target(%dma_start3A_161 : memref<40x128xf32, #tpu.memory_space<vmem>>) offsets(%dma_start3A_162 : memref<40xi32, #tpu.memory_space<vmem>>) semaphore(%arg9 : memref<!tpu.dma_semaphore, #tpu.memory_space<semaphore_mem>>)
      %add3A_166 = arith.constant 1 : i32
      %add3A_167 = arith.addi %add3A_132, %add3A_166 : i32
      %mul3A_168 = arith.constant 40 : i32
      %mul3A_169 = arith.muli %add3A_167, %mul3A_168 : i32
      %dma_wait3A_170 = arith.constant 1 : i32
      %dma_wait3A_171 = arith.constant 0 : i32
      %dma_wait3A_172 = arith.constant 0 : i32
      %dma_wait3A_173 = tpu.memref_slice %arg7[%dma_wait3A_170, %dma_wait3A_171, %dma_wait3A_172] : memref<5x40x128xf32, #tpu.memory_space<vmem>> -> memref<1x40x128xf32, #tpu.memory_space<vmem>>
      %dma_wait3A_174 = tpu.memref_squeeze %dma_wait3A_173 : memref<1x40x128xf32, #tpu.memory_space<vmem>> -> memref<40x128xf32, #tpu.memory_space<vmem>>
      %dma_wait3A_175 = tpu.memref_slice %arg5[%mul3A_169] : memref<10000xi32, #tpu.memory_space<vmem>> -> memref<40xi32, #tpu.memory_space<vmem>>
      %dma_wait3A_176 = arith.constant 0 : i32
      %dma_wait3A_177 = arith.constant 0 : i32
      %dma_wait3A_178 = tpu.memref_slice %arg2[%dma_wait3A_176, %dma_wait3A_177] : memref<10000x128xf32, #tpu.memory_space<hbm>> -> memref<10000x128xf32, #tpu.memory_space<hbm>>
      tpu.wait_indirect_dma semaphore(%arg10 : memref<!tpu.dma_semaphore, #tpu.memory_space<semaphore_mem>>) src(%dma_wait3A_178 : memref<10000x128xf32, #tpu.memory_space<hbm>>) dst(%dma_wait3A_174 : memref<40x128xf32, #tpu.memory_space<vmem>>)
      %add3A_179 = arith.constant 1 : i32
      %add3A_180 = arith.addi %add3A_132, %add3A_179 : i32
      %mul3A_181 = arith.constant 40 : i32
      %mul3A_182 = arith.muli %add3A_180, %mul3A_181 : i32
      %run_scoped3A_183 = arith.constant 1 : i32
      "tpu.region"() ({
        %run_scoped3A_298 = tpu.sem_alloc : memref<!tpu.dma_semaphore, #tpu.memory_space<semaphore_mem>>
        %dma_start3A_299 = arith.constant 0 : i32
        %dma_start3A_300 = arith.constant 0 : i32
        %dma_start3A_301 = tpu.memref_slice %arg7[%run_scoped3A_183, %dma_start3A_299, %dma_start3A_300] : memref<5x40x128xf32, #tpu.memory_space<vmem>> -> memref<1x40x128xf32, #tpu.memory_space<vmem>>
        %dma_start3A_302 = tpu.memref_squeeze %dma_start3A_301 : memref<1x40x128xf32, #tpu.memory_space<vmem>> -> memref<40x128xf32, #tpu.memory_space<vmem>>
        %dma_start3A_303 = tpu.memref_slice %arg6[%mul3A_182] : memref<10000xi32, #tpu.memory_space<vmem>> -> memref<40xi32, #tpu.memory_space<vmem>>
        %dma_start3A_304 = arith.constant 0 : i32
        %dma_start3A_305 = arith.constant 0 : i32
        %dma_start3A_306 = tpu.memref_slice %arg8[%dma_start3A_304, %dma_start3A_305] : memref<10240x128xf32, #tpu.memory_space<vmem_shared>> -> memref<10240x128xf32, #tpu.memory_space<vmem_shared>>
        tpu.enqueue_indirect_dma source(%dma_start3A_302 : memref<40x128xf32, #tpu.memory_space<vmem>>) target(%dma_start3A_306 : memref<10240x128xf32, #tpu.memory_space<vmem_shared>>) offsets(%dma_start3A_303 : memref<40xi32, #tpu.memory_space<vmem>>) semaphore(%run_scoped3A_298 : memref<!tpu.dma_semaphore, #tpu.memory_space<semaphore_mem>>) {add = true}
        %dma_wait3A_307 = arith.constant 0 : i32
        %dma_wait3A_308 = arith.constant 0 : i32
        %dma_wait3A_309 = tpu.memref_slice %arg7[%run_scoped3A_183, %dma_wait3A_307, %dma_wait3A_308] : memref<5x40x128xf32, #tpu.memory_space<vmem>> -> memref<1x40x128xf32, #tpu.memory_space<vmem>>
        %dma_wait3A_310 = tpu.memref_squeeze %dma_wait3A_309 : memref<1x40x128xf32, #tpu.memory_space<vmem>> -> memref<40x128xf32, #tpu.memory_space<vmem>>
        %dma_wait3A_311 = tpu.memref_slice %arg6[%mul3A_182] : memref<10000xi32, #tpu.memory_space<vmem>> -> memref<40xi32, #tpu.memory_space<vmem>>
        %dma_wait3A_312 = arith.constant 0 : i32
        %dma_wait3A_313 = arith.constant 0 : i32
        %dma_wait3A_314 = tpu.memref_slice %arg8[%dma_wait3A_312, %dma_wait3A_313] : memref<10240x128xf32, #tpu.memory_space<vmem_shared>> -> memref<10240x128xf32, #tpu.memory_space<vmem_shared>>
        tpu.wait_indirect_dma semaphore(%run_scoped3A_298 : memref<!tpu.dma_semaphore, #tpu.memory_space<semaphore_mem>>) src(%dma_wait3A_310 : memref<40x128xf32, #tpu.memory_space<vmem>>) dst(%dma_wait3A_314 : memref<10240x128xf32, #tpu.memory_space<vmem_shared>>)
        tpu.yield
      }) : () -> ()
      %add3A_184 = arith.constant 1 : i32
      %add3A_185 = arith.addi %add3A_132, %add3A_184 : i32
      %add3A_186 = arith.constant 5 : i32
      %add3A_187 = arith.addi %add3A_185, %add3A_186 : i32
      %mul3A_188 = arith.constant 40 : i32
      %mul3A_189 = arith.muli %add3A_187, %mul3A_188 : i32
      %dma_start3A_190 = arith.constant 1 : i32
      %dma_start3A_191 = arith.constant 0 : i32
      %dma_start3A_192 = arith.constant 0 : i32
      %dma_start3A_193 = tpu.memref_slice %arg7[%dma_start3A_190, %dma_start3A_191, %dma_start3A_192] : memref<5x40x128xf32, #tpu.memory_space<vmem>> -> memref<1x40x128xf32, #tpu.memory_space<vmem>>
      %dma_start3A_194 = tpu.memref_squeeze %dma_start3A_193 : memref<1x40x128xf32, #tpu.memory_space<vmem>> -> memref<40x128xf32, #tpu.memory_space<vmem>>
      %dma_start3A_195 = tpu.memref_slice %arg5[%mul3A_189] : memref<10000xi32, #tpu.memory_space<vmem>> -> memref<40xi32, #tpu.memory_space<vmem>>
      %dma_start3A_196 = arith.constant 0 : i32
      %dma_start3A_197 = arith.constant 0 : i32
      %dma_start3A_198 = tpu.memref_slice %arg2[%dma_start3A_196, %dma_start3A_197] : memref<10000x128xf32, #tpu.memory_space<hbm>> -> memref<10000x128xf32, #tpu.memory_space<hbm>>
      tpu.enqueue_indirect_dma source(%dma_start3A_198 : memref<10000x128xf32, #tpu.memory_space<hbm>>) target(%dma_start3A_194 : memref<40x128xf32, #tpu.memory_space<vmem>>) offsets(%dma_start3A_195 : memref<40xi32, #tpu.memory_space<vmem>>) semaphore(%arg10 : memref<!tpu.dma_semaphore, #tpu.memory_space<semaphore_mem>>)
      %add3A_199 = arith.constant 2 : i32
      %add3A_200 = arith.addi %add3A_132, %add3A_199 : i32
      %mul3A_201 = arith.constant 40 : i32
      %mul3A_202 = arith.muli %add3A_200, %mul3A_201 : i32
      %dma_wait3A_203 = arith.constant 2 : i32
      %dma_wait3A_204 = arith.constant 0 : i32
      %dma_wait3A_205 = arith.constant 0 : i32
      %dma_wait3A_206 = tpu.memref_slice %arg7[%dma_wait3A_203, %dma_wait3A_204, %dma_wait3A_205] : memref<5x40x128xf32, #tpu.memory_space<vmem>> -> memref<1x40x128xf32, #tpu.memory_space<vmem>>
      %dma_wait3A_207 = tpu.memref_squeeze %dma_wait3A_206 : memref<1x40x128xf32, #tpu.memory_space<vmem>> -> memref<40x128xf32, #tpu.memory_space<vmem>>
      %dma_wait3A_208 = tpu.memref_slice %arg5[%mul3A_202] : memref<10000xi32, #tpu.memory_space<vmem>> -> memref<40xi32, #tpu.memory_space<vmem>>
      %dma_wait3A_209 = arith.constant 0 : i32
      %dma_wait3A_210 = arith.constant 0 : i32
      %dma_wait3A_211 = tpu.memref_slice %arg2[%dma_wait3A_209, %dma_wait3A_210] : memref<10000x128xf32, #tpu.memory_space<hbm>> -> memref<10000x128xf32, #tpu.memory_space<hbm>>
      tpu.wait_indirect_dma semaphore(%arg11 : memref<!tpu.dma_semaphore, #tpu.memory_space<semaphore_mem>>) src(%dma_wait3A_211 : memref<10000x128xf32, #tpu.memory_space<hbm>>) dst(%dma_wait3A_207 : memref<40x128xf32, #tpu.memory_space<vmem>>)
      %add3A_212 = arith.constant 2 : i32
      %add3A_213 = arith.addi %add3A_132, %add3A_212 : i32
      %mul3A_214 = arith.constant 40 : i32
      %mul3A_215 = arith.muli %add3A_213, %mul3A_214 : i32
      %run_scoped3A_216 = arith.constant 2 : i32
      "tpu.region"() ({
        %run_scoped3A_298 = tpu.sem_alloc : memref<!tpu.dma_semaphore, #tpu.memory_space<semaphore_mem>>
        %dma_start3A_299 = arith.constant 0 : i32
        %dma_start3A_300 = arith.constant 0 : i32
        %dma_start3A_301 = tpu.memref_slice %arg7[%run_scoped3A_216, %dma_start3A_299, %dma_start3A_300] : memref<5x40x128xf32, #tpu.memory_space<vmem>> -> memref<1x40x128xf32, #tpu.memory_space<vmem>>
        %dma_start3A_302 = tpu.memref_squeeze %dma_start3A_301 : memref<1x40x128xf32, #tpu.memory_space<vmem>> -> memref<40x128xf32, #tpu.memory_space<vmem>>
        %dma_start3A_303 = tpu.memref_slice %arg6[%mul3A_215] : memref<10000xi32, #tpu.memory_space<vmem>> -> memref<40xi32, #tpu.memory_space<vmem>>
        %dma_start3A_304 = arith.constant 0 : i32
        %dma_start3A_305 = arith.constant 0 : i32
        %dma_start3A_306 = tpu.memref_slice %arg8[%dma_start3A_304, %dma_start3A_305] : memref<10240x128xf32, #tpu.memory_space<vmem_shared>> -> memref<10240x128xf32, #tpu.memory_space<vmem_shared>>
        tpu.enqueue_indirect_dma source(%dma_start3A_302 : memref<40x128xf32, #tpu.memory_space<vmem>>) target(%dma_start3A_306 : memref<10240x128xf32, #tpu.memory_space<vmem_shared>>) offsets(%dma_start3A_303 : memref<40xi32, #tpu.memory_space<vmem>>) semaphore(%run_scoped3A_298 : memref<!tpu.dma_semaphore, #tpu.memory_space<semaphore_mem>>) {add = true}
        %dma_wait3A_307 = arith.constant 0 : i32
        %dma_wait3A_308 = arith.constant 0 : i32
        %dma_wait3A_309 = tpu.memref_slice %arg7[%run_scoped3A_216, %dma_wait3A_307, %dma_wait3A_308] : memref<5x40x128xf32, #tpu.memory_space<vmem>> -> memref<1x40x128xf32, #tpu.memory_space<vmem>>
        %dma_wait3A_310 = tpu.memref_squeeze %dma_wait3A_309 : memref<1x40x128xf32, #tpu.memory_space<vmem>> -> memref<40x128xf32, #tpu.memory_space<vmem>>
        %dma_wait3A_311 = tpu.memref_slice %arg6[%mul3A_215] : memref<10000xi32, #tpu.memory_space<vmem>> -> memref<40xi32, #tpu.memory_space<vmem>>
        %dma_wait3A_312 = arith.constant 0 : i32
        %dma_wait3A_313 = arith.constant 0 : i32
        %dma_wait3A_314 = tpu.memref_slice %arg8[%dma_wait3A_312, %dma_wait3A_313] : memref<10240x128xf32, #tpu.memory_space<vmem_shared>> -> memref<10240x128xf32, #tpu.memory_space<vmem_shared>>
        tpu.wait_indirect_dma semaphore(%run_scoped3A_298 : memref<!tpu.dma_semaphore, #tpu.memory_space<semaphore_mem>>) src(%dma_wait3A_310 : memref<40x128xf32, #tpu.memory_space<vmem>>) dst(%dma_wait3A_314 : memref<10240x128xf32, #tpu.memory_space<vmem_shared>>)
        tpu.yield
      }) : () -> ()
      %add3A_217 = arith.constant 2 : i32
      %add3A_218 = arith.addi %add3A_132, %add3A_217 : i32
      %add3A_219 = arith.constant 5 : i32
      %add3A_220 = arith.addi %add3A_218, %add3A_219 : i32
      %mul3A_221 = arith.constant 40 : i32
      %mul3A_222 = arith.muli %add3A_220, %mul3A_221 : i32
      %dma_start3A_223 = arith.constant 2 : i32
      %dma_start3A_224 = arith.constant 0 : i32
      %dma_start3A_225 = arith.constant 0 : i32
      %dma_start3A_226 = tpu.memref_slice %arg7[%dma_start3A_223, %dma_start3A_224, %dma_start3A_225] : memref<5x40x128xf32, #tpu.memory_space<vmem>> -> memref<1x40x128xf32, #tpu.memory_space<vmem>>
      %dma_start3A_227 = tpu.memref_squeeze %dma_start3A_226 : memref<1x40x128xf32, #tpu.memory_space<vmem>> -> memref<40x128xf32, #tpu.memory_space<vmem>>
      %dma_start3A_228 = tpu.memref_slice %arg5[%mul3A_222] : memref<10000xi32, #tpu.memory_space<vmem>> -> memref<40xi32, #tpu.memory_space<vmem>>
      %dma_start3A_229 = arith.constant 0 : i32
      %dma_start3A_230 = arith.constant 0 : i32
      %dma_start3A_231 = tpu.memref_slice %arg2[%dma_start3A_229, %dma_start3A_230] : memref<10000x128xf32, #tpu.memory_space<hbm>> -> memref<10000x128xf32, #tpu.memory_space<hbm>>
      tpu.enqueue_indirect_dma source(%dma_start3A_231 : memref<10000x128xf32, #tpu.memory_space<hbm>>) target(%dma_start3A_227 : memref<40x128xf32, #tpu.memory_space<vmem>>) offsets(%dma_start3A_228 : memref<40xi32, #tpu.memory_space<vmem>>) semaphore(%arg11 : memref<!tpu.dma_semaphore, #tpu.memory_space<semaphore_mem>>)
      %add3A_232 = arith.constant 3 : i32
      %add3A_233 = arith.addi %add3A_132, %add3A_232 : i32
      %mul3A_234 = arith.constant 40 : i32
      %mul3A_235 = arith.muli %add3A_233, %mul3A_234 : i32
      %dma_wait3A_236 = arith.constant 3 : i32
      %dma_wait3A_237 = arith.constant 0 : i32
      %dma_wait3A_238 = arith.constant 0 : i32
      %dma_wait3A_239 = tpu.memref_slice %arg7[%dma_wait3A_236, %dma_wait3A_237, %dma_wait3A_238] : memref<5x40x128xf32, #tpu.memory_space<vmem>> -> memref<1x40x128xf32, #tpu.memory_space<vmem>>
      %dma_wait3A_240 = tpu.memref_squeeze %dma_wait3A_239 : memref<1x40x128xf32, #tpu.memory_space<vmem>> -> memref<40x128xf32, #tpu.memory_space<vmem>>
      %dma_wait3A_241 = tpu.memref_slice %arg5[%mul3A_235] : memref<10000xi32, #tpu.memory_space<vmem>> -> memref<40xi32, #tpu.memory_space<vmem>>
      %dma_wait3A_242 = arith.constant 0 : i32
      %dma_wait3A_243 = arith.constant 0 : i32
      %dma_wait3A_244 = tpu.memref_slice %arg2[%dma_wait3A_242, %dma_wait3A_243] : memref<10000x128xf32, #tpu.memory_space<hbm>> -> memref<10000x128xf32, #tpu.memory_space<hbm>>
      tpu.wait_indirect_dma semaphore(%arg12 : memref<!tpu.dma_semaphore, #tpu.memory_space<semaphore_mem>>) src(%dma_wait3A_244 : memref<10000x128xf32, #tpu.memory_space<hbm>>) dst(%dma_wait3A_240 : memref<40x128xf32, #tpu.memory_space<vmem>>)
      %add3A_245 = arith.constant 3 : i32
      %add3A_246 = arith.addi %add3A_132, %add3A_245 : i32
      %mul3A_247 = arith.constant 40 : i32
      %mul3A_248 = arith.muli %add3A_246, %mul3A_247 : i32
      %run_scoped3A_249 = arith.constant 3 : i32
      "tpu.region"() ({
        %run_scoped3A_298 = tpu.sem_alloc : memref<!tpu.dma_semaphore, #tpu.memory_space<semaphore_mem>>
        %dma_start3A_299 = arith.constant 0 : i32
        %dma_start3A_300 = arith.constant 0 : i32
        %dma_start3A_301 = tpu.memref_slice %arg7[%run_scoped3A_249, %dma_start3A_299, %dma_start3A_300] : memref<5x40x128xf32, #tpu.memory_space<vmem>> -> memref<1x40x128xf32, #tpu.memory_space<vmem>>
        %dma_start3A_302 = tpu.memref_squeeze %dma_start3A_301 : memref<1x40x128xf32, #tpu.memory_space<vmem>> -> memref<40x128xf32, #tpu.memory_space<vmem>>
        %dma_start3A_303 = tpu.memref_slice %arg6[%mul3A_248] : memref<10000xi32, #tpu.memory_space<vmem>> -> memref<40xi32, #tpu.memory_space<vmem>>
        %dma_start3A_304 = arith.constant 0 : i32
        %dma_start3A_305 = arith.constant 0 : i32
        %dma_start3A_306 = tpu.memref_slice %arg8[%dma_start3A_304, %dma_start3A_305] : memref<10240x128xf32, #tpu.memory_space<vmem_shared>> -> memref<10240x128xf32, #tpu.memory_space<vmem_shared>>
        tpu.enqueue_indirect_dma source(%dma_start3A_302 : memref<40x128xf32, #tpu.memory_space<vmem>>) target(%dma_start3A_306 : memref<10240x128xf32, #tpu.memory_space<vmem_shared>>) offsets(%dma_start3A_303 : memref<40xi32, #tpu.memory_space<vmem>>) semaphore(%run_scoped3A_298 : memref<!tpu.dma_semaphore, #tpu.memory_space<semaphore_mem>>) {add = true}
        %dma_wait3A_307 = arith.constant 0 : i32
        %dma_wait3A_308 = arith.constant 0 : i32
        %dma_wait3A_309 = tpu.memref_slice %arg7[%run_scoped3A_249, %dma_wait3A_307, %dma_wait3A_308] : memref<5x40x128xf32, #tpu.memory_space<vmem>> -> memref<1x40x128xf32, #tpu.memory_space<vmem>>
        %dma_wait3A_310 = tpu.memref_squeeze %dma_wait3A_309 : memref<1x40x128xf32, #tpu.memory_space<vmem>> -> memref<40x128xf32, #tpu.memory_space<vmem>>
        %dma_wait3A_311 = tpu.memref_slice %arg6[%mul3A_248] : memref<10000xi32, #tpu.memory_space<vmem>> -> memref<40xi32, #tpu.memory_space<vmem>>
        %dma_wait3A_312 = arith.constant 0 : i32
        %dma_wait3A_313 = arith.constant 0 : i32
        %dma_wait3A_314 = tpu.memref_slice %arg8[%dma_wait3A_312, %dma_wait3A_313] : memref<10240x128xf32, #tpu.memory_space<vmem_shared>> -> memref<10240x128xf32, #tpu.memory_space<vmem_shared>>
        tpu.wait_indirect_dma semaphore(%run_scoped3A_298 : memref<!tpu.dma_semaphore, #tpu.memory_space<semaphore_mem>>) src(%dma_wait3A_310 : memref<40x128xf32, #tpu.memory_space<vmem>>) dst(%dma_wait3A_314 : memref<10240x128xf32, #tpu.memory_space<vmem_shared>>)
        tpu.yield
      }) : () -> ()
      %add3A_250 = arith.constant 3 : i32
      %add3A_251 = arith.addi %add3A_132, %add3A_250 : i32
      %add3A_252 = arith.constant 5 : i32
      %add3A_253 = arith.addi %add3A_251, %add3A_252 : i32
      %mul3A_254 = arith.constant 40 : i32
      %mul3A_255 = arith.muli %add3A_253, %mul3A_254 : i32
      %dma_start3A_256 = arith.constant 3 : i32
      %dma_start3A_257 = arith.constant 0 : i32
      %dma_start3A_258 = arith.constant 0 : i32
      %dma_start3A_259 = tpu.memref_slice %arg7[%dma_start3A_256, %dma_start3A_257, %dma_start3A_258] : memref<5x40x128xf32, #tpu.memory_space<vmem>> -> memref<1x40x128xf32, #tpu.memory_space<vmem>>
      %dma_start3A_260 = tpu.memref_squeeze %dma_start3A_259 : memref<1x40x128xf32, #tpu.memory_space<vmem>> -> memref<40x128xf32, #tpu.memory_space<vmem>>
      %dma_start3A_261 = tpu.memref_slice %arg5[%mul3A_255] : memref<10000xi32, #tpu.memory_space<vmem>> -> memref<40xi32, #tpu.memory_space<vmem>>
      %dma_start3A_262 = arith.constant 0 : i32
      %dma_start3A_263 = arith.constant 0 : i32
      %dma_start3A_264 = tpu.memref_slice %arg2[%dma_start3A_262, %dma_start3A_263] : memref<10000x128xf32, #tpu.memory_space<hbm>> -> memref<10000x128xf32, #tpu.memory_space<hbm>>
      tpu.enqueue_indirect_dma source(%dma_start3A_264 : memref<10000x128xf32, #tpu.memory_space<hbm>>) target(%dma_start3A_260 : memref<40x128xf32, #tpu.memory_space<vmem>>) offsets(%dma_start3A_261 : memref<40xi32, #tpu.memory_space<vmem>>) semaphore(%arg12 : memref<!tpu.dma_semaphore, #tpu.memory_space<semaphore_mem>>)
      %add3A_265 = arith.constant 4 : i32
      %add3A_266 = arith.addi %add3A_132, %add3A_265 : i32
      %mul3A_267 = arith.constant 40 : i32
      %mul3A_268 = arith.muli %add3A_266, %mul3A_267 : i32
      %dma_wait3A_269 = arith.constant 4 : i32
      %dma_wait3A_270 = arith.constant 0 : i32
      %dma_wait3A_271 = arith.constant 0 : i32
      %dma_wait3A_272 = tpu.memref_slice %arg7[%dma_wait3A_269, %dma_wait3A_270, %dma_wait3A_271] : memref<5x40x128xf32, #tpu.memory_space<vmem>> -> memref<1x40x128xf32, #tpu.memory_space<vmem>>
      %dma_wait3A_273 = tpu.memref_squeeze %dma_wait3A_272 : memref<1x40x128xf32, #tpu.memory_space<vmem>> -> memref<40x128xf32, #tpu.memory_space<vmem>>
      %dma_wait3A_274 = tpu.memref_slice %arg5[%mul3A_268] : memref<10000xi32, #tpu.memory_space<vmem>> -> memref<40xi32, #tpu.memory_space<vmem>>
      %dma_wait3A_275 = arith.constant 0 : i32
      %dma_wait3A_276 = arith.constant 0 : i32
      %dma_wait3A_277 = tpu.memref_slice %arg2[%dma_wait3A_275, %dma_wait3A_276] : memref<10000x128xf32, #tpu.memory_space<hbm>> -> memref<10000x128xf32, #tpu.memory_space<hbm>>
      tpu.wait_indirect_dma semaphore(%arg13 : memref<!tpu.dma_semaphore, #tpu.memory_space<semaphore_mem>>) src(%dma_wait3A_277 : memref<10000x128xf32, #tpu.memory_space<hbm>>) dst(%dma_wait3A_273 : memref<40x128xf32, #tpu.memory_space<vmem>>)
      %add3A_278 = arith.constant 4 : i32
      %add3A_279 = arith.addi %add3A_132, %add3A_278 : i32
      %mul3A_280 = arith.constant 40 : i32
      %mul3A_281 = arith.muli %add3A_279, %mul3A_280 : i32
      %run_scoped3A_282 = arith.constant 4 : i32
      "tpu.region"() ({
        %run_scoped3A_298 = tpu.sem_alloc : memref<!tpu.dma_semaphore, #tpu.memory_space<semaphore_mem>>
        %dma_start3A_299 = arith.constant 0 : i32
        %dma_start3A_300 = arith.constant 0 : i32
        %dma_start3A_301 = tpu.memref_slice %arg7[%run_scoped3A_282, %dma_start3A_299, %dma_start3A_300] : memref<5x40x128xf32, #tpu.memory_space<vmem>> -> memref<1x40x128xf32, #tpu.memory_space<vmem>>
        %dma_start3A_302 = tpu.memref_squeeze %dma_start3A_301 : memref<1x40x128xf32, #tpu.memory_space<vmem>> -> memref<40x128xf32, #tpu.memory_space<vmem>>
        %dma_start3A_303 = tpu.memref_slice %arg6[%mul3A_281] : memref<10000xi32, #tpu.memory_space<vmem>> -> memref<40xi32, #tpu.memory_space<vmem>>
        %dma_start3A_304 = arith.constant 0 : i32
        %dma_start3A_305 = arith.constant 0 : i32
        %dma_start3A_306 = tpu.memref_slice %arg8[%dma_start3A_304, %dma_start3A_305] : memref<10240x128xf32, #tpu.memory_space<vmem_shared>> -> memref<10240x128xf32, #tpu.memory_space<vmem_shared>>
        tpu.enqueue_indirect_dma source(%dma_start3A_302 : memref<40x128xf32, #tpu.memory_space<vmem>>) target(%dma_start3A_306 : memref<10240x128xf32, #tpu.memory_space<vmem_shared>>) offsets(%dma_start3A_303 : memref<40xi32, #tpu.memory_space<vmem>>) semaphore(%run_scoped3A_298 : memref<!tpu.dma_semaphore, #tpu.memory_space<semaphore_mem>>) {add = true}
        %dma_wait3A_307 = arith.constant 0 : i32
        %dma_wait3A_308 = arith.constant 0 : i32
        %dma_wait3A_309 = tpu.memref_slice %arg7[%run_scoped3A_282, %dma_wait3A_307, %dma_wait3A_308] : memref<5x40x128xf32, #tpu.memory_space<vmem>> -> memref<1x40x128xf32, #tpu.memory_space<vmem>>
        %dma_wait3A_310 = tpu.memref_squeeze %dma_wait3A_309 : memref<1x40x128xf32, #tpu.memory_space<vmem>> -> memref<40x128xf32, #tpu.memory_space<vmem>>
        %dma_wait3A_311 = tpu.memref_slice %arg6[%mul3A_281] : memref<10000xi32, #tpu.memory_space<vmem>> -> memref<40xi32, #tpu.memory_space<vmem>>
        %dma_wait3A_312 = arith.constant 0 : i32
        %dma_wait3A_313 = arith.constant 0 : i32
        %dma_wait3A_314 = tpu.memref_slice %arg8[%dma_wait3A_312, %dma_wait3A_313] : memref<10240x128xf32, #tpu.memory_space<vmem_shared>> -> memref<10240x128xf32, #tpu.memory_space<vmem_shared>>
        tpu.wait_indirect_dma semaphore(%run_scoped3A_298 : memref<!tpu.dma_semaphore, #tpu.memory_space<semaphore_mem>>) src(%dma_wait3A_310 : memref<40x128xf32, #tpu.memory_space<vmem>>) dst(%dma_wait3A_314 : memref<10240x128xf32, #tpu.memory_space<vmem_shared>>)
        tpu.yield
      }) : () -> ()
      %add3A_283 = arith.constant 4 : i32
      %add3A_284 = arith.addi %add3A_132, %add3A_283 : i32
      %add3A_285 = arith.constant 5 : i32
      %add3A_286 = arith.addi %add3A_284, %add3A_285 : i32
      %mul3A_287 = arith.constant 40 : i32
      %mul3A_288 = arith.muli %add3A_286, %mul3A_287 : i32
      %dma_start3A_289 = arith.constant 4 : i32
      %dma_start3A_290 = arith.constant 0 : i32
      %dma_start3A_291 = arith.constant 0 : i32
      %dma_start3A_292 = tpu.memref_slice %arg7[%dma_start3A_289, %dma_start3A_290, %dma_start3A_291] : memref<5x40x128xf32, #tpu.memory_space<vmem>> -> memref<1x40x128xf32, #tpu.memory_space<vmem>>
      %dma_start3A_293 = tpu.memref_squeeze %dma_start3A_292 : memref<1x40x128xf32, #tpu.memory_space<vmem>> -> memref<40x128xf32, #tpu.memory_space<vmem>>
      %dma_start3A_294 = tpu.memref_slice %arg5[%mul3A_288] : memref<10000xi32, #tpu.memory_space<vmem>> -> memref<40xi32, #tpu.memory_space<vmem>>
      %dma_start3A_295 = arith.constant 0 : i32
      %dma_start3A_296 = arith.constant 0 : i32
      %dma_start3A_297 = tpu.memref_slice %arg2[%dma_start3A_295, %dma_start3A_296] : memref<10000x128xf32, #tpu.memory_space<hbm>> -> memref<10000x128xf32, #tpu.memory_space<hbm>>
      tpu.enqueue_indirect_dma source(%dma_start3A_297 : memref<10000x128xf32, #tpu.memory_space<hbm>>) target(%dma_start3A_293 : memref<40x128xf32, #tpu.memory_space<vmem>>) offsets(%dma_start3A_294 : memref<40xi32, #tpu.memory_space<vmem>>) semaphore(%arg13 : memref<!tpu.dma_semaphore, #tpu.memory_space<semaphore_mem>>)
    }
    %scan3A_69 = arith.constant 49 : i32
    %dma_wait3A = arith.constant 0 : i32
    %dma_wait3A_70 = arith.constant 0 : i32
    %dma_wait3A_71 = arith.constant 0 : i32
    %dma_wait3A_72 = tpu.memref_slice %arg7[%dma_wait3A, %dma_wait3A_70, %dma_wait3A_71] : memref<5x40x128xf32, #tpu.memory_space<vmem>> -> memref<1x40x128xf32, #tpu.memory_space<vmem>>
    %dma_wait3A_73 = tpu.memref_squeeze %dma_wait3A_72 : memref<1x40x128xf32, #tpu.memory_space<vmem>> -> memref<40x128xf32, #tpu.memory_space<vmem>>
    %dma_wait3A_74 = arith.constant 9800 : i32
    %dma_wait3A_75 = tpu.memref_slice %arg5[%dma_wait3A_74] : memref<10000xi32, #tpu.memory_space<vmem>> -> memref<40xi32, #tpu.memory_space<vmem>>
    %dma_wait3A_76 = arith.constant 0 : i32
    %dma_wait3A_77 = arith.constant 0 : i32
    %dma_wait3A_78 = tpu.memref_slice %arg2[%dma_wait3A_76, %dma_wait3A_77] : memref<10000x128xf32, #tpu.memory_space<hbm>> -> memref<10000x128xf32, #tpu.memory_space<hbm>>
    tpu.wait_indirect_dma semaphore(%arg9 : memref<!tpu.dma_semaphore, #tpu.memory_space<semaphore_mem>>) src(%dma_wait3A_78 : memref<10000x128xf32, #tpu.memory_space<hbm>>) dst(%dma_wait3A_73 : memref<40x128xf32, #tpu.memory_space<vmem>>)
    %run_scoped3A = arith.constant 0 : i32
    "tpu.region"() ({
      %run_scoped3A_128 = tpu.sem_alloc : memref<!tpu.dma_semaphore, #tpu.memory_space<semaphore_mem>>
      %dma_start3A_129 = arith.constant 0 : i32
      %dma_start3A_130 = arith.constant 0 : i32
      %dma_start3A_131 = tpu.memref_slice %arg7[%run_scoped3A, %dma_start3A_129, %dma_start3A_130] : memref<5x40x128xf32, #tpu.memory_space<vmem>> -> memref<1x40x128xf32, #tpu.memory_space<vmem>>
      %dma_start3A_132 = tpu.memref_squeeze %dma_start3A_131 : memref<1x40x128xf32, #tpu.memory_space<vmem>> -> memref<40x128xf32, #tpu.memory_space<vmem>>
      %dma_start3A_133 = arith.constant 9800 : i32
      %dma_start3A_134 = tpu.memref_slice %arg6[%dma_start3A_133] : memref<10000xi32, #tpu.memory_space<vmem>> -> memref<40xi32, #tpu.memory_space<vmem>>
      %dma_start3A_135 = arith.constant 0 : i32
      %dma_start3A_136 = arith.constant 0 : i32
      %dma_start3A_137 = tpu.memref_slice %arg8[%dma_start3A_135, %dma_start3A_136] : memref<10240x128xf32, #tpu.memory_space<vmem_shared>> -> memref<10240x128xf32, #tpu.memory_space<vmem_shared>>
      tpu.enqueue_indirect_dma source(%dma_start3A_132 : memref<40x128xf32, #tpu.memory_space<vmem>>) target(%dma_start3A_137 : memref<10240x128xf32, #tpu.memory_space<vmem_shared>>) offsets(%dma_start3A_134 : memref<40xi32, #tpu.memory_space<vmem>>) semaphore(%run_scoped3A_128 : memref<!tpu.dma_semaphore, #tpu.memory_space<semaphore_mem>>) {add = true}
      %dma_wait3A_138 = arith.constant 0 : i32
      %dma_wait3A_139 = arith.constant 0 : i32
      %dma_wait3A_140 = tpu.memref_slice %arg7[%run_scoped3A, %dma_wait3A_138, %dma_wait3A_139] : memref<5x40x128xf32, #tpu.memory_space<vmem>> -> memref<1x40x128xf32, #tpu.memory_space<vmem>>
      %dma_wait3A_141 = tpu.memref_squeeze %dma_wait3A_140 : memref<1x40x128xf32, #tpu.memory_space<vmem>> -> memref<40x128xf32, #tpu.memory_space<vmem>>
      %dma_wait3A_142 = arith.constant 9800 : i32
      %dma_wait3A_143 = tpu.memref_slice %arg6[%dma_wait3A_142] : memref<10000xi32, #tpu.memory_space<vmem>> -> memref<40xi32, #tpu.memory_space<vmem>>
      %dma_wait3A_144 = arith.constant 0 : i32
      %dma_wait3A_145 = arith.constant 0 : i32
      %dma_wait3A_146 = tpu.memref_slice %arg8[%dma_wait3A_144, %dma_wait3A_145] : memref<10240x128xf32, #tpu.memory_space<vmem_shared>> -> memref<10240x128xf32, #tpu.memory_space<vmem_shared>>
      tpu.wait_indirect_dma semaphore(%run_scoped3A_128 : memref<!tpu.dma_semaphore, #tpu.memory_space<semaphore_mem>>) src(%dma_wait3A_141 : memref<40x128xf32, #tpu.memory_space<vmem>>) dst(%dma_wait3A_146 : memref<10240x128xf32, #tpu.memory_space<vmem_shared>>)
      tpu.yield
    }) : () -> ()
    %dma_wait3A_79 = arith.constant 1 : i32
    %dma_wait3A_80 = arith.constant 0 : i32
    %dma_wait3A_81 = arith.constant 0 : i32
    %dma_wait3A_82 = tpu.memref_slice %arg7[%dma_wait3A_79, %dma_wait3A_80, %dma_wait3A_81] : memref<5x40x128xf32, #tpu.memory_space<vmem>> -> memref<1x40x128xf32, #tpu.memory_space<vmem>>
    %dma_wait3A_83 = tpu.memref_squeeze %dma_wait3A_82 : memref<1x40x128xf32, #tpu.memory_space<vmem>> -> memref<40x128xf32, #tpu.memory_space<vmem>>
    %dma_wait3A_84 = arith.constant 9840 : i32
    %dma_wait3A_85 = tpu.memref_slice %arg5[%dma_wait3A_84] : memref<10000xi32, #tpu.memory_space<vmem>> -> memref<40xi32, #tpu.memory_space<vmem>>
    %dma_wait3A_86 = arith.constant 0 : i32
    %dma_wait3A_87 = arith.constant 0 : i32
    %dma_wait3A_88 = tpu.memref_slice %arg2[%dma_wait3A_86, %dma_wait3A_87] : memref<10000x128xf32, #tpu.memory_space<hbm>> -> memref<10000x128xf32, #tpu.memory_space<hbm>>
    tpu.wait_indirect_dma semaphore(%arg10 : memref<!tpu.dma_semaphore, #tpu.memory_space<semaphore_mem>>) src(%dma_wait3A_88 : memref<10000x128xf32, #tpu.memory_space<hbm>>) dst(%dma_wait3A_83 : memref<40x128xf32, #tpu.memory_space<vmem>>)
    %run_scoped3A_89 = arith.constant 1 : i32
    "tpu.region"() ({
      %run_scoped3A_128 = tpu.sem_alloc : memref<!tpu.dma_semaphore, #tpu.memory_space<semaphore_mem>>
      %dma_start3A_129 = arith.constant 0 : i32
      %dma_start3A_130 = arith.constant 0 : i32
      %dma_start3A_131 = tpu.memref_slice %arg7[%run_scoped3A_89, %dma_start3A_129, %dma_start3A_130] : memref<5x40x128xf32, #tpu.memory_space<vmem>> -> memref<1x40x128xf32, #tpu.memory_space<vmem>>
      %dma_start3A_132 = tpu.memref_squeeze %dma_start3A_131 : memref<1x40x128xf32, #tpu.memory_space<vmem>> -> memref<40x128xf32, #tpu.memory_space<vmem>>
      %dma_start3A_133 = arith.constant 9840 : i32
      %dma_start3A_134 = tpu.memref_slice %arg6[%dma_start3A_133] : memref<10000xi32, #tpu.memory_space<vmem>> -> memref<40xi32, #tpu.memory_space<vmem>>
      %dma_start3A_135 = arith.constant 0 : i32
      %dma_start3A_136 = arith.constant 0 : i32
      %dma_start3A_137 = tpu.memref_slice %arg8[%dma_start3A_135, %dma_start3A_136] : memref<10240x128xf32, #tpu.memory_space<vmem_shared>> -> memref<10240x128xf32, #tpu.memory_space<vmem_shared>>
      tpu.enqueue_indirect_dma source(%dma_start3A_132 : memref<40x128xf32, #tpu.memory_space<vmem>>) target(%dma_start3A_137 : memref<10240x128xf32, #tpu.memory_space<vmem_shared>>) offsets(%dma_start3A_134 : memref<40xi32, #tpu.memory_space<vmem>>) semaphore(%run_scoped3A_128 : memref<!tpu.dma_semaphore, #tpu.memory_space<semaphore_mem>>) {add = true}
      %dma_wait3A_138 = arith.constant 0 : i32
      %dma_wait3A_139 = arith.constant 0 : i32
      %dma_wait3A_140 = tpu.memref_slice %arg7[%run_scoped3A_89, %dma_wait3A_138, %dma_wait3A_139] : memref<5x40x128xf32, #tpu.memory_space<vmem>> -> memref<1x40x128xf32, #tpu.memory_space<vmem>>
      %dma_wait3A_141 = tpu.memref_squeeze %dma_wait3A_140 : memref<1x40x128xf32, #tpu.memory_space<vmem>> -> memref<40x128xf32, #tpu.memory_space<vmem>>
      %dma_wait3A_142 = arith.constant 9840 : i32
      %dma_wait3A_143 = tpu.memref_slice %arg6[%dma_wait3A_142] : memref<10000xi32, #tpu.memory_space<vmem>> -> memref<40xi32, #tpu.memory_space<vmem>>
      %dma_wait3A_144 = arith.constant 0 : i32
      %dma_wait3A_145 = arith.constant 0 : i32
      %dma_wait3A_146 = tpu.memref_slice %arg8[%dma_wait3A_144, %dma_wait3A_145] : memref<10240x128xf32, #tpu.memory_space<vmem_shared>> -> memref<10240x128xf32, #tpu.memory_space<vmem_shared>>
      tpu.wait_indirect_dma semaphore(%run_scoped3A_128 : memref<!tpu.dma_semaphore, #tpu.memory_space<semaphore_mem>>) src(%dma_wait3A_141 : memref<40x128xf32, #tpu.memory_space<vmem>>) dst(%dma_wait3A_146 : memref<10240x128xf32, #tpu.memory_space<vmem_shared>>)
      tpu.yield
    }) : () -> ()
    %dma_wait3A_90 = arith.constant 2 : i32
    %dma_wait3A_91 = arith.constant 0 : i32
    %dma_wait3A_92 = arith.constant 0 : i32
    %dma_wait3A_93 = tpu.memref_slice %arg7[%dma_wait3A_90, %dma_wait3A_91, %dma_wait3A_92] : memref<5x40x128xf32, #tpu.memory_space<vmem>> -> memref<1x40x128xf32, #tpu.memory_space<vmem>>
    %dma_wait3A_94 = tpu.memref_squeeze %dma_wait3A_93 : memref<1x40x128xf32, #tpu.memory_space<vmem>> -> memref<40x128xf32, #tpu.memory_space<vmem>>
    %dma_wait3A_95 = arith.constant 9880 : i32
    %dma_wait3A_96 = tpu.memref_slice %arg5[%dma_wait3A_95] : memref<10000xi32, #tpu.memory_space<vmem>> -> memref<40xi32, #tpu.memory_space<vmem>>
    %dma_wait3A_97 = arith.constant 0 : i32
    %dma_wait3A_98 = arith.constant 0 : i32
    %dma_wait3A_99 = tpu.memref_slice %arg2[%dma_wait3A_97, %dma_wait3A_98] : memref<10000x128xf32, #tpu.memory_space<hbm>> -> memref<10000x128xf32, #tpu.memory_space<hbm>>
    tpu.wait_indirect_dma semaphore(%arg11 : memref<!tpu.dma_semaphore, #tpu.memory_space<semaphore_mem>>) src(%dma_wait3A_99 : memref<10000x128xf32, #tpu.memory_space<hbm>>) dst(%dma_wait3A_94 : memref<40x128xf32, #tpu.memory_space<vmem>>)
    %run_scoped3A_100 = arith.constant 2 : i32
    "tpu.region"() ({
      %run_scoped3A_128 = tpu.sem_alloc : memref<!tpu.dma_semaphore, #tpu.memory_space<semaphore_mem>>
      %dma_start3A_129 = arith.constant 0 : i32
      %dma_start3A_130 = arith.constant 0 : i32
      %dma_start3A_131 = tpu.memref_slice %arg7[%run_scoped3A_100, %dma_start3A_129, %dma_start3A_130] : memref<5x40x128xf32, #tpu.memory_space<vmem>> -> memref<1x40x128xf32, #tpu.memory_space<vmem>>
      %dma_start3A_132 = tpu.memref_squeeze %dma_start3A_131 : memref<1x40x128xf32, #tpu.memory_space<vmem>> -> memref<40x128xf32, #tpu.memory_space<vmem>>
      %dma_start3A_133 = arith.constant 9880 : i32
      %dma_start3A_134 = tpu.memref_slice %arg6[%dma_start3A_133] : memref<10000xi32, #tpu.memory_space<vmem>> -> memref<40xi32, #tpu.memory_space<vmem>>
      %dma_start3A_135 = arith.constant 0 : i32
      %dma_start3A_136 = arith.constant 0 : i32
      %dma_start3A_137 = tpu.memref_slice %arg8[%dma_start3A_135, %dma_start3A_136] : memref<10240x128xf32, #tpu.memory_space<vmem_shared>> -> memref<10240x128xf32, #tpu.memory_space<vmem_shared>>
      tpu.enqueue_indirect_dma source(%dma_start3A_132 : memref<40x128xf32, #tpu.memory_space<vmem>>) target(%dma_start3A_137 : memref<10240x128xf32, #tpu.memory_space<vmem_shared>>) offsets(%dma_start3A_134 : memref<40xi32, #tpu.memory_space<vmem>>) semaphore(%run_scoped3A_128 : memref<!tpu.dma_semaphore, #tpu.memory_space<semaphore_mem>>) {add = true}
      %dma_wait3A_138 = arith.constant 0 : i32
      %dma_wait3A_139 = arith.constant 0 : i32
      %dma_wait3A_140 = tpu.memref_slice %arg7[%run_scoped3A_100, %dma_wait3A_138, %dma_wait3A_139] : memref<5x40x128xf32, #tpu.memory_space<vmem>> -> memref<1x40x128xf32, #tpu.memory_space<vmem>>
      %dma_wait3A_141 = tpu.memref_squeeze %dma_wait3A_140 : memref<1x40x128xf32, #tpu.memory_space<vmem>> -> memref<40x128xf32, #tpu.memory_space<vmem>>
      %dma_wait3A_142 = arith.constant 9880 : i32
      %dma_wait3A_143 = tpu.memref_slice %arg6[%dma_wait3A_142] : memref<10000xi32, #tpu.memory_space<vmem>> -> memref<40xi32, #tpu.memory_space<vmem>>
      %dma_wait3A_144 = arith.constant 0 : i32
      %dma_wait3A_145 = arith.constant 0 : i32
      %dma_wait3A_146 = tpu.memref_slice %arg8[%dma_wait3A_144, %dma_wait3A_145] : memref<10240x128xf32, #tpu.memory_space<vmem_shared>> -> memref<10240x128xf32, #tpu.memory_space<vmem_shared>>
      tpu.wait_indirect_dma semaphore(%run_scoped3A_128 : memref<!tpu.dma_semaphore, #tpu.memory_space<semaphore_mem>>) src(%dma_wait3A_141 : memref<40x128xf32, #tpu.memory_space<vmem>>) dst(%dma_wait3A_146 : memref<10240x128xf32, #tpu.memory_space<vmem_shared>>)
      tpu.yield
    }) : () -> ()
    %dma_wait3A_101 = arith.constant 3 : i32
    %dma_wait3A_102 = arith.constant 0 : i32
    %dma_wait3A_103 = arith.constant 0 : i32
    %dma_wait3A_104 = tpu.memref_slice %arg7[%dma_wait3A_101, %dma_wait3A_102, %dma_wait3A_103] : memref<5x40x128xf32, #tpu.memory_space<vmem>> -> memref<1x40x128xf32, #tpu.memory_space<vmem>>
    %dma_wait3A_105 = tpu.memref_squeeze %dma_wait3A_104 : memref<1x40x128xf32, #tpu.memory_space<vmem>> -> memref<40x128xf32, #tpu.memory_space<vmem>>
    %dma_wait3A_106 = arith.constant 9920 : i32
    %dma_wait3A_107 = tpu.memref_slice %arg5[%dma_wait3A_106] : memref<10000xi32, #tpu.memory_space<vmem>> -> memref<40xi32, #tpu.memory_space<vmem>>
    %dma_wait3A_108 = arith.constant 0 : i32
    %dma_wait3A_109 = arith.constant 0 : i32
    %dma_wait3A_110 = tpu.memref_slice %arg2[%dma_wait3A_108, %dma_wait3A_109] : memref<10000x128xf32, #tpu.memory_space<hbm>> -> memref<10000x128xf32, #tpu.memory_space<hbm>>
    tpu.wait_indirect_dma semaphore(%arg12 : memref<!tpu.dma_semaphore, #tpu.memory_space<semaphore_mem>>) src(%dma_wait3A_110 : memref<10000x128xf32, #tpu.memory_space<hbm>>) dst(%dma_wait3A_105 : memref<40x128xf32, #tpu.memory_space<vmem>>)
    %run_scoped3A_111 = arith.constant 3 : i32
    "tpu.region"() ({
      %run_scoped3A_128 = tpu.sem_alloc : memref<!tpu.dma_semaphore, #tpu.memory_space<semaphore_mem>>
      %dma_start3A_129 = arith.constant 0 : i32
      %dma_start3A_130 = arith.constant 0 : i32
      %dma_start3A_131 = tpu.memref_slice %arg7[%run_scoped3A_111, %dma_start3A_129, %dma_start3A_130] : memref<5x40x128xf32, #tpu.memory_space<vmem>> -> memref<1x40x128xf32, #tpu.memory_space<vmem>>
      %dma_start3A_132 = tpu.memref_squeeze %dma_start3A_131 : memref<1x40x128xf32, #tpu.memory_space<vmem>> -> memref<40x128xf32, #tpu.memory_space<vmem>>
      %dma_start3A_133 = arith.constant 9920 : i32
      %dma_start3A_134 = tpu.memref_slice %arg6[%dma_start3A_133] : memref<10000xi32, #tpu.memory_space<vmem>> -> memref<40xi32, #tpu.memory_space<vmem>>
      %dma_start3A_135 = arith.constant 0 : i32
      %dma_start3A_136 = arith.constant 0 : i32
      %dma_start3A_137 = tpu.memref_slice %arg8[%dma_start3A_135, %dma_start3A_136] : memref<10240x128xf32, #tpu.memory_space<vmem_shared>> -> memref<10240x128xf32, #tpu.memory_space<vmem_shared>>
      tpu.enqueue_indirect_dma source(%dma_start3A_132 : memref<40x128xf32, #tpu.memory_space<vmem>>) target(%dma_start3A_137 : memref<10240x128xf32, #tpu.memory_space<vmem_shared>>) offsets(%dma_start3A_134 : memref<40xi32, #tpu.memory_space<vmem>>) semaphore(%run_scoped3A_128 : memref<!tpu.dma_semaphore, #tpu.memory_space<semaphore_mem>>) {add = true}
      %dma_wait3A_138 = arith.constant 0 : i32
      %dma_wait3A_139 = arith.constant 0 : i32
      %dma_wait3A_140 = tpu.memref_slice %arg7[%run_scoped3A_111, %dma_wait3A_138, %dma_wait3A_139] : memref<5x40x128xf32, #tpu.memory_space<vmem>> -> memref<1x40x128xf32, #tpu.memory_space<vmem>>
      %dma_wait3A_141 = tpu.memref_squeeze %dma_wait3A_140 : memref<1x40x128xf32, #tpu.memory_space<vmem>> -> memref<40x128xf32, #tpu.memory_space<vmem>>
      %dma_wait3A_142 = arith.constant 9920 : i32
      %dma_wait3A_143 = tpu.memref_slice %arg6[%dma_wait3A_142] : memref<10000xi32, #tpu.memory_space<vmem>> -> memref<40xi32, #tpu.memory_space<vmem>>
      %dma_wait3A_144 = arith.constant 0 : i32
      %dma_wait3A_145 = arith.constant 0 : i32
      %dma_wait3A_146 = tpu.memref_slice %arg8[%dma_wait3A_144, %dma_wait3A_145] : memref<10240x128xf32, #tpu.memory_space<vmem_shared>> -> memref<10240x128xf32, #tpu.memory_space<vmem_shared>>
      tpu.wait_indirect_dma semaphore(%run_scoped3A_128 : memref<!tpu.dma_semaphore, #tpu.memory_space<semaphore_mem>>) src(%dma_wait3A_141 : memref<40x128xf32, #tpu.memory_space<vmem>>) dst(%dma_wait3A_146 : memref<10240x128xf32, #tpu.memory_space<vmem_shared>>)
      tpu.yield
    }) : () -> ()
    %dma_wait3A_112 = arith.constant 4 : i32
    %dma_wait3A_113 = arith.constant 0 : i32
    %dma_wait3A_114 = arith.constant 0 : i32
    %dma_wait3A_115 = tpu.memref_slice %arg7[%dma_wait3A_112, %dma_wait3A_113, %dma_wait3A_114] : memref<5x40x128xf32, #tpu.memory_space<vmem>> -> memref<1x40x128xf32, #tpu.memory_space<vmem>>
    %dma_wait3A_116 = tpu.memref_squeeze %dma_wait3A_115 : memref<1x40x128xf32, #tpu.memory_space<vmem>> -> memref<40x128xf32, #tpu.memory_space<vmem>>
    %dma_wait3A_117 = arith.constant 9960 : i32
    %dma_wait3A_118 = tpu.memref_slice %arg5[%dma_wait3A_117] : memref<10000xi32, #tpu.memory_space<vmem>> -> memref<40xi32, #tpu.memory_space<vmem>>
    %dma_wait3A_119 = arith.constant 0 : i32
    %dma_wait3A_120 = arith.constant 0 : i32
    %dma_wait3A_121 = tpu.memref_slice %arg2[%dma_wait3A_119, %dma_wait3A_120] : memref<10000x128xf32, #tpu.memory_space<hbm>> -> memref<10000x128xf32, #tpu.memory_space<hbm>>
    tpu.wait_indirect_dma semaphore(%arg13 : memref<!tpu.dma_semaphore, #tpu.memory_space<semaphore_mem>>) src(%dma_wait3A_121 : memref<10000x128xf32, #tpu.memory_space<hbm>>) dst(%dma_wait3A_116 : memref<40x128xf32, #tpu.memory_space<vmem>>)
    %run_scoped3A_122 = arith.constant 4 : i32
    "tpu.region"() ({
      %run_scoped3A_128 = tpu.sem_alloc : memref<!tpu.dma_semaphore, #tpu.memory_space<semaphore_mem>>
      %dma_start3A_129 = arith.constant 0 : i32
      %dma_start3A_130 = arith.constant 0 : i32
      %dma_start3A_131 = tpu.memref_slice %arg7[%run_scoped3A_122, %dma_start3A_129, %dma_start3A_130] : memref<5x40x128xf32, #tpu.memory_space<vmem>> -> memref<1x40x128xf32, #tpu.memory_space<vmem>>
      %dma_start3A_132 = tpu.memref_squeeze %dma_start3A_131 : memref<1x40x128xf32, #tpu.memory_space<vmem>> -> memref<40x128xf32, #tpu.memory_space<vmem>>
      %dma_start3A_133 = arith.constant 9960 : i32
      %dma_start3A_134 = tpu.memref_slice %arg6[%dma_start3A_133] : memref<10000xi32, #tpu.memory_space<vmem>> -> memref<40xi32, #tpu.memory_space<vmem>>
      %dma_start3A_135 = arith.constant 0 : i32
      %dma_start3A_136 = arith.constant 0 : i32
      %dma_start3A_137 = tpu.memref_slice %arg8[%dma_start3A_135, %dma_start3A_136] : memref<10240x128xf32, #tpu.memory_space<vmem_shared>> -> memref<10240x128xf32, #tpu.memory_space<vmem_shared>>
      tpu.enqueue_indirect_dma source(%dma_start3A_132 : memref<40x128xf32, #tpu.memory_space<vmem>>) target(%dma_start3A_137 : memref<10240x128xf32, #tpu.memory_space<vmem_shared>>) offsets(%dma_start3A_134 : memref<40xi32, #tpu.memory_space<vmem>>) semaphore(%run_scoped3A_128 : memref<!tpu.dma_semaphore, #tpu.memory_space<semaphore_mem>>) {add = true}
      %dma_wait3A_138 = arith.constant 0 : i32
      %dma_wait3A_139 = arith.constant 0 : i32
      %dma_wait3A_140 = tpu.memref_slice %arg7[%run_scoped3A_122, %dma_wait3A_138, %dma_wait3A_139] : memref<5x40x128xf32, #tpu.memory_space<vmem>> -> memref<1x40x128xf32, #tpu.memory_space<vmem>>
      %dma_wait3A_141 = tpu.memref_squeeze %dma_wait3A_140 : memref<1x40x128xf32, #tpu.memory_space<vmem>> -> memref<40x128xf32, #tpu.memory_space<vmem>>
      %dma_wait3A_142 = arith.constant 9960 : i32
      %dma_wait3A_143 = tpu.memref_slice %arg6[%dma_wait3A_142] : memref<10000xi32, #tpu.memory_space<vmem>> -> memref<40xi32, #tpu.memory_space<vmem>>
      %dma_wait3A_144 = arith.constant 0 : i32
      %dma_wait3A_145 = arith.constant 0 : i32
      %dma_wait3A_146 = tpu.memref_slice %arg8[%dma_wait3A_144, %dma_wait3A_145] : memref<10240x128xf32, #tpu.memory_space<vmem_shared>> -> memref<10240x128xf32, #tpu.memory_space<vmem_shared>>
      tpu.wait_indirect_dma semaphore(%run_scoped3A_128 : memref<!tpu.dma_semaphore, #tpu.memory_space<semaphore_mem>>) src(%dma_wait3A_141 : memref<40x128xf32, #tpu.memory_space<vmem>>) dst(%dma_wait3A_146 : memref<10240x128xf32, #tpu.memory_space<vmem_shared>>)
      tpu.yield
    }) : () -> ()
    %barrier3A_123 = arith.constant 0 : index
    tpu.barrier barrier_id(%barrier3A_123)
    %mul3A_124 = arith.constant 640 : i32
    %mul3A_125 = arith.muli %arg1, %mul3A_124 : i32
    %mul3A_126 = arith.constant 640 : i32
    %mul3A_127 = arith.muli %arg1, %mul3A_126 : i32
    "tpu.region"() ({
      %run_scoped3A_128 = tpu.sem_alloc : memref<!tpu.dma_semaphore, #tpu.memory_space<semaphore_mem>>
      %dma_start3A_129 = arith.constant 0 : i32
      %dma_start3A_130 = tpu.memref_slice %arg4[%arg0, %mul3A_127, %dma_start3A_129] : memref<2x10240x128xf32, #tpu.memory_space<hbm>> -> memref<1x640x128xf32, #tpu.memory_space<hbm>>
      %dma_start3A_131 = tpu.memref_squeeze %dma_start3A_130 : memref<1x640x128xf32, #tpu.memory_space<hbm>> -> memref<640x128xf32, #tpu.memory_space<hbm>>
      %dma_start3A_132 = arith.constant 0 : i32
      %dma_start3A_133 = tpu.memref_slice %arg8[%mul3A_125, %dma_start3A_132] : memref<10240x128xf32, #tpu.memory_space<vmem_shared>> -> memref<640x128xf32, #tpu.memory_space<vmem_shared>>
      tpu.enqueue_dma source(%dma_start3A_133 : memref<640x128xf32, #tpu.memory_space<vmem_shared>>) target(%dma_start3A_131 : memref<640x128xf32, #tpu.memory_space<hbm>>) target_semaphore(%run_scoped3A_128 : memref<!tpu.dma_semaphore, #tpu.memory_space<semaphore_mem>>)
      %dma_wait3A_134 = arith.constant 0 : i32
      %dma_wait3A_135 = tpu.memref_slice %arg4[%arg0, %mul3A_127, %dma_wait3A_134] : memref<2x10240x128xf32, #tpu.memory_space<hbm>> -> memref<1x640x128xf32, #tpu.memory_space<hbm>>
      %dma_wait3A_136 = tpu.memref_squeeze %dma_wait3A_135 : memref<1x640x128xf32, #tpu.memory_space<hbm>> -> memref<640x128xf32, #tpu.memory_space<hbm>>
      %dma_wait3A_137 = arith.constant 0 : i32
      %dma_wait3A_138 = tpu.memref_slice %arg8[%mul3A_125, %dma_wait3A_137] : memref<10240x128xf32, #tpu.memory_space<vmem_shared>> -> memref<640x128xf32, #tpu.memory_space<vmem_shared>>
      tpu.wait_dma2 semaphore(%run_scoped3A_128 : memref<!tpu.dma_semaphore, #tpu.memory_space<semaphore_mem>>) src(%dma_wait3A_138 : memref<640x128xf32, #tpu.memory_space<vmem_shared>>) dst(%dma_wait3A_136 : memref<640x128xf32, #tpu.memory_space<hbm>>)
      tpu.yield
    }) : () -> ()
    return
  }
}

#map = affine_map<(d0, d1) -> (0)>
#map1 = affine_map<(d0, d1) -> (0, 0)>
module attributes {stable_mosaic.version = 14 : i64} {
  func.func @_deg_kernel(%arg0: i32, %arg1: i32, %arg2: memref<640000xi32, #tpu.memory_space<hbm>>, %arg3: memref<32x10000xf32, #tpu.memory_space<hbm>>, %arg4: memref<10000xi32, #tpu.memory_space<vmem>>, %arg5: memref<10000xf32, #tpu.memory_space<vmem>>) attributes {dimension_semantics = [#tpu.dimension_semantics<core_parallel>, #tpu.dimension_semantics<subcore_parallel>], iteration_bounds = array<i64: 2, 16>, scalar_prefetch = 0 : i64, scratch_operands = 2 : i64, tpu.core_type = #tpu.core_type<sc_vector_subcore>, window_params = [{transform_indices = #map}, {transform_indices = #map1}]} {
    %mul3A = arith.constant 2 : i32
    %mul3A_0 = arith.muli %arg1, %mul3A : i32
    %add3A = arith.addi %mul3A_0, %arg0 : i32
    %scan3A = arith.constant 0 : i32
    %scan3A_1 = arith.constant 625 : i32
    %scan3A_2 = arith.addi %scan3A, %scan3A_1 : i32
    %scan3A_3 = arith.constant 1 : i32
    scf.for %scan3A_15 = %scan3A to %scan3A_2 step %scan3A_3  : i32 {
      %mul3A_16 = arith.constant 16 : i32
      %mul3A_17 = arith.muli %scan3A_15, %mul3A_16 : i32
      %add3A_18 = arith.constant 0 : i32
      %add3A_19 = arith.addi %add3A_18, %mul3A_17 : i32
      %broadcast_in_dim3A_20 = arith.constant 0.000000e+00 : f32
      %broadcast_in_dim3A_21 = vector.broadcast %broadcast_in_dim3A_20 : f32 to vector<16xf32>
      %swap3A = arith.index_cast %add3A_19 : i32 to index
      %swap3A_22 = tpu.vector_load %arg5[%swap3A] {strides = array<i32>} : memref<10000xf32, #tpu.memory_space<vmem>>, vector<16xf32>,
      tpu.vector_store %arg5[%swap3A], %broadcast_in_dim3A_21 {strides = array<i32>} : memref<10000xf32, #tpu.memory_space<vmem>>, vector<16xf32>,
    }
    %scan3A_4 = arith.constant 625 : i32
    %mul3A_5 = arith.constant 10000 : i32
    %mul3A_6 = arith.muli %add3A, %mul3A_5 : i32
    %add3A_7 = arith.constant 320000 : i32
    %add3A_8 = arith.addi %add3A_7, %mul3A_6 : i32
    "tpu.region"() ({
      %run_scoped3A = tpu.sem_alloc : memref<!tpu.dma_semaphore, #tpu.memory_space<semaphore_mem>>
      %dma_start3A = tpu.memref_slice %arg2[%add3A_8] : memref<640000xi32, #tpu.memory_space<hbm>> -> memref<10000xi32, #tpu.memory_space<hbm>>
      %dma_start3A_15 = tpu.memref_slice %arg2[%add3A_8] : memref<640000xi32, #tpu.memory_space<hbm>> -> memref<10000xi32, #tpu.memory_space<hbm>>
      tpu.enqueue_dma source(%dma_start3A_15 : memref<10000xi32, #tpu.memory_space<hbm>>) target(%arg4 : memref<10000xi32, #tpu.memory_space<vmem>>) target_semaphore(%run_scoped3A : memref<!tpu.dma_semaphore, #tpu.memory_space<semaphore_mem>>)
      %dma_wait3A = tpu.memref_slice %arg2[%add3A_8] : memref<640000xi32, #tpu.memory_space<hbm>> -> memref<10000xi32, #tpu.memory_space<hbm>>
      %dma_wait3A_16 = tpu.memref_slice %arg2[%add3A_8] : memref<640000xi32, #tpu.memory_space<hbm>> -> memref<10000xi32, #tpu.memory_space<hbm>>
      tpu.wait_dma2 semaphore(%run_scoped3A : memref<!tpu.dma_semaphore, #tpu.memory_space<semaphore_mem>>) src(%dma_wait3A_16 : memref<10000xi32, #tpu.memory_space<hbm>>) dst(%arg4 : memref<10000xi32, #tpu.memory_space<vmem>>)
      tpu.yield
    }) : () -> ()
    %broadcast_in_dim3A = arith.constant 1.000000e+00 : f32
    %broadcast_in_dim3A_9 = vector.broadcast %broadcast_in_dim3A : f32 to vector<16xf32>
    %scan3A_10 = arith.constant 0 : i32
    %scan3A_11 = arith.constant 125 : i32
    %scan3A_12 = arith.addi %scan3A_10, %scan3A_11 : i32
    %scan3A_13 = arith.constant 1 : i32
    scf.for %scan3A_15 = %scan3A_10 to %scan3A_12 step %scan3A_13  : i32 {
      %mul3A_16 = arith.constant 80 : i32
      %mul3A_17 = arith.muli %scan3A_15, %mul3A_16 : i32
      %add3A_18 = arith.constant 0 : i32
      %add3A_19 = arith.addi %add3A_18, %mul3A_17 : i32
      %add3A_20 = arith.constant 0 : i32
      %add3A_21 = arith.addi %add3A_19, %add3A_20 : i32
      %get3A = arith.index_cast %add3A_21 : i32 to index
      %get3A_22 = tpu.vector_load %arg4[%get3A] {strides = array<i32>} : memref<10000xi32, #tpu.memory_space<vmem>>, vector<16xi32>,
      tpu.vector_store_idx %arg5[%get3A_22], %broadcast_in_dim3A_9 {add = true} : memref<10000xf32, #tpu.memory_space<vmem>>[vector<16xi32>], vector<16xf32>,
      %add3A_23 = arith.constant 16 : i32
      %add3A_24 = arith.addi %add3A_19, %add3A_23 : i32
      %get3A_25 = arith.index_cast %add3A_24 : i32 to index
      %get3A_26 = tpu.vector_load %arg4[%get3A_25] {strides = array<i32>} : memref<10000xi32, #tpu.memory_space<vmem>>, vector<16xi32>,
      tpu.vector_store_idx %arg5[%get3A_26], %broadcast_in_dim3A_9 {add = true} : memref<10000xf32, #tpu.memory_space<vmem>>[vector<16xi32>], vector<16xf32>,
      %add3A_27 = arith.constant 32 : i32
      %add3A_28 = arith.addi %add3A_19, %add3A_27 : i32
      %get3A_29 = arith.index_cast %add3A_28 : i32 to index
      %get3A_30 = tpu.vector_load %arg4[%get3A_29] {strides = array<i32>} : memref<10000xi32, #tpu.memory_space<vmem>>, vector<16xi32>,
      tpu.vector_store_idx %arg5[%get3A_30], %broadcast_in_dim3A_9 {add = true} : memref<10000xf32, #tpu.memory_space<vmem>>[vector<16xi32>], vector<16xf32>,
      %add3A_31 = arith.constant 48 : i32
      %add3A_32 = arith.addi %add3A_19, %add3A_31 : i32
      %get3A_33 = arith.index_cast %add3A_32 : i32 to index
      %get3A_34 = tpu.vector_load %arg4[%get3A_33] {strides = array<i32>} : memref<10000xi32, #tpu.memory_space<vmem>>, vector<16xi32>,
      tpu.vector_store_idx %arg5[%get3A_34], %broadcast_in_dim3A_9 {add = true} : memref<10000xf32, #tpu.memory_space<vmem>>[vector<16xi32>], vector<16xf32>,
      %add3A_35 = arith.constant 64 : i32
      %add3A_36 = arith.addi %add3A_19, %add3A_35 : i32
      %get3A_37 = arith.index_cast %add3A_36 : i32 to index
      %get3A_38 = tpu.vector_load %arg4[%get3A_37] {strides = array<i32>} : memref<10000xi32, #tpu.memory_space<vmem>>, vector<16xi32>,
      tpu.vector_store_idx %arg5[%get3A_38], %broadcast_in_dim3A_9 {add = true} : memref<10000xf32, #tpu.memory_space<vmem>>[vector<16xi32>], vector<16xf32>,
    }
    %scan3A_14 = arith.constant 125 : i32
    "tpu.region"() ({
      %run_scoped3A = tpu.sem_alloc : memref<!tpu.dma_semaphore, #tpu.memory_space<semaphore_mem>>
      %dma_start3A = arith.constant 0 : i32
      %dma_start3A_15 = tpu.memref_slice %arg3[%add3A, %dma_start3A] : memref<32x10000xf32, #tpu.memory_space<hbm>> -> memref<1x10000xf32, #tpu.memory_space<hbm>>
      %dma_start3A_16 = tpu.memref_squeeze %dma_start3A_15 : memref<1x10000xf32, #tpu.memory_space<hbm>> -> memref<10000xf32, #tpu.memory_space<hbm>>
      %dma_start3A_17 = arith.constant 0 : i32
      %dma_start3A_18 = tpu.memref_slice %arg3[%add3A, %dma_start3A_17] : memref<32x10000xf32, #tpu.memory_space<hbm>> -> memref<1x10000xf32, #tpu.memory_space<hbm>>
      %dma_start3A_19 = tpu.memref_squeeze %dma_start3A_18 : memref<1x10000xf32, #tpu.memory_space<hbm>> -> memref<10000xf32, #tpu.memory_space<hbm>>
      tpu.enqueue_dma source(%arg5 : memref<10000xf32, #tpu.memory_space<vmem>>) target(%dma_start3A_19 : memref<10000xf32, #tpu.memory_space<hbm>>) target_semaphore(%run_scoped3A : memref<!tpu.dma_semaphore, #tpu.memory_space<semaphore_mem>>)
      %dma_wait3A = arith.constant 0 : i32
      %dma_wait3A_20 = tpu.memref_slice %arg3[%add3A, %dma_wait3A] : memref<32x10000xf32, #tpu.memory_space<hbm>> -> memref<1x10000xf32, #tpu.memory_space<hbm>>
      %dma_wait3A_21 = tpu.memref_squeeze %dma_wait3A_20 : memref<1x10000xf32, #tpu.memory_space<hbm>> -> memref<10000xf32, #tpu.memory_space<hbm>>
      %dma_wait3A_22 = arith.constant 0 : i32
      %dma_wait3A_23 = tpu.memref_slice %arg3[%add3A, %dma_wait3A_22] : memref<32x10000xf32, #tpu.memory_space<hbm>> -> memref<1x10000xf32, #tpu.memory_space<hbm>>
      %dma_wait3A_24 = tpu.memref_squeeze %dma_wait3A_23 : memref<1x10000xf32, #tpu.memory_space<hbm>> -> memref<10000xf32, #tpu.memory_space<hbm>>
      tpu.wait_dma2 semaphore(%run_scoped3A : memref<!tpu.dma_semaphore, #tpu.memory_space<semaphore_mem>>) src(%arg5 : memref<10000xf32, #tpu.memory_space<vmem>>) dst(%dma_wait3A_24 : memref<10000xf32, #tpu.memory_space<hbm>>)
      tpu.yield
    }) : () -> ()
    return
  }
}

module attributes {stable_mosaic.version = 14 : i64} {
  func.func @body(%arg0: i32, %arg1: memref<2000x128xf32, #tpu.memory_space<vmem>>, %arg2: memref<128x128xf32, #tpu.memory_space<vmem>>, %arg3: memref<2000x128xf32, #tpu.memory_space<vmem>>) attributes {dimension_semantics = [#tpu.dimension_semantics<arbitrary>], iteration_bounds = array<i64: 5>, scalar_prefetch = 0 : i64, scratch_operands = 0 : i64, tpu.core_type = #tpu.core_type<tc>, window_params = [{transform_indices = @transform_0, window_bounds = array<i64: 2000, 128>}, {pipeline_mode = #tpu.pipeline_mode<synchronous>, transform_indices = @transform_1, window_bounds = array<i64: 128, 128>}, {transform_indices = @transform_2, window_bounds = array<i64: 2000, 128>}]} {
    %get3A = arith.constant 0 : index
    %get3A_0 = arith.constant 0 : index
    %get3A_1 = vector.load %arg1[%get3A, %get3A_0] : memref<2000x128xf32, #tpu.memory_space<vmem>>, vector<2000x128xf32>
    %get3A_2 = arith.constant 0 : index
    %get3A_3 = arith.constant 0 : index
    %get3A_4 = vector.load %arg2[%get3A_2, %get3A_3] : memref<128x128xf32, #tpu.memory_space<vmem>>, vector<128x128xf32>
    %dot_general3A = arith.constant dense<0.000000e+00> : vector<2000x128xf32>
    %dot_general3A_5 = tpu.matmul %get3A_1, %get3A_4, %dot_general3A {dimension_numbers = #tpu.dot_dimension_numbers<[1], [0], [0], [1], [0, 0, 1, 1], [], []>, precision = #tpu.contract_precision<fp32>, transpose_lhs_hint = false} : vector<2000x128xf32>, vector<128x128xf32>, vector<2000x128xf32> -> vector<2000x128xf32>
    %swap3A = arith.constant 0 : index
    %swap3A_6 = arith.constant 0 : index
    %swap3A_7 = vector.load %arg3[%swap3A, %swap3A_6] : memref<2000x128xf32, #tpu.memory_space<vmem>>, vector<2000x128xf32>
    tpu.vector_store %arg3[%swap3A, %swap3A_6], %dot_general3A_5 {strides = array<i32>} : memref<2000x128xf32, #tpu.memory_space<vmem>>, vector<2000x128xf32>,
    return
  }
  func.func @transform_0(%arg0: i32) -> (i32, i32) {
    %c0_i32 = arith.constant 0 : i32
    %c0_i32_0 = arith.constant 0 : i32
    return %arg0, %c0_i32 : i32, i32
  }
  func.func @transform_1(%arg0: i32) -> (i32, i32) {
    %c0_i32 = arith.constant 0 : i32
    %c0_i32_0 = arith.constant 0 : i32
    %c0_i32_1 = arith.constant 0 : i32
    return %c0_i32, %c0_i32_0 : i32, i32
  }
  func.func @transform_2(%arg0: i32) -> (i32, i32) {
    %c0_i32 = arith.constant 0 : i32
    %c0_i32_0 = arith.constant 0 : i32
    return %arg0, %c0_i32 : i32, i32
  }
}

module attributes {stable_mosaic.version = 14 : i64} {
  func.func @body(%arg0: i32, %arg1: memref<2000x1xf32, #tpu.memory_space<vmem>>, %arg2: memref<2000x128xf32, #tpu.memory_space<vmem>>, %arg3: memref<2000x128xf32, #tpu.memory_space<vmem>>) attributes {dimension_semantics = [#tpu.dimension_semantics<arbitrary>], iteration_bounds = array<i64: 5>, scalar_prefetch = 0 : i64, scratch_operands = 0 : i64, tpu.core_type = #tpu.core_type<tc>, window_params = [{transform_indices = @transform_0, window_bounds = array<i64: 2000, 1>}, {transform_indices = @transform_1, window_bounds = array<i64: 2000, 128>}, {transform_indices = @transform_2, window_bounds = array<i64: 2000, 128>}]} {
    %get3A = arith.constant 0 : index
    %get3A_0 = arith.constant 0 : index
    %get3A_1 = vector.load %arg2[%get3A, %get3A_0] : memref<2000x128xf32, #tpu.memory_space<vmem>>, vector<2000x128xf32>
    %get3A_2 = arith.constant 0 : index
    %get3A_3 = arith.constant 0 : index
    %get3A_4 = vector.load %arg1[%get3A_2, %get3A_3] : memref<2000x1xf32, #tpu.memory_space<vmem>>, vector<2000x1xf32>
    %mul3A = vector.broadcast %get3A_4 : vector<2000x1xf32> to vector<2000x128xf32>
    %mul3A_5 = arith.mulf %get3A_1, %mul3A : vector<2000x128xf32>
    %swap3A = arith.constant 0 : index
    %swap3A_6 = arith.constant 0 : index
    %swap3A_7 = vector.load %arg3[%swap3A, %swap3A_6] : memref<2000x128xf32, #tpu.memory_space<vmem>>, vector<2000x128xf32>
    tpu.vector_store %arg3[%swap3A, %swap3A_6], %mul3A_5 {strides = array<i32>} : memref<2000x128xf32, #tpu.memory_space<vmem>>, vector<2000x128xf32>,
    return
  }
  func.func @transform_0(%arg0: i32) -> (i32, i32) {
    %c0_i32 = arith.constant 0 : i32
    %c0_i32_0 = arith.constant 0 : i32
    return %arg0, %c0_i32 : i32, i32
  }
  func.func @transform_1(%arg0: i32) -> (i32, i32) {
    %c0_i32 = arith.constant 0 : i32
    %c0_i32_0 = arith.constant 0 : i32
    return %arg0, %c0_i32 : i32, i32
  }
  func.func @transform_2(%arg0: i32) -> (i32, i32) {
    %c0_i32 = arith.constant 0 : i32
    %c0_i32_0 = arith.constant 0 : i32
    return %arg0, %c0_i32 : i32, i32
  }
}

module attributes {stable_mosaic.version = 14 : i64} {
  func.func @body(%arg0: memref<32x10000xf32, #tpu.memory_space<vmem>>, %arg1: memref<10000x1xf32, #tpu.memory_space<vmem>>) attributes {dimension_semantics = [], scalar_prefetch = 0 : i64, scratch_operands = 0 : i64, tpu.core_type = #tpu.core_type<tc>} {
    %get3A = arith.constant 0 : index
    %get3A_0 = arith.constant 0 : index
    %get3A_1 = vector.load %arg0[%get3A, %get3A_0] : memref<32x10000xf32, #tpu.memory_space<vmem>>, vector<32x10000xf32>
    %reduce_sum3A = arith.constant dense<0.000000e+00> : vector<10000xf32>
    %reduce_sum3A_2 = vector.multi_reduction <add>, %get3A_1, %reduce_sum3A [0] : vector<32x10000xf32> to vector<10000xf32>
    %add3A = arith.constant 1.000000e+00 : f32
    %add3A_3 = vector.broadcast %add3A : f32 to vector<10000xf32>
    %add3A_4 = arith.addf %reduce_sum3A_2, %add3A_3 : vector<10000xf32>
    %rsqrt3A = math.rsqrt %add3A_4 : vector<10000xf32>
    %broadcast_in_dim3A = vector.shape_cast %rsqrt3A : vector<10000xf32> to vector<10000x1xf32>
    %swap3A = arith.constant 0 : index
    %swap3A_5 = arith.constant 0 : index
    %swap3A_6 = vector.load %arg1[%swap3A, %swap3A_5] : memref<10000x1xf32, #tpu.memory_space<vmem>>, vector<10000x1xf32>
    tpu.vector_store %arg1[%swap3A, %swap3A_5], %broadcast_in_dim3A {strides = array<i32>} : memref<10000x1xf32, #tpu.memory_space<vmem>>, vector<10000x1xf32>,
    return
  }
}

module attributes {stable_mosaic.version = 14 : i64} {
  func.func @body(%arg0: i32, %arg1: memref<2x2000x128xf32, #tpu.memory_space<vmem>>, %arg2: memref<2000x128xf32, #tpu.memory_space<vmem>>, %arg3: memref<2000x1xf32, #tpu.memory_space<vmem>>, %arg4: memref<1x128xf32, #tpu.memory_space<vmem>>, %arg5: memref<128x128xf32, #tpu.memory_space<vmem>>, %arg6: memref<2000x128xf32, #tpu.memory_space<vmem>>) attributes {dimension_semantics = [#tpu.dimension_semantics<arbitrary>], iteration_bounds = array<i64: 5>, scalar_prefetch = 0 : i64, scratch_operands = 0 : i64, tpu.core_type = #tpu.core_type<tc>, window_params = [{transform_indices = @transform_0, window_bounds = array<i64: 2, 2000, 128>}, {transform_indices = @transform_1, window_bounds = array<i64: 2000, 128>}, {transform_indices = @transform_2, window_bounds = array<i64: 2000, 1>}, {pipeline_mode = #tpu.pipeline_mode<synchronous>, transform_indices = @transform_3, window_bounds = array<i64: 1, 128>}, {pipeline_mode = #tpu.pipeline_mode<synchronous>, transform_indices = @transform_4, window_bounds = array<i64: 128, 128>}, {transform_indices = @transform_5, window_bounds = array<i64: 2000, 128>}]} {
    %get3A = arith.constant 0 : index
    %get3A_0 = arith.constant 0 : index
    %get3A_1 = arith.constant 0 : index
    %get3A_2 = vector.load %arg1[%get3A, %get3A_0, %get3A_1] : memref<2x2000x128xf32, #tpu.memory_space<vmem>>, vector<1x2000x128xf32>
    %get3A_3 = vector.shape_cast %get3A_2 : vector<1x2000x128xf32> to vector<2000x128xf32>
    %get3A_4 = arith.constant 1 : index
    %get3A_5 = arith.constant 0 : index
    %get3A_6 = arith.constant 0 : index
    %get3A_7 = vector.load %arg1[%get3A_4, %get3A_5, %get3A_6] : memref<2x2000x128xf32, #tpu.memory_space<vmem>>, vector<1x2000x128xf32>
    %get3A_8 = vector.shape_cast %get3A_7 : vector<1x2000x128xf32> to vector<2000x128xf32>
    %add3A = arith.addf %get3A_3, %get3A_8 : vector<2000x128xf32>
    %get3A_9 = arith.constant 0 : index
    %get3A_10 = arith.constant 0 : index
    %get3A_11 = vector.load %arg2[%get3A_9, %get3A_10] : memref<2000x128xf32, #tpu.memory_space<vmem>>, vector<2000x128xf32>
    %add3A_12 = arith.addf %add3A, %get3A_11 : vector<2000x128xf32>
    %get3A_13 = arith.constant 0 : index
    %get3A_14 = arith.constant 0 : index
    %get3A_15 = vector.load %arg3[%get3A_13, %get3A_14] : memref<2000x1xf32, #tpu.memory_space<vmem>>, vector<2000x1xf32>
    %mul3A = vector.broadcast %get3A_15 : vector<2000x1xf32> to vector<2000x128xf32>
    %mul3A_16 = arith.mulf %add3A_12, %mul3A : vector<2000x128xf32>
    %get3A_17 = arith.constant 0 : index
    %get3A_18 = arith.constant 0 : index
    %get3A_19 = vector.load %arg4[%get3A_17, %get3A_18] : memref<1x128xf32, #tpu.memory_space<vmem>>, vector<1x128xf32>
    %add3A_20 = vector.broadcast %get3A_19 : vector<1x128xf32> to vector<2000x128xf32>
    %add3A_21 = arith.addf %mul3A_16, %add3A_20 : vector<2000x128xf32>
    %max3A = arith.constant 0.000000e+00 : f32
    %max3A_22 = vector.broadcast %max3A : f32 to vector<2000x128xf32>
    %max3A_23 = arith.maximumf %add3A_21, %max3A_22 : vector<2000x128xf32>
    %get3A_24 = arith.constant 0 : index
    %get3A_25 = arith.constant 0 : index
    %get3A_26 = vector.load %arg5[%get3A_24, %get3A_25] : memref<128x128xf32, #tpu.memory_space<vmem>>, vector<128x128xf32>
    %dot_general3A = arith.constant dense<0.000000e+00> : vector<2000x128xf32>
    %dot_general3A_27 = tpu.matmul %max3A_23, %get3A_26, %dot_general3A {dimension_numbers = #tpu.dot_dimension_numbers<[1], [0], [0], [1], [0, 0, 1, 1], [], []>, precision = #tpu.contract_precision<fp32>, transpose_lhs_hint = false} : vector<2000x128xf32>, vector<128x128xf32>, vector<2000x128xf32> -> vector<2000x128xf32>
    %get3A_28 = arith.constant 0 : index
    %get3A_29 = arith.constant 0 : index
    %get3A_30 = vector.load %arg3[%get3A_28, %get3A_29] : memref<2000x1xf32, #tpu.memory_space<vmem>>, vector<2000x1xf32>
    %mul3A_31 = vector.broadcast %get3A_30 : vector<2000x1xf32> to vector<2000x128xf32>
    %mul3A_32 = arith.mulf %dot_general3A_27, %mul3A_31 : vector<2000x128xf32>
    %swap3A = arith.constant 0 : index
    %swap3A_33 = arith.constant 0 : index
    %swap3A_34 = vector.load %arg6[%swap3A, %swap3A_33] : memref<2000x128xf32, #tpu.memory_space<vmem>>, vector<2000x128xf32>
    tpu.vector_store %arg6[%swap3A, %swap3A_33], %mul3A_32 {strides = array<i32>} : memref<2000x128xf32, #tpu.memory_space<vmem>>, vector<2000x128xf32>,
    return
  }
  func.func @transform_0(%arg0: i32) -> (i32, i32, i32) {
    %c0_i32 = arith.constant 0 : i32
    %c0_i32_0 = arith.constant 0 : i32
    %c0_i32_1 = arith.constant 0 : i32
    return %c0_i32, %arg0, %c0_i32_0 : i32, i32, i32
  }
  func.func @transform_1(%arg0: i32) -> (i32, i32) {
    %c0_i32 = arith.constant 0 : i32
    %c0_i32_0 = arith.constant 0 : i32
    return %arg0, %c0_i32 : i32, i32
  }
  func.func @transform_2(%arg0: i32) -> (i32, i32) {
    %c0_i32 = arith.constant 0 : i32
    %c0_i32_0 = arith.constant 0 : i32
    return %arg0, %c0_i32 : i32, i32
  }
  func.func @transform_3(%arg0: i32) -> (i32, i32) {
    %c0_i32 = arith.constant 0 : i32
    %c0_i32_0 = arith.constant 0 : i32
    %c0_i32_1 = arith.constant 0 : i32
    return %c0_i32, %c0_i32_0 : i32, i32
  }
  func.func @transform_4(%arg0: i32) -> (i32, i32) {
    %c0_i32 = arith.constant 0 : i32
    %c0_i32_0 = arith.constant 0 : i32
    %c0_i32_1 = arith.constant 0 : i32
    return %c0_i32, %c0_i32_0 : i32, i32
  }
  func.func @transform_5(%arg0: i32) -> (i32, i32) {
    %c0_i32 = arith.constant 0 : i32
    %c0_i32_0 = arith.constant 0 : i32
    return %arg0, %c0_i32 : i32, i32
  }
}

module attributes {stable_mosaic.version = 14 : i64} {
  func.func @body(%arg0: i32, %arg1: memref<2x2000x128xf32, #tpu.memory_space<vmem>>, %arg2: memref<2000x128xf32, #tpu.memory_space<vmem>>, %arg3: memref<2000x1xf32, #tpu.memory_space<vmem>>, %arg4: memref<1x128xf32, #tpu.memory_space<vmem>>, %arg5: memref<2000x128xf32, #tpu.memory_space<vmem>>) attributes {dimension_semantics = [#tpu.dimension_semantics<arbitrary>], iteration_bounds = array<i64: 5>, scalar_prefetch = 0 : i64, scratch_operands = 0 : i64, tpu.core_type = #tpu.core_type<tc>, window_params = [{transform_indices = @transform_0, window_bounds = array<i64: 2, 2000, 128>}, {transform_indices = @transform_1, window_bounds = array<i64: 2000, 128>}, {transform_indices = @transform_2, window_bounds = array<i64: 2000, 1>}, {pipeline_mode = #tpu.pipeline_mode<synchronous>, transform_indices = @transform_3, window_bounds = array<i64: 1, 128>}, {transform_indices = @transform_4, window_bounds = array<i64: 2000, 128>}]} {
    %get3A = arith.constant 0 : index
    %get3A_0 = arith.constant 0 : index
    %get3A_1 = arith.constant 0 : index
    %get3A_2 = vector.load %arg1[%get3A, %get3A_0, %get3A_1] : memref<2x2000x128xf32, #tpu.memory_space<vmem>>, vector<1x2000x128xf32>
    %get3A_3 = vector.shape_cast %get3A_2 : vector<1x2000x128xf32> to vector<2000x128xf32>
    %get3A_4 = arith.constant 1 : index
    %get3A_5 = arith.constant 0 : index
    %get3A_6 = arith.constant 0 : index
    %get3A_7 = vector.load %arg1[%get3A_4, %get3A_5, %get3A_6] : memref<2x2000x128xf32, #tpu.memory_space<vmem>>, vector<1x2000x128xf32>
    %get3A_8 = vector.shape_cast %get3A_7 : vector<1x2000x128xf32> to vector<2000x128xf32>
    %add3A = arith.addf %get3A_3, %get3A_8 : vector<2000x128xf32>
    %get3A_9 = arith.constant 0 : index
    %get3A_10 = arith.constant 0 : index
    %get3A_11 = vector.load %arg2[%get3A_9, %get3A_10] : memref<2000x128xf32, #tpu.memory_space<vmem>>, vector<2000x128xf32>
    %add3A_12 = arith.addf %add3A, %get3A_11 : vector<2000x128xf32>
    %get3A_13 = arith.constant 0 : index
    %get3A_14 = arith.constant 0 : index
    %get3A_15 = vector.load %arg3[%get3A_13, %get3A_14] : memref<2000x1xf32, #tpu.memory_space<vmem>>, vector<2000x1xf32>
    %mul3A = vector.broadcast %get3A_15 : vector<2000x1xf32> to vector<2000x128xf32>
    %mul3A_16 = arith.mulf %add3A_12, %mul3A : vector<2000x128xf32>
    %get3A_17 = arith.constant 0 : index
    %get3A_18 = arith.constant 0 : index
    %get3A_19 = vector.load %arg4[%get3A_17, %get3A_18] : memref<1x128xf32, #tpu.memory_space<vmem>>, vector<1x128xf32>
    %add3A_20 = vector.broadcast %get3A_19 : vector<1x128xf32> to vector<2000x128xf32>
    %add3A_21 = arith.addf %mul3A_16, %add3A_20 : vector<2000x128xf32>
    %swap3A = arith.constant 0 : index
    %swap3A_22 = arith.constant 0 : index
    %swap3A_23 = vector.load %arg5[%swap3A, %swap3A_22] : memref<2000x128xf32, #tpu.memory_space<vmem>>, vector<2000x128xf32>
    tpu.vector_store %arg5[%swap3A, %swap3A_22], %add3A_21 {strides = array<i32>} : memref<2000x128xf32, #tpu.memory_space<vmem>>, vector<2000x128xf32>,
    return
  }
  func.func @transform_0(%arg0: i32) -> (i32, i32, i32) {
    %c0_i32 = arith.constant 0 : i32
    %c0_i32_0 = arith.constant 0 : i32
    %c0_i32_1 = arith.constant 0 : i32
    return %c0_i32, %arg0, %c0_i32_0 : i32, i32, i32
  }
  func.func @transform_1(%arg0: i32) -> (i32, i32) {
    %c0_i32 = arith.constant 0 : i32
    %c0_i32_0 = arith.constant 0 : i32
    return %arg0, %c0_i32 : i32, i32
  }
  func.func @transform_2(%arg0: i32) -> (i32, i32) {
    %c0_i32 = arith.constant 0 : i32
    %c0_i32_0 = arith.constant 0 : i32
    return %arg0, %c0_i32 : i32, i32
  }
  func.func @transform_3(%arg0: i32) -> (i32, i32) {
    %c0_i32 = arith.constant 0 : i32
    %c0_i32_0 = arith.constant 0 : i32
    %c0_i32_1 = arith.constant 0 : i32
    return %c0_i32, %c0_i32_0 : i32, i32
  }
  func.func @transform_4(%arg0: i32) -> (i32, i32) {
    %c0_i32 = arith.constant 0 : i32
    %c0_i32_0 = arith.constant 0 : i32
    return %arg0, %c0_i32 : i32, i32
  }
}

</mosaic_0001>

<sc_bundles>
// kernel: kernel.10.cloned.1.call-start
scs
__scs_entry_jumppad:
0x0: {  	(pc) =	sbr.rel $0x88, $3  }
0x1: {  	(tag) =	ssettag $0x0;
	lr =	simm.s32 $0x1  }
0x2: {  	[smem:$0x3F9B] =	sst lr;
	_ =	strace $0xD0000000  }
0x3: {  	_ = 	snop  }
0x4: {  	_ = 	snop  }
0x5: {  	_ = 	snop  }
0x6: {  	_ = 	snop  }
0x7: {  	_ = 	snop  }
__scs_overlays_trampoline_lowered:
0x8: {  	[smem:$0x3FAA] =	sst s0  }
0x9: {  	[smem:$0x3FAB] =	sst s1  }
0xa: {  	[smem:$0x3FAC] =	sst s2  }
0xb: {  	[smem:$0x3FAD] =	sst s3  }
0xc: {  	[smem:$0x3FAE] =	sst s4  }
0xd: {  	[smem:$0x3FAF] =	sst s5  }
0xe: {  	[smem:$0x3FB0] =	sst s6  }
0xf: {  	[smem:$0x3FB1] =	sst s7  }
0x10: {  	[smem:$0x3FB2] =	sst s8  }
0x11: {  	[smem:$0x3FB3] =	sst s9;
	s0 =	simm.s32 @!p0 $0x0  }
0x12: {  	s1 =	sld [smem:$0x3F99];
	s0 =	simm.s32 @p0 $0x1  }
0x13: {  	[smem:$0x3FB4] =	sst s0;
	s0 =	simm.s32 @!p1 $0x0  }
0x14: {  	s2 =	sld [smem:$0x3F98];
	s0 =	simm.s32 @p1 $0x1  }
0x15: {  	[smem:$0x3FB5] =	sst s0;
	s0 =	simm.s32 @!p2 $0x0  }
0x16: {  	s3 =	sld [smem:$0x3FDB];
	s0 =	simm.s32 @p2 $0x1  }
0x17: {  	s4 =	simm.s32 $0x1BF5;
	[smem:$0x3FB7] =	sst s0  }
0x18: {  	s0 =	sld [smem:$0x3F9A];
	_ =	swait.ge [sflag:s4], $0x0  }
0x19: {  	s7 =	sld [smem:$0x3F9B]  }
0x1a: {  	s8 =	sadd.s32 $0xFFFFE003, lr  }
0x1b: {  	s9 =	sadd.s32 $0xFFFFFEF7, lr;
	s5 =	simm.s32 $0xFFFFFFFF;
	p2 =	slt.u32 s8, $0xFFFFF086  }
0x1c: {  	p1 =	slt.u32 s9, $0xF7A;
	s5 =	simm.s32 @!p2 $0x0  }
0x1d: {  	s5 =	simm.s32 @p1 $0x1;
	p0 =	seq.s32 s7, s2  }
0x1e: {  	s7 =	smul.u32 @!p0 $0xF7A, s2;
	p2 =	seq.s32 @!p0 s5, $0x0  }
0x1f: {  	s9 =	smul.u32 $0xF7A, s1;
	s8 =	simm.s32 @!p0 $0x1BF5;
	p2 =	por !p2, p0  }
0x20: {  	[sflag:s8] =	ssyncset.s32 @!p0 $0xFFFFF086;
	s6 =	sadd.s32 @!p0 s3, s7;
	s7 =	simm.s32 @!p0 $0x108  }
0x21: {  	s3 =	sadd.s32 s3, s9;
	s6 =	sadd.s32 @!p0 $0x88, s6;
	s7 =	simm.s32 @p2 $0x1082  }
0x22: {  	[simem:s7], [sflag:s8] =	dma.local @!p0 [hbm:s6], $0xF7A  }
0x23: {  	s9 =	sor.u32 $0xD0000000, s2;
	s6 =	simm.s32 $0x108;
	_ =	swait.ge @!p0 [sflag:s8], $0x0  }
0x24: {  	s3 =	sadd.s32 $0x88, s3;
	s6 =	simm.s32 @!p1 $0x1082;
	[sflag:s4] =	ssyncset.s32 $0xFFFFF086  }
0x25: {  	[simem:s6], [sflag:s4] =	dma.local [hbm:s3], $0xF7A  }
0x26: {  	[smem:$0x3F9B] =	sst s1;
	(tag) =	ssettag s2;
	_ =	strace s9  }
0x27: {  	s1 =	sld [smem:$0x3FAB]  }
0x28: {  	s2 =	sld [smem:$0x3FAC]  }
0x29: {  	s4 =	sld [smem:$0x3FAE]  }
0x2a: {  	p0 =	seq.s32 s5, $0x0;
	s5 =	sld [smem:$0x3FAF]  }
0x2b: {  	s6 =	sld [smem:$0x3FB0]  }
0x2c: {  	s7 =	sld [smem:$0x3FB1]  }
0x2d: {  	s3 =	simm.s32 $0x108;
	s8 =	sld [smem:$0x3FB2]  }
0x2e: {  	s3 =	simm.s32 @!p0 $0x1082;
	s9 =	sld [smem:$0x3FB3]  }
0x2f: {  	lr =	sadd.s32 s0, s3;
	s0 =	sld [smem:$0x3FAA]  }
0x30: {  	s3 =	sld [smem:$0x3FAD]  }
0x31: {  	[smem:$0x3FB6] =	sst s10  }
0x32: {  	s10 =	sld [smem:$0x3FB4];
	_ =	sdelay $0x3  }
0x33: {  	p0 =	seq.s32 s10, $0x1;
	s10 =	sld [smem:$0x3FB6];
	_ =	sdelay $0x3  }
0x34: {  	[smem:$0x3FB6] =	sst s10  }
0x35: {  	s10 =	sld [smem:$0x3FB5];
	_ =	sdelay $0x3  }
0x36: {  	p1 =	seq.s32 s10, $0x1;
	s10 =	sld [smem:$0x3FB6];
	_ =	sdelay $0x3  }
0x37: {  	[smem:$0x3FB6] =	sst s10  }
0x38: {  	s10 =	sld [smem:$0x3FB7]  }
0x39: {  	_ = 	snop;
	(pc) =	sbr.ind lr, $3  }
0x3a: {  	_ = 	snop  }
0x3b: {  	_ = 	snop  }
0x3c: {  	p2 =	seq.s32 s10, $0x1;
	s10 =	sld [smem:$0x3FB6]  }
0x3d: {  	_ =	shalt  }
0x3e: {  	_ =	shalt  }
0x3f: {  	_ =	shalt  }
0x40: {  	_ =	shalt  }
0x41: {  	_ =	shalt  }
0x42: {  	_ =	shalt  }
0x43: {  	_ =	shalt  }
0x44: {  	_ =	shalt  }
0x45: {  	_ =	shalt  }
0x46: {  	_ =	shalt  }
0x47: {  	_ =	shalt  }
0x48: {  	_ =	shalt  }
0x49: {  	_ =	shalt  }
0x4a: {  	_ =	shalt  }
0x4b: {  	_ =	shalt  }
0x4c: {  	_ =	shalt  }
0x4d: {  	_ =	shalt  }
0x4e: {  	_ =	shalt  }
0x4f: {  	_ =	shalt  }
0x50: {  	_ =	shalt  }
0x51: {  	_ =	shalt  }
0x52: {  	_ =	shalt  }
0x53: {  	_ =	shalt  }
0x54: {  	_ =	shalt  }
0x55: {  	_ =	shalt  }
0x56: {  	_ =	shalt  }
0x57: {  	_ =	shalt  }
0x58: {  	_ =	shalt  }
0x59: {  	_ =	shalt  }
0x5a: {  	_ =	shalt  }
0x5b: {  	_ =	shalt  }
0x5c: {  	_ =	shalt  }
0x5d: {  	_ =	shalt  }
0x5e: {  	_ =	shalt  }
0x5f: {  	_ =	shalt  }
0x60: {  	_ =	shalt  }
0x61: {  	_ =	shalt  }
0x62: {  	_ =	shalt  }
0x63: {  	_ =	shalt  }
0x64: {  	_ =	shalt  }
0x65: {  	_ =	shalt  }
0x66: {  	_ =	shalt  }
0x67: {  	_ =	shalt  }
0x68: {  	_ =	shalt  }
0x69: {  	_ =	shalt  }
0x6a: {  	_ =	shalt  }
0x6b: {  	_ =	shalt  }
0x6c: {  	_ =	shalt  }
0x6d: {  	_ =	shalt  }
0x6e: {  	_ =	shalt  }
0x6f: {  	_ =	shalt  }
0x70: {  	_ =	shalt  }
0x71: {  	_ =	shalt  }
0x72: {  	_ =	shalt  }
0x73: {  	_ =	shalt  }
0x74: {  	_ =	shalt  }
0x75: {  	_ =	shalt  }
0x76: {  	_ =	shalt  }
0x77: {  	_ =	shalt  }
0x78: {  	_ =	shalt  }
0x79: {  	_ =	shalt  }
0x7a: {  	_ =	shalt  }
0x7b: {  	_ =	shalt  }
0x7c: {  	_ =	shalt  }
0x7d: {  	_ =	shalt  }
0x7e: {  	_ =	shalt  }
0x7f: {  	_ =	shalt  }
0x80: {  	_ =	shalt  }
0x81: {  	_ =	shalt  }
0x82: {  	_ =	shalt  }
0x83: {  	_ =	shalt  }
0x84: {  	_ =	shalt  }
0x85: {  	_ =	shalt  }
0x86: {  	_ =	shalt  }
0x87: {  	_ =	shalt  }
.Lfunc_end0:
.L_simem_size_0:
called_computation_lowered:
.L_overlay_start_0:
0x88: {  	s2 =	sld [smem:$0x3FD9]  }
0x89: {  	s3 =	sld [smem:$0x3FFE];
	_ =	sdelay $0x1  }
0x8a: {  	s1 =	srdreg.scid  }
0x8b: {  	s0 =	sand.u32 $0x1, s1  }
0x8c: {  	s17 =	sshll.u32 s0, $0xA;
	s2 =	sadd.s32 s3, s2  }
0x8d: {  	s2 =	sadd.s32 s2, s17  }
0x8e: {  	[smem:$0x3FC2] =	sst s2  }
0x8f: {  	_ = 	snop  }
0x90: {  	s2 =	sld [smem:$0x3FD0];
	(tm) =	ssettm $0x1  }
0x91: {  	s18 =	sld [smem:$0x3FFB];
	_ =	sdelay $0x3  }
0x92: {  	_ =	strace s18  }
0x93: {  	s3 =	sld [smem:$0x3FFC];
	_ =	sdelay $0x3  }
0x94: {  	_ =	strace s3  }
0x95: {  	s3 =	sld [smem:$0x3FFD];
	_ =	sdelay $0x3  }
0x96: {  	_ =	strace s3  }
0x97: {  	_ =	strace $0x8FFFFFFF  }
0x98: {  	s19 =	sld [smem:$0x3FDB];
	_ =	sdelay $0x1  }
0x99: {  	s4 =	simm.s32 $_scs_section_size  }
0x9a: {  	s5 =	simm.s32 $_size__tile_overlayer_lowered;
	s6 =	simm.s32 $_tile_overlayer_lowered  }
0x9b: {  	s22 =	simm.s32 $0x1BFF;
	s21 =	sshll.u32 s6, $0x1;
	s3 =	sadd.s32 s4, s19  }
0x9c: {  	s7 =	simm.s32 $0x0;
	s20 =	sshll.u32 s5, $0x1;
	s5 =	sadd.s32 s21, s3  }
0x9d: {  	[timem:s7], [sflag:s22] =	dma.local [hbm:s5], s20  }
0x9e: {  	_ =	swait.ge [sflag:s22], s20  }
0x9f: {  	s4 =	ssub.s32 $0x0, s20;
	[sflag:s22] =	ssyncset.done $0x0  }
0xa0: {  	[sflag:s22] =	ssyncadd.s32 s4;
	_ =	sdelay $0x1  }
0xa1: {  	s23 =	simm.s32 $0x1B8B  }
0xa2: {  	_ =	swait.ge [sflag:s23], $0x1  }
0xa3: {  	[sflag:s23] =	ssyncset.done $0x0  }
0xa4: {  	s25 =	simm.s32 $0x1B8E;
	s24 =	sld [smem:$0x3FFE];
	[sflag:s23] =	ssyncadd.s32 $0xFFFFFFFF  }
0xa5: {  	s26 =	simm.s32 $execute0_lowered;
	[smem:$0x3FD2] =	sst s25  }
0xa6: {  	s5 =	sshll.u32 s26, $0x1;
	_ =	strace $0x80000046;
	[dreg:$0x1] =	wrdreg $0xFFFFFFFF  }
0xa7: {  	s28 =	simm.s32 $_size_execute0_lowered;
	s3 =	sadd.s32 s3, s5;
	[dreg:$0x0] =	wrdreg $0x0  }
0xa8: {  	s5 =	sshll.u32 s28, $0x1;
	[dreg:$0x2] =	wrdreg s3  }
0xa9: {  	[dreg:$0x3] =	wrdreg s5  }
0xaa: {  	[dreg:$0x4] =	wrdreg $0xC0  }
0xab: {  	_ =	task [dreg:s7], $0x5FFFF  }
0xac: {  	[dreg:$0x1] =	wrdreg $0xFFFFFFFF  }
0xad: {  	[dreg:$0x0] =	wrdreg $0x60  }
0xae: {  	[dreg:$0x2] =	wrdreg s24  }
0xaf: {  	[dreg:$0x3] =	wrdreg s2  }
0xb0: {  	[dreg:$0x4] =	wrdreg $0x9  }
0xb1: {  	_ =	task.clear_ibuf [dreg:s7], $0x5FFFF;
	_ =	strace $0x90000046  }
0xb2: {  	s29 =	simm.s32 $0x9;
	_ =	strace $0x80000048  }
0xb3: {  	_ =	swait.ge [sflag:s29], $0x1  }
0xb4: {  	[sflag:s29] =	ssyncadd.s32 $0xFFFFFFFF  }
0xb5: {  	_ =	strace $0x90000048  }
0xb6: {  	_ =	sfence  }
0xb7: {  	s30 =	sld [smem:$0x0];
	_ =	sdelay $0x2  }
0xb8: {  	s31 =	sshll.u32 s1, $0xD;
	s1 =	sshrl.u32 s1, $0x2  }
0xb9: {  	s3 =	sand.u32 $0x4000, s31;
	s1 =	sadd.s32 s1, s30  }
0xba: {  	s0 =	sor.u32 s3, s0;
	s1 =	sshll.u32 s1, $0x11  }
0xbb: {  	s0 =	sor.u32 s1, s0  }
0xbc: {  	s0 =	sadd.s32 $0x8F2B, s0  }
0xbd: {  	[sflag:s0] =	ssyncadd.remote.s32 $0x1  }
0xbe: {  	_ =	sfence.sel $0xFFFF  }
0xbf: {  	[dreg:$0x0] =	wrdreg $0xFFFFFFFF;
	(pc) =	sbr.abs _section_cstart, $3  }
0xc0: {  	[dreg:$0x1] =	wrdreg $0xFFFFFFFF  }
0xc1: {  	_ =	task.clear_ibuf [dreg:s7], $0x2FFFF;
	_ =	strace $0x9FFFFFFF  }
0xc2: {  	(tm) =	ssettm $0x7FFFFFFF  }
0xc3: {  	_ =	shalt  }
tec
execute0_lowered:
.L_overlay_start_1:
0x0: {  	(tag) =	ssettag $0x1  }
0x1: {  	s3 =	rddreg [dreg:$0x0];
	s1 =	srdreg.scid  }
0x2: {  	s0 =	stileid.u32;
	s4 =	rddreg [dreg:$0x1]  }
0x3: {  	s2 =	simm.s32 $0x0;
	s5 =	sand.u32 $0x1, s1;
	s1 =	rddreg [dreg:$0x2]  }
0x4: {  	s6 =	sshll.u32 s0, $0x1;
	[smem:$0x7FF] =	sst s2  }
0x5: {  	s8 =	sshrl.u32 s0, $0x2;
	s6 =	sor.u32 s5, s6;
	_ =	strace $0x80000047  }
0x6: {  	s5 =	ssub.s32 $0x2, s5;
	s7 =	smul.u32 $0x2710, s6;
	s6 =	sshll.u32 s6, $0x7  }
0x7: {  	s8 =	smul.u32 $0x13C00, s8;
	s9 =	sshrl.u32 s5, $0x1;
	s6 =	sand.u32 $0x380, s6  }
0x8: {  	s5 =	ssub.s32 s5, s9;
	s9 =	simm.s32 $0x400;
	s7 =	sshrl.u32 s7, $0x3  }
0x9: {  	s6 =	sor.u32 s8, s6;
	s5 =	smax.u32 s5, $0x1;
	s8 =	simm.s32 $0x80  }
0xa: {  	s3 =	sadd.s32 s3, s7;
	s6 =	sshrl.u32 s6, $0x3;
	s7 =	simm.s32 $0x2780  }
0xb: {  	v0 =	vimm.f32 $0.0e+00;
	v1 =	vimm.f32 $1.000000000e+00;
	s3 =	sadd.s32 $0xC440, s3;
	s4 =	sadd.s32 s4, s6;
	s6 =	simm.s32 $0x1  }
.LBB2_1:
0xc: {  	s10 =	simm.s32 $0x40;
	s11 =	simm.s32 $0x0  }
.LBB2_2:
0xd: {  	p0 =	sne.s32 s10, $0x9C00;
	[tilespmem:s11+$0x2780] =	vst v0;
	s11 =	smov.u32 s10;
	s10 =	sadd.s32 $0x40, s10  }
.Ltmp0:
0xe: {  	(pc) =	sbr.rel @p0 .LBB2_2-.Ltmp0, $2  }
0xf: {  	_ =	sdelay $0x2  }
0x10: {  	s11 =	sshra.s32 s11, $0x2  }
0x11: {  	[tilespmem:s11+$0x2780] =	vst v0;
	s10 =	simm.s32 $0x0  }
0x12: {  	[tilespmem:s10], [sflag:$0x1] =	stream.linear.gather [hbm4b:s3+s10], $0x2710, $0x38;
	[tilespmem:$0x4F00] =	vst v63  }
0x13: {  	_ =	swait.ge [sflag:s6], $0x2710  }
0x14: {  	[sflag:s6] =	ssyncset.done $0x0  }
0x15: {  	[sflag:s6] =	ssyncadd.s32 $0xFFFFD8F0  }
.LBB2_4:
0x16: {  	s11 =	sshra.s32 s10, $0x2  }
0x17: {  	v2 =	vld [tilespmem:s11+$0x0];
	_ =	sdelay $0x7  }
0x18: {  	[tilespmem:v2+s7+$0x0] =	vst.idx.add.f32.msk $0xffff, v1  }
0x19: {  	v2 =	vld [tilespmem:s11+$0x10];
	_ =	sdelay $0x7  }
0x1a: {  	[tilespmem:v2+s7+$0x0] =	vst.idx.add.f32.msk $0xffff, v1  }
0x1b: {  	v2 =	vld [tilespmem:s11+$0x20];
	_ =	sdelay $0x7  }
0x1c: {  	[tilespmem:v2+s7+$0x0] =	vst.idx.add.f32.msk $0xffff, v1  }
0x1d: {  	v2 =	vld [tilespmem:s11+$0x30];
	_ =	sdelay $0x7  }
0x1e: {  	[tilespmem:v2+s7+$0x0] =	vst.idx.add.f32.msk $0xffff, v1  }
0x1f: {  	v2 =	vld [tilespmem:s11+$0x40];
	_ =	sdelay $0x2  }
0x20: {  	p0 =	sne.s32 s10, $0x9B00  }
.Ltmp1:
0x21: {  	_ = 	snop;
	(pc) =	sbr.rel @p0 .LBB2_4-.Ltmp1, $2  }
0x22: {  	_ =	sdelay $0x2  }
0x23: {  	s10 =	sadd.s32 $0x140, s10;
	[tilespmem:v2+s7+$0x0] =	vst.idx.add.f32.msk $0xffff, v1  }
0x24: {  	s2 =	sadd.s32 $0x1, s2  }
0x25: {  	p0 =	sne.s32 s2, s5  }
.Ltmp2:
0x26: {  	_ = 	snop;
	(pc) =	sbr.rel @p0 .LBB2_1-.Ltmp2, $4  }
0x27: {  	[hbm4b:s4+s8] =	stream.strided.scatter [tilespmem:s7], [sflag:$0x1], $0x2780, s9, s8, $0x38;
	[tilespmem:$0x4F00] =	vst v63  }
0x28: {  	_ =	swait.ge [sflag:s6], $0x2780  }
0x29: {  	[sflag:s6] =	ssyncset.done $0x0  }
0x2a: {  	[sflag:s6] =	ssyncadd.s32 $0xFFFFD880  }
0x2b: {  	_ =	sfence.sel $0x180000  }
0x2c: {  	[bflag:$0x0] =	sbarrier.arrive $0xFFFF  }
0x2d: {  	p0 =	sne.s32 s0, $0x0;
	_ =	strace $0x90000047  }
0x2e: {  	s0 =	sadd.s32 @!p0 $0x100000, s1;
	[bflag:$0x2] =	sbarrier.arrive $0xFFFF  }
0x2f: {  	[sflag:s0] =	ssyncadd.tile.s32 @!p0 $0x1;
	_ =	shalt  }
.Lfunc_end2:
_tile_overlayer_lowered:
.L_overlay_start_2:
0x30: {  	(tag) =	ssettag $0x2  }
0x31: {  	s0 =	rddreg [dreg:$0x0];
	s2 =	stileid.u32  }
0x32: {  	s1 =	rddreg [dreg:$0x1];
	p0 =	sne.s32 s2, $0x0  }
0x33: {  	s3 =	rddreg [dreg:$0x2];
	[bflag:$0x3] =	sbarrier.arrive $0xFFFF;
	s2 =	simm.s32 @!p0 $0x1C01  }
0x34: {  	[timem:s3], [sflag:s2] =	dma.local @!p0 [hbm:s0], s1  }
0x35: {  	s0 =	simm.s32 @!p0 $0x1  }
0x36: {  	_ =	swait.ge @!p0 [sflag:s0], s1  }
0x37: {  	s1 =	ssub.s32 @!p0 $0x0, s1;
	[sflag:s0] =	ssyncset.done @!p0 $0x0  }
0x38: {  	[sflag:s0] =	ssyncadd.s32 @!p0 s1  }
0x39: {  	[bflag:$0x3] =	sbarrier.arrive $0xFFFF  }
0x3a: {  	_ =	shalt  }

// kernel: kernel.13.cloned.1.call-start
scs
__scs_entry_jumppad:
0x0: {  	(pc) =	sbr.rel $0x88, $3  }
0x1: {  	(tag) =	ssettag $0x0;
	lr =	simm.s32 $0x1  }
0x2: {  	[smem:$0x3F9B] =	sst lr;
	_ =	strace $0xD0000000  }
0x3: {  	_ = 	snop  }
0x4: {  	_ = 	snop  }
0x5: {  	_ = 	snop  }
0x6: {  	_ = 	snop  }
0x7: {  	_ = 	snop  }
__scs_overlays_trampoline_lowered:
0x8: {  	[smem:$0x3FAA] =	sst s0  }
0x9: {  	[smem:$0x3FAB] =	sst s1  }
0xa: {  	[smem:$0x3FAC] =	sst s2  }
0xb: {  	[smem:$0x3FAD] =	sst s3  }
0xc: {  	[smem:$0x3FAE] =	sst s4  }
0xd: {  	[smem:$0x3FAF] =	sst s5  }
0xe: {  	[smem:$0x3FB0] =	sst s6  }
0xf: {  	[smem:$0x3FB1] =	sst s7  }
0x10: {  	[smem:$0x3FB2] =	sst s8  }
0x11: {  	[smem:$0x3FB3] =	sst s9;
	s0 =	simm.s32 @!p0 $0x0  }
0x12: {  	s1 =	sld [smem:$0x3F99];
	s0 =	simm.s32 @p0 $0x1  }
0x13: {  	[smem:$0x3FB4] =	sst s0;
	s0 =	simm.s32 @!p1 $0x0  }
0x14: {  	s2 =	sld [smem:$0x3F98];
	s0 =	simm.s32 @p1 $0x1  }
0x15: {  	[smem:$0x3FB5] =	sst s0;
	s0 =	simm.s32 @!p2 $0x0  }
0x16: {  	s3 =	sld [smem:$0x3FDB];
	s0 =	simm.s32 @p2 $0x1  }
0x17: {  	s4 =	simm.s32 $0x1BF5;
	[smem:$0x3FB7] =	sst s0  }
0x18: {  	s0 =	sld [smem:$0x3F9A];
	_ =	swait.ge [sflag:s4], $0x0  }
0x19: {  	s7 =	sld [smem:$0x3F9B]  }
0x1a: {  	s8 =	sadd.s32 $0xFFFFE003, lr  }
0x1b: {  	s9 =	sadd.s32 $0xFFFFFEF7, lr;
	s5 =	simm.s32 $0xFFFFFFFF;
	p2 =	slt.u32 s8, $0xFFFFF086  }
0x1c: {  	p1 =	slt.u32 s9, $0xF7A;
	s5 =	simm.s32 @!p2 $0x0  }
0x1d: {  	s5 =	simm.s32 @p1 $0x1;
	p0 =	seq.s32 s7, s2  }
0x1e: {  	s7 =	smul.u32 @!p0 $0xF7A, s2;
	p2 =	seq.s32 @!p0 s5, $0x0  }
0x1f: {  	s9 =	smul.u32 $0xF7A, s1;
	s8 =	simm.s32 @!p0 $0x1BF5;
	p2 =	por !p2, p0  }
0x20: {  	[sflag:s8] =	ssyncset.s32 @!p0 $0xFFFFF086;
	s6 =	sadd.s32 @!p0 s3, s7;
	s7 =	simm.s32 @!p0 $0x108  }
0x21: {  	s3 =	sadd.s32 s3, s9;
	s6 =	sadd.s32 @!p0 $0x88, s6;
	s7 =	simm.s32 @p2 $0x1082  }
0x22: {  	[simem:s7], [sflag:s8] =	dma.local @!p0 [hbm:s6], $0xF7A  }
0x23: {  	s9 =	sor.u32 $0xD0000000, s2;
	s6 =	simm.s32 $0x108;
	_ =	swait.ge @!p0 [sflag:s8], $0x0  }
0x24: {  	s3 =	sadd.s32 $0x88, s3;
	s6 =	simm.s32 @!p1 $0x1082;
	[sflag:s4] =	ssyncset.s32 $0xFFFFF086  }
0x25: {  	[simem:s6], [sflag:s4] =	dma.local [hbm:s3], $0xF7A  }
0x26: {  	[smem:$0x3F9B] =	sst s1;
	(tag) =	ssettag s2;
	_ =	strace s9  }
0x27: {  	s1 =	sld [smem:$0x3FAB]  }
0x28: {  	s2 =	sld [smem:$0x3FAC]  }
0x29: {  	s4 =	sld [smem:$0x3FAE]  }
0x2a: {  	p0 =	seq.s32 s5, $0x0;
	s5 =	sld [smem:$0x3FAF]  }
0x2b: {  	s6 =	sld [smem:$0x3FB0]  }
0x2c: {  	s7 =	sld [smem:$0x3FB1]  }
0x2d: {  	s3 =	simm.s32 $0x108;
	s8 =	sld [smem:$0x3FB2]  }
0x2e: {  	s3 =	simm.s32 @!p0 $0x1082;
	s9 =	sld [smem:$0x3FB3]  }
0x2f: {  	lr =	sadd.s32 s0, s3;
	s0 =	sld [smem:$0x3FAA]  }
0x30: {  	s3 =	sld [smem:$0x3FAD]  }
0x31: {  	[smem:$0x3FB6] =	sst s10  }
0x32: {  	s10 =	sld [smem:$0x3FB4];
	_ =	sdelay $0x3  }
0x33: {  	p0 =	seq.s32 s10, $0x1;
	s10 =	sld [smem:$0x3FB6];
	_ =	sdelay $0x3  }
0x34: {  	[smem:$0x3FB6] =	sst s10  }
0x35: {  	s10 =	sld [smem:$0x3FB5];
	_ =	sdelay $0x3  }
0x36: {  	p1 =	seq.s32 s10, $0x1;
	s10 =	sld [smem:$0x3FB6];
	_ =	sdelay $0x3  }
0x37: {  	[smem:$0x3FB6] =	sst s10  }
0x38: {  	s10 =	sld [smem:$0x3FB7]  }
0x39: {  	_ = 	snop;
	(pc) =	sbr.ind lr, $3  }
0x3a: {  	_ = 	snop  }
0x3b: {  	_ = 	snop  }
0x3c: {  	p2 =	seq.s32 s10, $0x1;
	s10 =	sld [smem:$0x3FB6]  }
0x3d: {  	_ =	shalt  }
0x3e: {  	_ =	shalt  }
0x3f: {  	_ =	shalt  }
0x40: {  	_ =	shalt  }
0x41: {  	_ =	shalt  }
0x42: {  	_ =	shalt  }
0x43: {  	_ =	shalt  }
0x44: {  	_ =	shalt  }
0x45: {  	_ =	shalt  }
0x46: {  	_ =	shalt  }
0x47: {  	_ =	shalt  }
0x48: {  	_ =	shalt  }
0x49: {  	_ =	shalt  }
0x4a: {  	_ =	shalt  }
0x4b: {  	_ =	shalt  }
0x4c: {  	_ =	shalt  }
0x4d: {  	_ =	shalt  }
0x4e: {  	_ =	shalt  }
0x4f: {  	_ =	shalt  }
0x50: {  	_ =	shalt  }
0x51: {  	_ =	shalt  }
0x52: {  	_ =	shalt  }
0x53: {  	_ =	shalt  }
0x54: {  	_ =	shalt  }
0x55: {  	_ =	shalt  }
0x56: {  	_ =	shalt  }
0x57: {  	_ =	shalt  }
0x58: {  	_ =	shalt  }
0x59: {  	_ =	shalt  }
0x5a: {  	_ =	shalt  }
0x5b: {  	_ =	shalt  }
0x5c: {  	_ =	shalt  }
0x5d: {  	_ =	shalt  }
0x5e: {  	_ =	shalt  }
0x5f: {  	_ =	shalt  }
0x60: {  	_ =	shalt  }
0x61: {  	_ =	shalt  }
0x62: {  	_ =	shalt  }
0x63: {  	_ =	shalt  }
0x64: {  	_ =	shalt  }
0x65: {  	_ =	shalt  }
0x66: {  	_ =	shalt  }
0x67: {  	_ =	shalt  }
0x68: {  	_ =	shalt  }
0x69: {  	_ =	shalt  }
0x6a: {  	_ =	shalt  }
0x6b: {  	_ =	shalt  }
0x6c: {  	_ =	shalt  }
0x6d: {  	_ =	shalt  }
0x6e: {  	_ =	shalt  }
0x6f: {  	_ =	shalt  }
0x70: {  	_ =	shalt  }
0x71: {  	_ =	shalt  }
0x72: {  	_ =	shalt  }
0x73: {  	_ =	shalt  }
0x74: {  	_ =	shalt  }
0x75: {  	_ =	shalt  }
0x76: {  	_ =	shalt  }
0x77: {  	_ =	shalt  }
0x78: {  	_ =	shalt  }
0x79: {  	_ =	shalt  }
0x7a: {  	_ =	shalt  }
0x7b: {  	_ =	shalt  }
0x7c: {  	_ =	shalt  }
0x7d: {  	_ =	shalt  }
0x7e: {  	_ =	shalt  }
0x7f: {  	_ =	shalt  }
0x80: {  	_ =	shalt  }
0x81: {  	_ =	shalt  }
0x82: {  	_ =	shalt  }
0x83: {  	_ =	shalt  }
0x84: {  	_ =	shalt  }
0x85: {  	_ =	shalt  }
0x86: {  	_ =	shalt  }
0x87: {  	_ =	shalt  }
.Lfunc_end0:
.L_simem_size_0:
called_computation.1_lowered:
.L_overlay_start_0:
0x88: {  	s2 =	sld [smem:$0x3FD9]  }
0x89: {  	s3 =	sld [smem:$0x3FFE];
	_ =	sdelay $0x1  }
0x8a: {  	s1 =	srdreg.scid  }
0x8b: {  	s0 =	sand.u32 $0x1, s1  }
0x8c: {  	s17 =	sshll.u32 s0, $0xA;
	s2 =	sadd.s32 s3, s2  }
0x8d: {  	s2 =	sadd.s32 s2, s17  }
0x8e: {  	[smem:$0x3FC2] =	sst s2  }
0x8f: {  	_ = 	snop  }
0x90: {  	s2 =	sld [smem:$0x3FD0];
	(tm) =	ssettm $0x1  }
0x91: {  	s18 =	sld [smem:$0x3FFB];
	_ =	sdelay $0x3  }
0x92: {  	_ =	strace s18  }
0x93: {  	s3 =	sld [smem:$0x3FFC];
	_ =	sdelay $0x3  }
0x94: {  	_ =	strace s3  }
0x95: {  	s3 =	sld [smem:$0x3FFD];
	_ =	sdelay $0x3  }
0x96: {  	_ =	strace s3  }
0x97: {  	_ =	strace $0x8FFFFFFF  }
0x98: {  	s19 =	sld [smem:$0x3FDB];
	_ =	sdelay $0x1  }
0x99: {  	s4 =	simm.s32 $_scs_section_size  }
0x9a: {  	s5 =	simm.s32 $_size__tile_overlayer_lowered;
	s6 =	simm.s32 $_tile_overlayer_lowered  }
0x9b: {  	s22 =	simm.s32 $0x1BFF;
	s21 =	sshll.u32 s6, $0x1;
	s3 =	sadd.s32 s4, s19  }
0x9c: {  	s7 =	simm.s32 $0x0;
	s20 =	sshll.u32 s5, $0x1;
	s5 =	sadd.s32 s21, s3  }
0x9d: {  	[timem:s7], [sflag:s22] =	dma.local [hbm:s5], s20  }
0x9e: {  	_ =	swait.ge [sflag:s22], s20  }
0x9f: {  	s4 =	ssub.s32 $0x0, s20;
	[sflag:s22] =	ssyncset.done $0x0  }
0xa0: {  	[sflag:s22] =	ssyncadd.s32 s4;
	_ =	sdelay $0x1  }
0xa1: {  	s23 =	simm.s32 $0x1B8B  }
0xa2: {  	_ =	swait.ge [sflag:s23], $0x1  }
0xa3: {  	[sflag:s23] =	ssyncset.done $0x0  }
0xa4: {  	s25 =	simm.s32 $0x1B8E;
	s24 =	sld [smem:$0x3FFE];
	[sflag:s23] =	ssyncadd.s32 $0xFFFFFFFF  }
0xa5: {  	s26 =	simm.s32 $execute0_lowered;
	[smem:$0x3FD2] =	sst s25  }
0xa6: {  	s5 =	sshll.u32 s26, $0x1;
	_ =	strace $0x80000049;
	[dreg:$0x1] =	wrdreg $0xFFFFFFFF  }
0xa7: {  	s28 =	simm.s32 $_size_execute0_lowered;
	s3 =	sadd.s32 s3, s5;
	[dreg:$0x0] =	wrdreg $0x0  }
0xa8: {  	s5 =	sshll.u32 s28, $0x1;
	[dreg:$0x2] =	wrdreg s3  }
0xa9: {  	[dreg:$0x3] =	wrdreg s5  }
0xaa: {  	[dreg:$0x4] =	wrdreg $0xC0  }
0xab: {  	_ =	task [dreg:s7], $0x5FFFF  }
0xac: {  	[dreg:$0x1] =	wrdreg $0xFFFFFFFF  }
0xad: {  	[dreg:$0x0] =	wrdreg $0x60  }
0xae: {  	[dreg:$0x2] =	wrdreg s2  }
0xaf: {  	[dreg:$0x3] =	wrdreg s24  }
0xb0: {  	[dreg:$0x4] =	wrdreg $0xB3000  }
0xb1: {  	[dreg:$0x5] =	wrdreg $0x9  }
0xb2: {  	_ =	task.clear_ibuf [dreg:s7], $0x6FFFF;
	_ =	strace $0x90000049  }
0xb3: {  	s29 =	simm.s32 $0x9;
	_ =	strace $0x8000004B  }
0xb4: {  	_ =	swait.ge [sflag:s29], $0x1  }
0xb5: {  	[sflag:s29] =	ssyncadd.s32 $0xFFFFFFFF  }
0xb6: {  	_ =	strace $0x9000004B  }
0xb7: {  	_ =	sfence  }
0xb8: {  	s30 =	sld [smem:$0x0];
	_ =	sdelay $0x2  }
0xb9: {  	s31 =	sshll.u32 s1, $0xD;
	s1 =	sshrl.u32 s1, $0x2  }
0xba: {  	s3 =	sand.u32 $0x4000, s31;
	s1 =	sadd.s32 s1, s30  }
0xbb: {  	s0 =	sor.u32 s3, s0;
	s1 =	sshll.u32 s1, $0x11  }
0xbc: {  	s0 =	sor.u32 s1, s0  }
0xbd: {  	s0 =	sadd.s32 $0x8F2B, s0  }
0xbe: {  	[sflag:s0] =	ssyncadd.remote.s32 $0x1  }
0xbf: {  	_ =	sfence.sel $0xFFFF  }
0xc0: {  	[dreg:$0x0] =	wrdreg $0xFFFFFFFF;
	(pc) =	sbr.abs _section_cstart, $3  }
0xc1: {  	[dreg:$0x1] =	wrdreg $0xFFFFFFFF  }
0xc2: {  	_ =	task.clear_ibuf [dreg:s7], $0x2FFFF;
	_ =	strace $0x9FFFFFFF  }
0xc3: {  	(tm) =	ssettm $0x7FFFFFFF  }
tec
execute0_lowered:
.L_overlay_start_1:
0x0: {  	(tag) =	ssettag $0x1  }
0x1: {  	s0 =	srdreg.scid;
	s1 =	rddreg [dreg:$0x0]  }
0x2: {  	s7 =	stileid.u32;
	s4 =	rddreg [dreg:$0x1]  }
0x3: {  	s3 =	rddreg [dreg:$0x2];
	s6 =	simm.s32 $0x0;
	s28 =	simm.s32 $0x28  }
0x4: {  	s29 =	simm.s32 $0x6300;
	s31 =	simm.s32 $0x7700;
	s30 =	simm.s32 $0x9F00  }
0x5: {  	s8 =	simm.s32 $0x5;
	s9 =	simm.s32 $0x0;
	s0 =	sand.u32 $0x1, s0  }
0x6: {  	s2 =	sshll.u32 s7, $0x1;
	[smem:$0x7FF] =	sst s6;
	s18 =	smul.u32 $0x14000, s7  }
0x7: {  	s19 =	smul.u32 $0x50000, s7;
	s6 =	simm.s32 $0x4;
	s2 =	sor.u32 s0, s2  }
0x8: {  	s5 =	smul.u32 $0x140000, s0;
	_ =	strace $0x8000004A;
	s0 =	ssub.s32 $0x2, s0  }
0x9: {  	s2 =	smul.u32 $0x2710, s2;
	s20 =	sshrl.u32 s0, $0x1;
	s21 =	sshrl.u32 s19, $0x2  }
0xa: {  	s5 =	sadd.s32 s18, s5;
	s0 =	ssub.s32 s0, s20;
	s7 =	sadd.s32 s21, s3  }
0xb: {  	s2 =	sshrl.u32 s2, $0x3;
	s5 =	sshrl.u32 s5, $0x3;
	s0 =	smax.u32 s0, $0x1  }
0xc: {  	s24 =	sadd.s32 $0x1400, s7;
	s25 =	sadd.s32 $0x2800, s7;
	s26 =	sadd.s32 $0x3C00, s7  }
0xd: {  	s13 =	sadd.s32 $0x5000, s7;
	s14 =	sadd.s32 $0x6400, s7;
	s15 =	sadd.s32 $0x7800, s7  }
0xe: {  	s16 =	sadd.s32 $0x8C00, s7;
	s17 =	sadd.s32 $0xA000, s7;
	[dreg:$0x7] =	wrdreg s0  }
0xf: {  	s18 =	sadd.s32 $0xB400, s7;
	s19 =	sadd.s32 $0xC800, s7;
	[dreg:$0x8] =	wrdreg s24  }
0x10: {  	s20 =	sadd.s32 $0xDC00, s7;
	s21 =	sadd.s32 $0xF000, s7;
	[dreg:$0x9] =	wrdreg s25  }
0x11: {  	s2 =	sadd.s32 s2, s4;
	s4 =	sadd.s32 s5, s4;
	[dreg:$0xa] =	wrdreg s26  }
0x12: {  	s24 =	sadd.s32 $0x12C00, s7;
	s25 =	simm.s32 $0x6;
	s22 =	sadd.s32 $0x2800, s2  }
0x13: {  	s0 =	simm.s32 $0x8B00;
	s2 =	sadd.s32 $0xC440, s2;
	[dreg:$0x4] =	wrdreg s22  }
0x14: {  	s26 =	simm.s32 $0x1;
	s23 =	sadd.s32 $0x16200, s4;
	[dreg:$0x5] =	wrdreg s2  }
0x15: {  	s5 =	simm.s32 $0x3;
	s4 =	simm.s32 $0x2;
	[dreg:$0x6] =	wrdreg s23  }
0x16: {  	v0 =	vimm.f32 $0.0e+00;
	s22 =	sadd.s32 $0x10400, s7;
	s23 =	sadd.s32 $0x11800, s7;
	s2 =	simm.s32 $0x4F00  }
.LBB2_1:
0x17: {  	s10 =	simm.s32 $0x0;
	s11 =	rddreg [dreg:$0x4]  }
0x18: {  	[tilespmem:s10], [sflag:$0x6] =	stream.linear.gather [hbm4b:s11+s10], $0x2710, $0x38;
	[tilespmem:$0x1F300] =	vst v63  }
0x19: {  	_ =	swait.ge [sflag:s25], $0x2710  }
0x1a: {  	[sflag:s25] =	ssyncset.done $0x0  }
0x1b: {  	s12 =	simm.s32 $0x2780;
	s11 =	rddreg [dreg:$0x5];
	[sflag:s25] =	ssyncadd.s32 $0xFFFFD8F0  }
0x1c: {  	[tilespmem:s12], [sflag:$0x6] =	stream.linear.gather [hbm4b:s11+s10], $0x2710, $0x38;
	[tilespmem:$0x1F300] =	vst v63  }
0x1d: {  	_ =	swait.ge [sflag:s25], $0x2710  }
0x1e: {  	[sflag:s25] =	ssyncset.done $0x0  }
0x1f: {  	[sflag:s25] =	ssyncadd.s32 $0xFFFFD8F0  }
0x20: {  	[tilespmem:s29], [sflag:$0x2] =	stream.indirect.gather [hbm4b:s1+s28], $0x80, s28, s28, $0xb8;
	[tilespmem:$0x1F300] =	vst v63  }
0x21: {  	s12 =	simm.s32 $0x50  }
0x22: {  	[tilespmem:s31], [sflag:$0x3] =	stream.indirect.gather [hbm4b:s1+s28], $0x80, s12, s28, $0xb8;
	[tilespmem:$0x1F300] =	vst v63  }
0x23: {  	s11 =	simm.s32 $0x78  }
0x24: {  	[tilespmem:s0], [sflag:$0x4] =	stream.indirect.gather [hbm4b:s1+s28], $0x80, s11, s28, $0xb8;
	[tilespmem:$0x1F300] =	vst v63  }
0x25: {  	s10 =	simm.s32 $0x70;
	s12 =	simm.s32 $0xA0;
	s11 =	simm.s32 $0x3C0  }
0x26: {  	[tilespmem:s30], [sflag:$0x5] =	stream.indirect.gather [hbm4b:s1+s28], $0x80, s12, s28, $0xb8;
	[tilespmem:$0x1F300] =	vst v63  }
.LBB2_2:
0x27: {  	p0 =	sne.s32 s11, $0x4FC0;
	[tilespmem:s10+$0x4F00] =	vst v0  }
0x28: {  	[tilespmem:s10+$0x4E90] =	vst v0  }
0x29: {  	[tilespmem:s10+$0x4EA0] =	vst v0  }
.Ltmp0:
0x2a: {  	[tilespmem:s10+$0x4EB0] =	vst v0;
	(pc) =	sbr.rel @p0 .LBB2_2-.Ltmp0, $4  }
0x2b: {  	[tilespmem:s10+$0x4EC0] =	vst v0  }
0x2c: {  	[tilespmem:s10+$0x4ED0] =	vst v0  }
0x2d: {  	[tilespmem:s10+$0x4EE0] =	vst v0  }
0x2e: {  	[tilespmem:s10+$0x4EF0] =	vst v0;
	s10 =	sshra.s32 s11, $0x2;
	s11 =	sadd.s32 $0x200, s11  }
0x2f: {  	[tilespmem:s10+$0x4F00] =	vst v0  }
0x30: {  	[tilespmem:s10+$0x4E90] =	vst v0  }
0x31: {  	[tilespmem:s10+$0x4EA0] =	vst v0  }
0x32: {  	[tilespmem:s10+$0x4EB0] =	vst v0  }
0x33: {  	[tilespmem:s10+$0x4EC0] =	vst v0  }
0x34: {  	[tilespmem:s10+$0x4ED0] =	vst v0  }
0x35: {  	[tilespmem:s10+$0x4EE0] =	vst v0  }
0x36: {  	[tilespmem:s10+$0x4EF0] =	vst v0  }
0x37: {  	[spmem:s7] =	stream.linear.scatter [tilespmem:s2], [sflag:$0x6], $0x1400, $0x38;
	[tilespmem:$0x1F300] =	vst v63  }
0x38: {  	_ =	swait.ge [sflag:s25], $0x1400  }
0x39: {  	[sflag:s25] =	ssyncset.done $0x0  }
0x3a: {  	s12 =	rddreg [dreg:$0x8];
	[sflag:s25] =	ssyncadd.s32 $0xFFFFEC00  }
0x3b: {  	[spmem:s12] =	stream.linear.scatter [tilespmem:s2], [sflag:$0x6], $0x1400, $0x38;
	[tilespmem:$0x1F300] =	vst v63  }
0x3c: {  	_ =	swait.ge [sflag:s25], $0x1400  }
0x3d: {  	[sflag:s25] =	ssyncset.done $0x0  }
0x3e: {  	s11 =	rddreg [dreg:$0x9];
	[sflag:s25] =	ssyncadd.s32 $0xFFFFEC00  }
0x3f: {  	[spmem:s11] =	stream.linear.scatter [tilespmem:s2], [sflag:$0x6], $0x1400, $0x38;
	[tilespmem:$0x1F300] =	vst v63  }
0x40: {  	_ =	swait.ge [sflag:s25], $0x1400  }
0x41: {  	[sflag:s25] =	ssyncset.done $0x0  }
0x42: {  	s12 =	rddreg [dreg:$0xa];
	[sflag:s25] =	ssyncadd.s32 $0xFFFFEC00  }
0x43: {  	[spmem:s12] =	stream.linear.scatter [tilespmem:s2], [sflag:$0x6], $0x1400, $0x38;
	[tilespmem:$0x1F300] =	vst v63  }
0x44: {  	_ =	swait.ge [sflag:s25], $0x1400  }
0x45: {  	[sflag:s25] =	ssyncset.done $0x0  }
0x46: {  	[sflag:s25] =	ssyncadd.s32 $0xFFFFEC00  }
0x47: {  	[spmem:s13] =	stream.linear.scatter [tilespmem:s2], [sflag:$0x6], $0x1400, $0x38;
	[tilespmem:$0x1F300] =	vst v63  }
0x48: {  	_ =	swait.ge [sflag:s25], $0x1400  }
0x49: {  	[sflag:s25] =	ssyncset.done $0x0  }
0x4a: {  	[sflag:s25] =	ssyncadd.s32 $0xFFFFEC00  }
0x4b: {  	[spmem:s14] =	stream.linear.scatter [tilespmem:s2], [sflag:$0x6], $0x1400, $0x38;
	[tilespmem:$0x1F300] =	vst v63  }
0x4c: {  	_ =	swait.ge [sflag:s25], $0x1400  }
0x4d: {  	[sflag:s25] =	ssyncset.done $0x0  }
0x4e: {  	[sflag:s25] =	ssyncadd.s32 $0xFFFFEC00  }
0x4f: {  	[spmem:s15] =	stream.linear.scatter [tilespmem:s2], [sflag:$0x6], $0x1400, $0x38;
	[tilespmem:$0x1F300] =	vst v63  }
0x50: {  	_ =	swait.ge [sflag:s25], $0x1400  }
0x51: {  	[sflag:s25] =	ssyncset.done $0x0  }
0x52: {  	[sflag:s25] =	ssyncadd.s32 $0xFFFFEC00  }
0x53: {  	[spmem:s16] =	stream.linear.scatter [tilespmem:s2], [sflag:$0x6], $0x1400, $0x38;
	[tilespmem:$0x1F300] =	vst v63  }
0x54: {  	_ =	swait.ge [sflag:s25], $0x1400  }
0x55: {  	[sflag:s25] =	ssyncset.done $0x0  }
0x56: {  	[sflag:s25] =	ssyncadd.s32 $0xFFFFEC00  }
0x57: {  	[spmem:s17] =	stream.linear.scatter [tilespmem:s2], [sflag:$0x6], $0x1400, $0x38;
	[tilespmem:$0x1F300] =	vst v63  }
0x58: {  	_ =	swait.ge [sflag:s25], $0x1400  }
0x59: {  	[sflag:s25] =	ssyncset.done $0x0  }
0x5a: {  	[sflag:s25] =	ssyncadd.s32 $0xFFFFEC00  }
0x5b: {  	[spmem:s18] =	stream.linear.scatter [tilespmem:s2], [sflag:$0x6], $0x1400, $0x38;
	[tilespmem:$0x1F300] =	vst v63  }
0x5c: {  	_ =	swait.ge [sflag:s25], $0x1400  }
0x5d: {  	[sflag:s25] =	ssyncset.done $0x0  }
0x5e: {  	[sflag:s25] =	ssyncadd.s32 $0xFFFFEC00  }
0x5f: {  	[spmem:s19] =	stream.linear.scatter [tilespmem:s2], [sflag:$0x6], $0x1400, $0x38;
	[tilespmem:$0x1F300] =	vst v63  }
0x60: {  	_ =	swait.ge [sflag:s25], $0x1400  }
0x61: {  	[sflag:s25] =	ssyncset.done $0x0  }
0x62: {  	[sflag:s25] =	ssyncadd.s32 $0xFFFFEC00  }
0x63: {  	[spmem:s20] =	stream.linear.scatter [tilespmem:s2], [sflag:$0x6], $0x1400, $0x38;
	[tilespmem:$0x1F300] =	vst v63  }
0x64: {  	_ =	swait.ge [sflag:s25], $0x1400  }
0x65: {  	[sflag:s25] =	ssyncset.done $0x0  }
0x66: {  	[sflag:s25] =	ssyncadd.s32 $0xFFFFEC00  }
0x67: {  	[spmem:s21] =	stream.linear.scatter [tilespmem:s2], [sflag:$0x6], $0x1400, $0x38;
	[tilespmem:$0x1F300] =	vst v63  }
0x68: {  	_ =	swait.ge [sflag:s25], $0x1400  }
0x69: {  	[sflag:s25] =	ssyncset.done $0x0  }
0x6a: {  	[sflag:s25] =	ssyncadd.s32 $0xFFFFEC00  }
0x6b: {  	[spmem:s22] =	stream.linear.scatter [tilespmem:s2], [sflag:$0x6], $0x1400, $0x38;
	[tilespmem:$0x1F300] =	vst v63  }
0x6c: {  	_ =	swait.ge [sflag:s25], $0x1400  }
0x6d: {  	[sflag:s25] =	ssyncset.done $0x0  }
0x6e: {  	[sflag:s25] =	ssyncadd.s32 $0xFFFFEC00  }
0x6f: {  	[spmem:s23] =	stream.linear.scatter [tilespmem:s2], [sflag:$0x6], $0x1400, $0x38;
	[tilespmem:$0x1F300] =	vst v63  }
0x70: {  	_ =	swait.ge [sflag:s25], $0x1400  }
0x71: {  	[sflag:s25] =	ssyncset.done $0x0  }
0x72: {  	[sflag:s25] =	ssyncadd.s32 $0xFFFFEC00  }
0x73: {  	[spmem:s24] =	stream.linear.scatter [tilespmem:s2], [sflag:$0x6], $0x1400, $0x38;
	[tilespmem:$0x1F300] =	vst v63  }
0x74: {  	_ =	swait.ge [sflag:s25], $0x1400  }
0x75: {  	[sflag:s25] =	ssyncset.done $0x0  }
0x76: {  	s11 =	simm.s32 $0x0;
	[sflag:s25] =	ssyncadd.s32 $0xFFFFEC00  }
0x77: {  	[tilespmem:s2], [sflag:$0x1] =	stream.indirect.gather [hbm4b:s1+s28], $0x80, s11, s28, $0xb8;
	[tilespmem:$0x1F300] =	vst v63  }
0x78: {  	[bflag:$0x0] =	sbarrier.arrive $0xFFFF  }
0x79: {  	_ =	swait.ge [sflag:s26], $0x1400  }
0x7a: {  	[sflag:s26] =	ssyncset.done $0x0  }
0x7b: {  	s12 =	simm.s32 $0x2780;
	[sflag:s26] =	ssyncadd.s32 $0xFFFFEC00  }
0x7c: {  	[spmem:s3] =	stream.indirect.scatter.add.f32 [tilespmem:s2], [sflag:$0x6], $0x80, s12, s28, $0xb8;
	[tilespmem:$0x1F300] =	vst v63  }
0x7d: {  	_ =	swait.ge [sflag:s25], $0x1400  }
0x7e: {  	[sflag:s25] =	ssyncset.done $0x0  }
0x7f: {  	s11 =	simm.s32 $0xC8;
	[sflag:s25] =	ssyncadd.s32 $0xFFFFEC00  }
0x80: {  	[tilespmem:s2], [sflag:$0x1] =	stream.indirect.gather [hbm4b:s1+s28], $0x80, s11, s28, $0xb8;
	[tilespmem:$0x1F300] =	vst v63  }
0x81: {  	_ =	swait.ge [sflag:s4], $0x1400  }
0x82: {  	[sflag:s4] =	ssyncset.done $0x0  }
0x83: {  	s12 =	simm.s32 $0x27A8;
	[sflag:s4] =	ssyncadd.s32 $0xFFFFEC00  }
0x84: {  	[spmem:s3] =	stream.indirect.scatter.add.f32 [tilespmem:s29], [sflag:$0x6], $0x80, s12, s28, $0xb8;
	[tilespmem:$0x1F300] =	vst v63  }
0x85: {  	_ =	swait.ge [sflag:s25], $0x1400  }
0x86: {  	[sflag:s25] =	ssyncset.done $0x0  }
0x87: {  	s11 =	simm.s32 $0xF0;
	[sflag:s25] =	ssyncadd.s32 $0xFFFFEC00  }
0x88: {  	[tilespmem:s29], [sflag:$0x2] =	stream.indirect.gather [hbm4b:s1+s28], $0x80, s11, s28, $0xb8;
	[tilespmem:$0x1F300] =	vst v63  }
0x89: {  	_ =	swait.ge [sflag:s5], $0x1400  }
0x8a: {  	[sflag:s5] =	ssyncset.done $0x0  }
0x8b: {  	s12 =	simm.s32 $0x27D0;
	[sflag:s5] =	ssyncadd.s32 $0xFFFFEC00  }
0x8c: {  	[spmem:s3] =	stream.indirect.scatter.add.f32 [tilespmem:s31], [sflag:$0x6], $0x80, s12, s28, $0xb8;
	[tilespmem:$0x1F300] =	vst v63  }
0x8d: {  	_ =	swait.ge [sflag:s25], $0x1400  }
0x8e: {  	[sflag:s25] =	ssyncset.done $0x0  }
0x8f: {  	s11 =	simm.s32 $0x118;
	[sflag:s25] =	ssyncadd.s32 $0xFFFFEC00  }
0x90: {  	[tilespmem:s31], [sflag:$0x3] =	stream.indirect.gather [hbm4b:s1+s28], $0x80, s11, s28, $0xb8;
	[tilespmem:$0x1F300] =	vst v63  }
0x91: {  	_ =	swait.ge [sflag:s6], $0x1400  }
0x92: {  	[sflag:s6] =	ssyncset.done $0x0  }
0x93: {  	s12 =	simm.s32 $0x27F8;
	[sflag:s6] =	ssyncadd.s32 $0xFFFFEC00  }
0x94: {  	[spmem:s3] =	stream.indirect.scatter.add.f32 [tilespmem:s0], [sflag:$0x6], $0x80, s12, s28, $0xb8;
	[tilespmem:$0x1F300] =	vst v63  }
0x95: {  	_ =	swait.ge [sflag:s25], $0x1400  }
0x96: {  	[sflag:s25] =	ssyncset.done $0x0  }
0x97: {  	s11 =	simm.s32 $0x140;
	[sflag:s25] =	ssyncadd.s32 $0xFFFFEC00  }
0x98: {  	[tilespmem:s0], [sflag:$0x4] =	stream.indirect.gather [hbm4b:s1+s28], $0x80, s11, s28, $0xb8;
	[tilespmem:$0x1F300] =	vst v63  }
0x99: {  	_ =	swait.ge [sflag:s8], $0x1400  }
0x9a: {  	[sflag:s8] =	ssyncset.done $0x0  }
0x9b: {  	s12 =	simm.s32 $0x2820;
	[sflag:s8] =	ssyncadd.s32 $0xFFFFEC00  }
0x9c: {  	[spmem:s3] =	stream.indirect.scatter.add.f32 [tilespmem:s30], [sflag:$0x6], $0x80, s12, s28, $0xb8;
	[tilespmem:$0x1F300] =	vst v63  }
0x9d: {  	_ =	swait.ge [sflag:s25], $0x1400  }
0x9e: {  	[sflag:s25] =	ssyncset.done $0x0  }
0x9f: {  	s10 =	simm.s32 $0x320;
	s11 =	simm.s32 $0x168;
	[sflag:s25] =	ssyncadd.s32 $0xFFFFEC00  }
.LBB2_4:
0xa0: {  	[tilespmem:s30], [sflag:$0x5] =	stream.indirect.gather [hbm4b:s1+s28], $0x80, s11, s28, $0xb8;
	[tilespmem:$0x1F300] =	vst v63  }
0xa1: {  	s11 =	smov.u32 s10  }
0xa2: {  	p0 =	sne.s32 s10, $0x9600;
	s10 =	sadd.s32 $0x320, s10;
	_ =	swait.ge [sflag:s26], $0x1400  }
0xa3: {  	s11 =	sshra.s32 s11, $0x2;
	[sflag:s26] =	ssyncset.done $0x0  }
0xa4: {  	s12 =	sadd.s32 $0x2780, s11;
	[sflag:s26] =	ssyncadd.s32 $0xFFFFEC00  }
0xa5: {  	[spmem:s3] =	stream.indirect.scatter.add.f32 [tilespmem:s2], [sflag:$0x6], $0x80, s12, s28, $0xb8;
	[tilespmem:$0x1F300] =	vst v63  }
0xa6: {  	_ =	swait.ge [sflag:s25], $0x1400  }
0xa7: {  	[sflag:s25] =	ssyncset.done $0x0  }
0xa8: {  	s12 =	sadd.s32 $0xC8, s11;
	[sflag:s25] =	ssyncadd.s32 $0xFFFFEC00  }
0xa9: {  	[tilespmem:s2], [sflag:$0x1] =	stream.indirect.gather [hbm4b:s1+s28], $0x80, s12, s28, $0xb8;
	[tilespmem:$0x1F300] =	vst v63  }
0xaa: {  	_ =	swait.ge [sflag:s4], $0x1400  }
0xab: {  	[sflag:s4] =	ssyncset.done $0x0  }
0xac: {  	s12 =	sadd.s32 $0x27A8, s11;
	[sflag:s4] =	ssyncadd.s32 $0xFFFFEC00  }
0xad: {  	[spmem:s3] =	stream.indirect.scatter.add.f32 [tilespmem:s29], [sflag:$0x6], $0x80, s12, s28, $0xb8;
	[tilespmem:$0x1F300] =	vst v63  }
0xae: {  	_ =	swait.ge [sflag:s25], $0x1400  }
0xaf: {  	[sflag:s25] =	ssyncset.done $0x0  }
0xb0: {  	s12 =	sadd.s32 $0xF0, s11;
	[sflag:s25] =	ssyncadd.s32 $0xFFFFEC00  }
0xb1: {  	[tilespmem:s29], [sflag:$0x2] =	stream.indirect.gather [hbm4b:s1+s28], $0x80, s12, s28, $0xb8;
	[tilespmem:$0x1F300] =	vst v63  }
0xb2: {  	_ =	swait.ge [sflag:s5], $0x1400  }
0xb3: {  	[sflag:s5] =	ssyncset.done $0x0  }
0xb4: {  	s12 =	sadd.s32 $0x27D0, s11;
	[sflag:s5] =	ssyncadd.s32 $0xFFFFEC00  }
0xb5: {  	[spmem:s3] =	stream.indirect.scatter.add.f32 [tilespmem:s31], [sflag:$0x6], $0x80, s12, s28, $0xb8;
	[tilespmem:$0x1F300] =	vst v63  }
0xb6: {  	_ =	swait.ge [sflag:s25], $0x1400  }
0xb7: {  	[sflag:s25] =	ssyncset.done $0x0  }
0xb8: {  	s12 =	sadd.s32 $0x118, s11;
	[sflag:s25] =	ssyncadd.s32 $0xFFFFEC00  }
0xb9: {  	[tilespmem:s31], [sflag:$0x3] =	stream.indirect.gather [hbm4b:s1+s28], $0x80, s12, s28, $0xb8;
	[tilespmem:$0x1F300] =	vst v63  }
0xba: {  	_ =	swait.ge [sflag:s6], $0x1400  }
0xbb: {  	[sflag:s6] =	ssyncset.done $0x0  }
0xbc: {  	s12 =	sadd.s32 $0x27F8, s11;
	[sflag:s6] =	ssyncadd.s32 $0xFFFFEC00  }
0xbd: {  	[spmem:s3] =	stream.indirect.scatter.add.f32 [tilespmem:s0], [sflag:$0x6], $0x80, s12, s28, $0xb8;
	[tilespmem:$0x1F300] =	vst v63  }
0xbe: {  	_ =	swait.ge [sflag:s25], $0x1400  }
0xbf: {  	[sflag:s25] =	ssyncset.done $0x0  }
0xc0: {  	s12 =	sadd.s32 $0x140, s11;
	[sflag:s25] =	ssyncadd.s32 $0xFFFFEC00  }
0xc1: {  	[tilespmem:s0], [sflag:$0x4] =	stream.indirect.gather [hbm4b:s1+s28], $0x80, s12, s28, $0xb8;
	[tilespmem:$0x1F300] =	vst v63  }
0xc2: {  	_ =	swait.ge [sflag:s8], $0x1400  }
0xc3: {  	[sflag:s8] =	ssyncset.done $0x0  }
.Ltmp1:
0xc4: {  	s12 =	sadd.s32 $0x2820, s11;
	[sflag:s8] =	ssyncadd.s32 $0xFFFFEC00;
	(pc) =	sbr.rel @p0 .LBB2_4-.Ltmp1, $4  }
0xc5: {  	[spmem:s3] =	stream.indirect.scatter.add.f32 [tilespmem:s30], [sflag:$0x6], $0x80, s12, s28, $0xb8;
	[tilespmem:$0x1F300] =	vst v63  }
0xc6: {  	_ =	swait.ge [sflag:s25], $0x1400  }
0xc7: {  	[sflag:s25] =	ssyncset.done $0x0  }
0xc8: {  	s11 =	sadd.s32 $0x168, s11;
	[sflag:s25] =	ssyncadd.s32 $0xFFFFEC00  }
0xc9: {  	[tilespmem:s30], [sflag:$0x5] =	stream.indirect.gather [hbm4b:s1+s28], $0x80, s11, s28, $0xb8;
	[tilespmem:$0x1F300] =	vst v63  }
0xca: {  	_ =	swait.ge [sflag:s26], $0x1400  }
0xcb: {  	[sflag:s26] =	ssyncset.done $0x0  }
0xcc: {  	s10 =	simm.s32 $0x4DC8;
	[sflag:s26] =	ssyncadd.s32 $0xFFFFEC00  }
0xcd: {  	[spmem:s3] =	stream.indirect.scatter.add.f32 [tilespmem:s2], [sflag:$0x6], $0x80, s10, s28, $0xb8;
	[tilespmem:$0x1F300] =	vst v63  }
0xce: {  	_ =	swait.ge [sflag:s25], $0x1400  }
0xcf: {  	[sflag:s25] =	ssyncset.done $0x0  }
0xd0: {  	[sflag:s25] =	ssyncadd.s32 $0xFFFFEC00  }
0xd1: {  	_ =	swait.ge [sflag:s4], $0x1400  }
0xd2: {  	[sflag:s4] =	ssyncset.done $0x0  }
0xd3: {  	s11 =	simm.s32 $0x4DF0;
	[sflag:s4] =	ssyncadd.s32 $0xFFFFEC00  }
0xd4: {  	[spmem:s3] =	stream.indirect.scatter.add.f32 [tilespmem:s29], [sflag:$0x6], $0x80, s11, s28, $0xb8;
	[tilespmem:$0x1F300] =	vst v63  }
0xd5: {  	_ =	swait.ge [sflag:s25], $0x1400  }
0xd6: {  	[sflag:s25] =	ssyncset.done $0x0  }
0xd7: {  	[sflag:s25] =	ssyncadd.s32 $0xFFFFEC00  }
0xd8: {  	_ =	swait.ge [sflag:s5], $0x1400  }
0xd9: {  	[sflag:s5] =	ssyncset.done $0x0  }
0xda: {  	s12 =	simm.s32 $0x4E18;
	[sflag:s5] =	ssyncadd.s32 $0xFFFFEC00  }
0xdb: {  	[spmem:s3] =	stream.indirect.scatter.add.f32 [tilespmem:s31], [sflag:$0x6], $0x80, s12, s28, $0xb8;
	[tilespmem:$0x1F300] =	vst v63  }
0xdc: {  	_ =	swait.ge [sflag:s25], $0x1400  }
0xdd: {  	[sflag:s25] =	ssyncset.done $0x0  }
0xde: {  	[sflag:s25] =	ssyncadd.s32 $0xFFFFEC00  }
0xdf: {  	_ =	swait.ge [sflag:s6], $0x1400  }
0xe0: {  	[sflag:s6] =	ssyncset.done $0x0  }
0xe1: {  	s11 =	simm.s32 $0x4E40;
	[sflag:s6] =	ssyncadd.s32 $0xFFFFEC00  }
0xe2: {  	[spmem:s3] =	stream.indirect.scatter.add.f32 [tilespmem:s0], [sflag:$0x6], $0x80, s11, s28, $0xb8;
	[tilespmem:$0x1F300] =	vst v63  }
0xe3: {  	_ =	swait.ge [sflag:s25], $0x1400  }
0xe4: {  	[sflag:s25] =	ssyncset.done $0x0  }
0xe5: {  	[sflag:s25] =	ssyncadd.s32 $0xFFFFEC00  }
0xe6: {  	_ =	swait.ge [sflag:s8], $0x1400  }
0xe7: {  	[sflag:s8] =	ssyncset.done $0x0  }
0xe8: {  	s12 =	simm.s32 $0x4E68;
	[sflag:s8] =	ssyncadd.s32 $0xFFFFEC00  }
0xe9: {  	[spmem:s3] =	stream.indirect.scatter.add.f32 [tilespmem:s30], [sflag:$0x6], $0x80, s12, s28, $0xb8;
	[tilespmem:$0x1F300] =	vst v63  }
0xea: {  	_ =	swait.ge [sflag:s25], $0x1400  }
0xeb: {  	[sflag:s25] =	ssyncset.done $0x0  }
0xec: {  	s11 =	stileid.u32;
	[sflag:s25] =	ssyncadd.s32 $0xFFFFEC00  }
0xed: {  	s10 =	sshll.u32 s11, $0x6;
	[bflag:$0x0] =	sbarrier.arrive $0xFFFF  }
0xee: {  	s11 =	sshrl.u32 s7, $0x3;
	s10 =	sor.u32 $0x1C06, s10;
	s12 =	rddreg [dreg:$0x6]  }
0xef: {  	[hbm:s12], [sflag:s10] =	dma.local [spmem:s11], $0x2800  }
0xf0: {  	_ =	swait.ge [sflag:s25], $0x2800  }
0xf1: {  	s9 =	sadd.s32 $0x1, s9;
	s12 =	rddreg [dreg:$0x7]  }
0xf2: {  	p0 =	sne.s32 s9, s12  }
.Ltmp2:
0xf3: {  	_ = 	snop;
	(pc) =	sbr.rel @p0 .LBB2_1-.Ltmp2, $3  }
0xf4: {  	_ =	sdelay $0x1  }
0xf5: {  	[sflag:s25] =	ssyncset.done $0x0  }
0xf6: {  	[sflag:s25] =	ssyncadd.s32 $0xFFFFD800  }
0xf7: {  	_ =	sfence.sel $0x180000  }
0xf8: {  	[bflag:$0x0] =	sbarrier.arrive $0xFFFF  }
0xf9: {  	_ =	strace $0x9000004A  }
0xfa: {  	s0 =	stileid.u32;
	[bflag:$0x2] =	sbarrier.arrive $0xFFFF  }
0xfb: {  	p0 =	sne.s32 s0, $0x0;
	s0 =	rddreg [dreg:$0x3]  }
0xfc: {  	s0 =	sadd.s32 @!p0 $0x100000, s0  }
0xfd: {  	[sflag:s0] =	ssyncadd.tile.s32 @!p0 $0x1;
	_ =	shalt  }
.Lfunc_end2:
_tile_overlayer_lowered:
.L_overlay_start_2:
0xfe: {  	(tag) =	ssettag $0x2  }
0xff: {  	s0 =	rddreg [dreg:$0x0];
	s2 =	stileid.u32  }
0x100: {  	s1 =	rddreg [dreg:$0x1];
	p0 =	sne.s32 s2, $0x0  }
0x101: {  	s3 =	rddreg [dreg:$0x2];
	[bflag:$0x3] =	sbarrier.arrive $0xFFFF;
	s2 =	simm.s32 @!p0 $0x1C06  }
0x102: {  	[timem:s3], [sflag:s2] =	dma.local @!p0 [hbm:s0], s1  }
0x103: {  	s0 =	simm.s32 @!p0 $0x6  }
0x104: {  	_ =	swait.ge @!p0 [sflag:s0], s1  }
0x105: {  	s1 =	ssub.s32 @!p0 $0x0, s1;
	[sflag:s0] =	ssyncset.done @!p0 $0x0  }
0x106: {  	[sflag:s0] =	ssyncadd.s32 @!p0 s1  }
0x107: {  	[bflag:$0x3] =	sbarrier.arrive $0xFFFF  }
0x108: {  	_ =	shalt  }

// kernel: kernel.16.cloned.1.call-start
scs
__scs_entry_jumppad:
0x0: {  	(pc) =	sbr.rel $0x88, $3  }
0x1: {  	(tag) =	ssettag $0x0;
	lr =	simm.s32 $0x1  }
0x2: {  	[smem:$0x3F9B] =	sst lr;
	_ =	strace $0xD0000000  }
0x3: {  	_ = 	snop  }
0x4: {  	_ = 	snop  }
0x5: {  	_ = 	snop  }
0x6: {  	_ = 	snop  }
0x7: {  	_ = 	snop  }
__scs_overlays_trampoline_lowered:
0x8: {  	[smem:$0x3FAA] =	sst s0  }
0x9: {  	[smem:$0x3FAB] =	sst s1  }
0xa: {  	[smem:$0x3FAC] =	sst s2  }
0xb: {  	[smem:$0x3FAD] =	sst s3  }
0xc: {  	[smem:$0x3FAE] =	sst s4  }
0xd: {  	[smem:$0x3FAF] =	sst s5  }
0xe: {  	[smem:$0x3FB0] =	sst s6  }
0xf: {  	[smem:$0x3FB1] =	sst s7  }
0x10: {  	[smem:$0x3FB2] =	sst s8  }
0x11: {  	[smem:$0x3FB3] =	sst s9;
	s0 =	simm.s32 @!p0 $0x0  }
0x12: {  	s1 =	sld [smem:$0x3F99];
	s0 =	simm.s32 @p0 $0x1  }
0x13: {  	[smem:$0x3FB4] =	sst s0;
	s0 =	simm.s32 @!p1 $0x0  }
0x14: {  	s2 =	sld [smem:$0x3F98];
	s0 =	simm.s32 @p1 $0x1  }
0x15: {  	[smem:$0x3FB5] =	sst s0;
	s0 =	simm.s32 @!p2 $0x0  }
0x16: {  	s3 =	sld [smem:$0x3FDB];
	s0 =	simm.s32 @p2 $0x1  }
0x17: {  	s4 =	simm.s32 $0x1BF5;
	[smem:$0x3FB7] =	sst s0  }
0x18: {  	s0 =	sld [smem:$0x3F9A];
	_ =	swait.ge [sflag:s4], $0x0  }
0x19: {  	s7 =	sld [smem:$0x3F9B]  }
0x1a: {  	s8 =	sadd.s32 $0xFFFFE003, lr  }
0x1b: {  	s9 =	sadd.s32 $0xFFFFFEF7, lr;
	s5 =	simm.s32 $0xFFFFFFFF;
	p2 =	slt.u32 s8, $0xFFFFF086  }
0x1c: {  	p1 =	slt.u32 s9, $0xF7A;
	s5 =	simm.s32 @!p2 $0x0  }
0x1d: {  	s5 =	simm.s32 @p1 $0x1;
	p0 =	seq.s32 s7, s2  }
0x1e: {  	s7 =	smul.u32 @!p0 $0xF7A, s2;
	p2 =	seq.s32 @!p0 s5, $0x0  }
0x1f: {  	s9 =	smul.u32 $0xF7A, s1;
	s8 =	simm.s32 @!p0 $0x1BF5;
	p2 =	por !p2, p0  }
0x20: {  	[sflag:s8] =	ssyncset.s32 @!p0 $0xFFFFF086;
	s6 =	sadd.s32 @!p0 s3, s7;
	s7 =	simm.s32 @!p0 $0x108  }
0x21: {  	s3 =	sadd.s32 s3, s9;
	s6 =	sadd.s32 @!p0 $0x88, s6;
	s7 =	simm.s32 @p2 $0x1082  }
0x22: {  	[simem:s7], [sflag:s8] =	dma.local @!p0 [hbm:s6], $0xF7A  }
0x23: {  	s9 =	sor.u32 $0xD0000000, s2;
	s6 =	simm.s32 $0x108;
	_ =	swait.ge @!p0 [sflag:s8], $0x0  }
0x24: {  	s3 =	sadd.s32 $0x88, s3;
	s6 =	simm.s32 @!p1 $0x1082;
	[sflag:s4] =	ssyncset.s32 $0xFFFFF086  }
0x25: {  	[simem:s6], [sflag:s4] =	dma.local [hbm:s3], $0xF7A  }
0x26: {  	[smem:$0x3F9B] =	sst s1;
	(tag) =	ssettag s2;
	_ =	strace s9  }
0x27: {  	s1 =	sld [smem:$0x3FAB]  }
0x28: {  	s2 =	sld [smem:$0x3FAC]  }
0x29: {  	s4 =	sld [smem:$0x3FAE]  }
0x2a: {  	p0 =	seq.s32 s5, $0x0;
	s5 =	sld [smem:$0x3FAF]  }
0x2b: {  	s6 =	sld [smem:$0x3FB0]  }
0x2c: {  	s7 =	sld [smem:$0x3FB1]  }
0x2d: {  	s3 =	simm.s32 $0x108;
	s8 =	sld [smem:$0x3FB2]  }
0x2e: {  	s3 =	simm.s32 @!p0 $0x1082;
	s9 =	sld [smem:$0x3FB3]  }
0x2f: {  	lr =	sadd.s32 s0, s3;
	s0 =	sld [smem:$0x3FAA]  }
0x30: {  	s3 =	sld [smem:$0x3FAD]  }
0x31: {  	[smem:$0x3FB6] =	sst s10  }
0x32: {  	s10 =	sld [smem:$0x3FB4];
	_ =	sdelay $0x3  }
0x33: {  	p0 =	seq.s32 s10, $0x1;
	s10 =	sld [smem:$0x3FB6];
	_ =	sdelay $0x3  }
0x34: {  	[smem:$0x3FB6] =	sst s10  }
0x35: {  	s10 =	sld [smem:$0x3FB5];
	_ =	sdelay $0x3  }
0x36: {  	p1 =	seq.s32 s10, $0x1;
	s10 =	sld [smem:$0x3FB6];
	_ =	sdelay $0x3  }
0x37: {  	[smem:$0x3FB6] =	sst s10  }
0x38: {  	s10 =	sld [smem:$0x3FB7]  }
0x39: {  	_ = 	snop;
	(pc) =	sbr.ind lr, $3  }
0x3a: {  	_ = 	snop  }
0x3b: {  	_ = 	snop  }
0x3c: {  	p2 =	seq.s32 s10, $0x1;
	s10 =	sld [smem:$0x3FB6]  }
0x3d: {  	_ =	shalt  }
0x3e: {  	_ =	shalt  }
0x3f: {  	_ =	shalt  }
0x40: {  	_ =	shalt  }
0x41: {  	_ =	shalt  }
0x42: {  	_ =	shalt  }
0x43: {  	_ =	shalt  }
0x44: {  	_ =	shalt  }
0x45: {  	_ =	shalt  }
0x46: {  	_ =	shalt  }
0x47: {  	_ =	shalt  }
0x48: {  	_ =	shalt  }
0x49: {  	_ =	shalt  }
0x4a: {  	_ =	shalt  }
0x4b: {  	_ =	shalt  }
0x4c: {  	_ =	shalt  }
0x4d: {  	_ =	shalt  }
0x4e: {  	_ =	shalt  }
0x4f: {  	_ =	shalt  }
0x50: {  	_ =	shalt  }
0x51: {  	_ =	shalt  }
0x52: {  	_ =	shalt  }
0x53: {  	_ =	shalt  }
0x54: {  	_ =	shalt  }
0x55: {  	_ =	shalt  }
0x56: {  	_ =	shalt  }
0x57: {  	_ =	shalt  }
0x58: {  	_ =	shalt  }
0x59: {  	_ =	shalt  }
0x5a: {  	_ =	shalt  }
0x5b: {  	_ =	shalt  }
0x5c: {  	_ =	shalt  }
0x5d: {  	_ =	shalt  }
0x5e: {  	_ =	shalt  }
0x5f: {  	_ =	shalt  }
0x60: {  	_ =	shalt  }
0x61: {  	_ =	shalt  }
0x62: {  	_ =	shalt  }
0x63: {  	_ =	shalt  }
0x64: {  	_ =	shalt  }
0x65: {  	_ =	shalt  }
0x66: {  	_ =	shalt  }
0x67: {  	_ =	shalt  }
0x68: {  	_ =	shalt  }
0x69: {  	_ =	shalt  }
0x6a: {  	_ =	shalt  }
0x6b: {  	_ =	shalt  }
0x6c: {  	_ =	shalt  }
0x6d: {  	_ =	shalt  }
0x6e: {  	_ =	shalt  }
0x6f: {  	_ =	shalt  }
0x70: {  	_ =	shalt  }
0x71: {  	_ =	shalt  }
0x72: {  	_ =	shalt  }
0x73: {  	_ =	shalt  }
0x74: {  	_ =	shalt  }
0x75: {  	_ =	shalt  }
0x76: {  	_ =	shalt  }
0x77: {  	_ =	shalt  }
0x78: {  	_ =	shalt  }
0x79: {  	_ =	shalt  }
0x7a: {  	_ =	shalt  }
0x7b: {  	_ =	shalt  }
0x7c: {  	_ =	shalt  }
0x7d: {  	_ =	shalt  }
0x7e: {  	_ =	shalt  }
0x7f: {  	_ =	shalt  }
0x80: {  	_ =	shalt  }
0x81: {  	_ =	shalt  }
0x82: {  	_ =	shalt  }
0x83: {  	_ =	shalt  }
0x84: {  	_ =	shalt  }
0x85: {  	_ =	shalt  }
0x86: {  	_ =	shalt  }
0x87: {  	_ =	shalt  }
.Lfunc_end0:
.L_simem_size_0:
called_computation.2_lowered:
.L_overlay_start_0:
0x88: {  	s2 =	sld [smem:$0x3FD9]  }
0x89: {  	s3 =	sld [smem:$0x3FFE];
	_ =	sdelay $0x1  }
0x8a: {  	s1 =	srdreg.scid  }
0x8b: {  	s0 =	sand.u32 $0x1, s1  }
0x8c: {  	s17 =	sshll.u32 s0, $0xA;
	s2 =	sadd.s32 s3, s2  }
0x8d: {  	s2 =	sadd.s32 s2, s17  }
0x8e: {  	[smem:$0x3FC2] =	sst s2  }
0x8f: {  	_ = 	snop  }
0x90: {  	s2 =	sld [smem:$0x3FD0];
	(tm) =	ssettm $0x1  }
0x91: {  	s18 =	sld [smem:$0x3FFB];
	_ =	sdelay $0x3  }
0x92: {  	_ =	strace s18  }
0x93: {  	s3 =	sld [smem:$0x3FFC];
	_ =	sdelay $0x3  }
0x94: {  	_ =	strace s3  }
0x95: {  	s3 =	sld [smem:$0x3FFD];
	_ =	sdelay $0x3  }
0x96: {  	_ =	strace s3  }
0x97: {  	_ =	strace $0x8FFFFFFF  }
0x98: {  	s19 =	sld [smem:$0x3FDB];
	_ =	sdelay $0x1  }
0x99: {  	s4 =	simm.s32 $_scs_section_size  }
0x9a: {  	s5 =	simm.s32 $_size__tile_overlayer_lowered;
	s6 =	simm.s32 $_tile_overlayer_lowered  }
0x9b: {  	s22 =	simm.s32 $0x1BFF;
	s21 =	sshll.u32 s6, $0x1;
	s3 =	sadd.s32 s4, s19  }
0x9c: {  	s7 =	simm.s32 $0x0;
	s20 =	sshll.u32 s5, $0x1;
	s5 =	sadd.s32 s21, s3  }
0x9d: {  	[timem:s7], [sflag:s22] =	dma.local [hbm:s5], s20  }
0x9e: {  	_ =	swait.ge [sflag:s22], s20  }
0x9f: {  	s4 =	ssub.s32 $0x0, s20;
	[sflag:s22] =	ssyncset.done $0x0  }
0xa0: {  	[sflag:s22] =	ssyncadd.s32 s4;
	_ =	sdelay $0x1  }
0xa1: {  	s23 =	simm.s32 $0x1B8B  }
0xa2: {  	_ =	swait.ge [sflag:s23], $0x1  }
0xa3: {  	[sflag:s23] =	ssyncset.done $0x0  }
0xa4: {  	s25 =	simm.s32 $0x1B8E;
	s24 =	sld [smem:$0x3FFE];
	[sflag:s23] =	ssyncadd.s32 $0xFFFFFFFF  }
0xa5: {  	s26 =	simm.s32 $execute0_lowered;
	[smem:$0x3FD2] =	sst s25  }
0xa6: {  	s5 =	sshll.u32 s26, $0x1;
	_ =	strace $0x8000004C;
	[dreg:$0x1] =	wrdreg $0xFFFFFFFF  }
0xa7: {  	s28 =	simm.s32 $_size_execute0_lowered;
	s3 =	sadd.s32 s3, s5;
	[dreg:$0x0] =	wrdreg $0x0  }
0xa8: {  	s5 =	sshll.u32 s28, $0x1;
	[dreg:$0x2] =	wrdreg s3  }
0xa9: {  	[dreg:$0x3] =	wrdreg s5  }
0xaa: {  	[dreg:$0x4] =	wrdreg $0xC0  }
0xab: {  	_ =	task [dreg:s7], $0x5FFFF  }
0xac: {  	[dreg:$0x1] =	wrdreg $0xFFFFFFFF  }
0xad: {  	[dreg:$0x0] =	wrdreg $0x60  }
0xae: {  	[dreg:$0x2] =	wrdreg s2  }
0xaf: {  	[dreg:$0x3] =	wrdreg s24  }
0xb0: {  	[dreg:$0x4] =	wrdreg $0xB3000  }
0xb1: {  	[dreg:$0x5] =	wrdreg $0x9  }
0xb2: {  	_ =	task.clear_ibuf [dreg:s7], $0x6FFFF;
	_ =	strace $0x9000004C  }
0xb3: {  	s29 =	simm.s32 $0x9;
	_ =	strace $0x8000004E  }
0xb4: {  	_ =	swait.ge [sflag:s29], $0x1  }
0xb5: {  	[sflag:s29] =	ssyncadd.s32 $0xFFFFFFFF  }
0xb6: {  	_ =	strace $0x9000004E  }
0xb7: {  	_ =	sfence  }
0xb8: {  	s30 =	sld [smem:$0x0];
	_ =	sdelay $0x2  }
0xb9: {  	s31 =	sshll.u32 s1, $0xD;
	s1 =	sshrl.u32 s1, $0x2  }
0xba: {  	s3 =	sand.u32 $0x4000, s31;
	s1 =	sadd.s32 s1, s30  }
0xbb: {  	s0 =	sor.u32 s3, s0;
	s1 =	sshll.u32 s1, $0x11  }
0xbc: {  	s0 =	sor.u32 s1, s0  }
0xbd: {  	s0 =	sadd.s32 $0x8F2B, s0  }
0xbe: {  	[sflag:s0] =	ssyncadd.remote.s32 $0x1  }
0xbf: {  	_ =	sfence.sel $0xFFFF  }
0xc0: {  	[dreg:$0x0] =	wrdreg $0xFFFFFFFF;
	(pc) =	sbr.abs _section_cstart, $3  }
0xc1: {  	[dreg:$0x1] =	wrdreg $0xFFFFFFFF  }
0xc2: {  	_ =	task.clear_ibuf [dreg:s7], $0x2FFFF;
	_ =	strace $0x9FFFFFFF  }
0xc3: {  	(tm) =	ssettm $0x7FFFFFFF  }
tec
execute0_lowered:
.L_overlay_start_1:
0x0: {  	(tag) =	ssettag $0x1  }
0x1: {  	s0 =	srdreg.scid;
	s1 =	rddreg [dreg:$0x0]  }
0x2: {  	s7 =	stileid.u32;
	s4 =	rddreg [dreg:$0x1]  }
0x3: {  	s3 =	rddreg [dreg:$0x2];
	s6 =	simm.s32 $0x0;
	s28 =	simm.s32 $0x28  }
0x4: {  	s29 =	simm.s32 $0x6300;
	s31 =	simm.s32 $0x7700;
	s30 =	simm.s32 $0x9F00  }
0x5: {  	s8 =	simm.s32 $0x5;
	s9 =	simm.s32 $0x0;
	s0 =	sand.u32 $0x1, s0  }
0x6: {  	s2 =	sshll.u32 s7, $0x1;
	[smem:$0x7FF] =	sst s6;
	s18 =	smul.u32 $0x14000, s7  }
0x7: {  	s19 =	smul.u32 $0x50000, s7;
	s6 =	simm.s32 $0x4;
	s2 =	sor.u32 s0, s2  }
0x8: {  	s5 =	smul.u32 $0x140000, s0;
	_ =	strace $0x8000004D;
	s0 =	ssub.s32 $0x2, s0  }
0x9: {  	s2 =	smul.u32 $0x2710, s2;
	s20 =	sshrl.u32 s0, $0x1;
	s21 =	sshrl.u32 s19, $0x2  }
0xa: {  	s5 =	sadd.s32 s18, s5;
	s0 =	ssub.s32 s0, s20;
	s7 =	sadd.s32 s21, s3  }
0xb: {  	s2 =	sshrl.u32 s2, $0x3;
	s5 =	sshrl.u32 s5, $0x3;
	s0 =	smax.u32 s0, $0x1  }
0xc: {  	s24 =	sadd.s32 $0x1400, s7;
	s25 =	sadd.s32 $0x2800, s7;
	s26 =	sadd.s32 $0x3C00, s7  }
0xd: {  	s13 =	sadd.s32 $0x5000, s7;
	s14 =	sadd.s32 $0x6400, s7;
	s15 =	sadd.s32 $0x7800, s7  }
0xe: {  	s16 =	sadd.s32 $0x8C00, s7;
	s17 =	sadd.s32 $0xA000, s7;
	[dreg:$0x7] =	wrdreg s0  }
0xf: {  	s18 =	sadd.s32 $0xB400, s7;
	s19 =	sadd.s32 $0xC800, s7;
	[dreg:$0x8] =	wrdreg s24  }
0x10: {  	s20 =	sadd.s32 $0xDC00, s7;
	s21 =	sadd.s32 $0xF000, s7;
	[dreg:$0x9] =	wrdreg s25  }
0x11: {  	s2 =	sadd.s32 s2, s4;
	s4 =	sadd.s32 s5, s4;
	[dreg:$0xa] =	wrdreg s26  }
0x12: {  	s24 =	sadd.s32 $0x12C00, s7;
	s25 =	simm.s32 $0x6;
	s22 =	sadd.s32 $0x2800, s2  }
0x13: {  	s0 =	simm.s32 $0x8B00;
	s2 =	sadd.s32 $0xC440, s2;
	[dreg:$0x4] =	wrdreg s22  }
0x14: {  	s26 =	simm.s32 $0x1;
	s23 =	sadd.s32 $0x16200, s4;
	[dreg:$0x5] =	wrdreg s2  }
0x15: {  	s5 =	simm.s32 $0x3;
	s4 =	simm.s32 $0x2;
	[dreg:$0x6] =	wrdreg s23  }
0x16: {  	v0 =	vimm.f32 $0.0e+00;
	s22 =	sadd.s32 $0x10400, s7;
	s23 =	sadd.s32 $0x11800, s7;
	s2 =	simm.s32 $0x4F00  }
.LBB2_1:
0x17: {  	s10 =	simm.s32 $0x0;
	s11 =	rddreg [dreg:$0x4]  }
0x18: {  	[tilespmem:s10], [sflag:$0x6] =	stream.linear.gather [hbm4b:s11+s10], $0x2710, $0x38;
	[tilespmem:$0x1F300] =	vst v63  }
0x19: {  	_ =	swait.ge [sflag:s25], $0x2710  }
0x1a: {  	[sflag:s25] =	ssyncset.done $0x0  }
0x1b: {  	s12 =	simm.s32 $0x2780;
	s11 =	rddreg [dreg:$0x5];
	[sflag:s25] =	ssyncadd.s32 $0xFFFFD8F0  }
0x1c: {  	[tilespmem:s12], [sflag:$0x6] =	stream.linear.gather [hbm4b:s11+s10], $0x2710, $0x38;
	[tilespmem:$0x1F300] =	vst v63  }
0x1d: {  	_ =	swait.ge [sflag:s25], $0x2710  }
0x1e: {  	[sflag:s25] =	ssyncset.done $0x0  }
0x1f: {  	[sflag:s25] =	ssyncadd.s32 $0xFFFFD8F0  }
0x20: {  	[tilespmem:s29], [sflag:$0x2] =	stream.indirect.gather [hbm4b:s1+s28], $0x80, s28, s28, $0xb8;
	[tilespmem:$0x1F300] =	vst v63  }
0x21: {  	s12 =	simm.s32 $0x50  }
0x22: {  	[tilespmem:s31], [sflag:$0x3] =	stream.indirect.gather [hbm4b:s1+s28], $0x80, s12, s28, $0xb8;
	[tilespmem:$0x1F300] =	vst v63  }
0x23: {  	s11 =	simm.s32 $0x78  }
0x24: {  	[tilespmem:s0], [sflag:$0x4] =	stream.indirect.gather [hbm4b:s1+s28], $0x80, s11, s28, $0xb8;
	[tilespmem:$0x1F300] =	vst v63  }
0x25: {  	s10 =	simm.s32 $0x70;
	s12 =	simm.s32 $0xA0;
	s11 =	simm.s32 $0x3C0  }
0x26: {  	[tilespmem:s30], [sflag:$0x5] =	stream.indirect.gather [hbm4b:s1+s28], $0x80, s12, s28, $0xb8;
	[tilespmem:$0x1F300] =	vst v63  }
.LBB2_2:
0x27: {  	p0 =	sne.s32 s11, $0x4FC0;
	[tilespmem:s10+$0x4F00] =	vst v0  }
0x28: {  	[tilespmem:s10+$0x4E90] =	vst v0  }
0x29: {  	[tilespmem:s10+$0x4EA0] =	vst v0  }
.Ltmp0:
0x2a: {  	[tilespmem:s10+$0x4EB0] =	vst v0;
	(pc) =	sbr.rel @p0 .LBB2_2-.Ltmp0, $4  }
0x2b: {  	[tilespmem:s10+$0x4EC0] =	vst v0  }
0x2c: {  	[tilespmem:s10+$0x4ED0] =	vst v0  }
0x2d: {  	[tilespmem:s10+$0x4EE0] =	vst v0  }
0x2e: {  	[tilespmem:s10+$0x4EF0] =	vst v0;
	s10 =	sshra.s32 s11, $0x2;
	s11 =	sadd.s32 $0x200, s11  }
0x2f: {  	[tilespmem:s10+$0x4F00] =	vst v0  }
0x30: {  	[tilespmem:s10+$0x4E90] =	vst v0  }
0x31: {  	[tilespmem:s10+$0x4EA0] =	vst v0  }
0x32: {  	[tilespmem:s10+$0x4EB0] =	vst v0  }
0x33: {  	[tilespmem:s10+$0x4EC0] =	vst v0  }
0x34: {  	[tilespmem:s10+$0x4ED0] =	vst v0  }
0x35: {  	[tilespmem:s10+$0x4EE0] =	vst v0  }
0x36: {  	[tilespmem:s10+$0x4EF0] =	vst v0  }
0x37: {  	[spmem:s7] =	stream.linear.scatter [tilespmem:s2], [sflag:$0x6], $0x1400, $0x38;
	[tilespmem:$0x1F300] =	vst v63  }
0x38: {  	_ =	swait.ge [sflag:s25], $0x1400  }
0x39: {  	[sflag:s25] =	ssyncset.done $0x0  }
0x3a: {  	s12 =	rddreg [dreg:$0x8];
	[sflag:s25] =	ssyncadd.s32 $0xFFFFEC00  }
0x3b: {  	[spmem:s12] =	stream.linear.scatter [tilespmem:s2], [sflag:$0x6], $0x1400, $0x38;
	[tilespmem:$0x1F300] =	vst v63  }
0x3c: {  	_ =	swait.ge [sflag:s25], $0x1400  }
0x3d: {  	[sflag:s25] =	ssyncset.done $0x0  }
0x3e: {  	s11 =	rddreg [dreg:$0x9];
	[sflag:s25] =	ssyncadd.s32 $0xFFFFEC00  }
0x3f: {  	[spmem:s11] =	stream.linear.scatter [tilespmem:s2], [sflag:$0x6], $0x1400, $0x38;
	[tilespmem:$0x1F300] =	vst v63  }
0x40: {  	_ =	swait.ge [sflag:s25], $0x1400  }
0x41: {  	[sflag:s25] =	ssyncset.done $0x0  }
0x42: {  	s12 =	rddreg [dreg:$0xa];
	[sflag:s25] =	ssyncadd.s32 $0xFFFFEC00  }
0x43: {  	[spmem:s12] =	stream.linear.scatter [tilespmem:s2], [sflag:$0x6], $0x1400, $0x38;
	[tilespmem:$0x1F300] =	vst v63  }
0x44: {  	_ =	swait.ge [sflag:s25], $0x1400  }
0x45: {  	[sflag:s25] =	ssyncset.done $0x0  }
0x46: {  	[sflag:s25] =	ssyncadd.s32 $0xFFFFEC00  }
0x47: {  	[spmem:s13] =	stream.linear.scatter [tilespmem:s2], [sflag:$0x6], $0x1400, $0x38;
	[tilespmem:$0x1F300] =	vst v63  }
0x48: {  	_ =	swait.ge [sflag:s25], $0x1400  }
0x49: {  	[sflag:s25] =	ssyncset.done $0x0  }
0x4a: {  	[sflag:s25] =	ssyncadd.s32 $0xFFFFEC00  }
0x4b: {  	[spmem:s14] =	stream.linear.scatter [tilespmem:s2], [sflag:$0x6], $0x1400, $0x38;
	[tilespmem:$0x1F300] =	vst v63  }
0x4c: {  	_ =	swait.ge [sflag:s25], $0x1400  }
0x4d: {  	[sflag:s25] =	ssyncset.done $0x0  }
0x4e: {  	[sflag:s25] =	ssyncadd.s32 $0xFFFFEC00  }
0x4f: {  	[spmem:s15] =	stream.linear.scatter [tilespmem:s2], [sflag:$0x6], $0x1400, $0x38;
	[tilespmem:$0x1F300] =	vst v63  }
0x50: {  	_ =	swait.ge [sflag:s25], $0x1400  }
0x51: {  	[sflag:s25] =	ssyncset.done $0x0  }
0x52: {  	[sflag:s25] =	ssyncadd.s32 $0xFFFFEC00  }
0x53: {  	[spmem:s16] =	stream.linear.scatter [tilespmem:s2], [sflag:$0x6], $0x1400, $0x38;
	[tilespmem:$0x1F300] =	vst v63  }
0x54: {  	_ =	swait.ge [sflag:s25], $0x1400  }
0x55: {  	[sflag:s25] =	ssyncset.done $0x0  }
0x56: {  	[sflag:s25] =	ssyncadd.s32 $0xFFFFEC00  }
0x57: {  	[spmem:s17] =	stream.linear.scatter [tilespmem:s2], [sflag:$0x6], $0x1400, $0x38;
	[tilespmem:$0x1F300] =	vst v63  }
0x58: {  	_ =	swait.ge [sflag:s25], $0x1400  }
0x59: {  	[sflag:s25] =	ssyncset.done $0x0  }
0x5a: {  	[sflag:s25] =	ssyncadd.s32 $0xFFFFEC00  }
0x5b: {  	[spmem:s18] =	stream.linear.scatter [tilespmem:s2], [sflag:$0x6], $0x1400, $0x38;
	[tilespmem:$0x1F300] =	vst v63  }
0x5c: {  	_ =	swait.ge [sflag:s25], $0x1400  }
0x5d: {  	[sflag:s25] =	ssyncset.done $0x0  }
0x5e: {  	[sflag:s25] =	ssyncadd.s32 $0xFFFFEC00  }
0x5f: {  	[spmem:s19] =	stream.linear.scatter [tilespmem:s2], [sflag:$0x6], $0x1400, $0x38;
	[tilespmem:$0x1F300] =	vst v63  }
0x60: {  	_ =	swait.ge [sflag:s25], $0x1400  }
0x61: {  	[sflag:s25] =	ssyncset.done $0x0  }
0x62: {  	[sflag:s25] =	ssyncadd.s32 $0xFFFFEC00  }
0x63: {  	[spmem:s20] =	stream.linear.scatter [tilespmem:s2], [sflag:$0x6], $0x1400, $0x38;
	[tilespmem:$0x1F300] =	vst v63  }
0x64: {  	_ =	swait.ge [sflag:s25], $0x1400  }
0x65: {  	[sflag:s25] =	ssyncset.done $0x0  }
0x66: {  	[sflag:s25] =	ssyncadd.s32 $0xFFFFEC00  }
0x67: {  	[spmem:s21] =	stream.linear.scatter [tilespmem:s2], [sflag:$0x6], $0x1400, $0x38;
	[tilespmem:$0x1F300] =	vst v63  }
0x68: {  	_ =	swait.ge [sflag:s25], $0x1400  }
0x69: {  	[sflag:s25] =	ssyncset.done $0x0  }
0x6a: {  	[sflag:s25] =	ssyncadd.s32 $0xFFFFEC00  }
0x6b: {  	[spmem:s22] =	stream.linear.scatter [tilespmem:s2], [sflag:$0x6], $0x1400, $0x38;
	[tilespmem:$0x1F300] =	vst v63  }
0x6c: {  	_ =	swait.ge [sflag:s25], $0x1400  }
0x6d: {  	[sflag:s25] =	ssyncset.done $0x0  }
0x6e: {  	[sflag:s25] =	ssyncadd.s32 $0xFFFFEC00  }
0x6f: {  	[spmem:s23] =	stream.linear.scatter [tilespmem:s2], [sflag:$0x6], $0x1400, $0x38;
	[tilespmem:$0x1F300] =	vst v63  }
0x70: {  	_ =	swait.ge [sflag:s25], $0x1400  }
0x71: {  	[sflag:s25] =	ssyncset.done $0x0  }
0x72: {  	[sflag:s25] =	ssyncadd.s32 $0xFFFFEC00  }
0x73: {  	[spmem:s24] =	stream.linear.scatter [tilespmem:s2], [sflag:$0x6], $0x1400, $0x38;
	[tilespmem:$0x1F300] =	vst v63  }
0x74: {  	_ =	swait.ge [sflag:s25], $0x1400  }
0x75: {  	[sflag:s25] =	ssyncset.done $0x0  }
0x76: {  	s11 =	simm.s32 $0x0;
	[sflag:s25] =	ssyncadd.s32 $0xFFFFEC00  }
0x77: {  	[tilespmem:s2], [sflag:$0x1] =	stream.indirect.gather [hbm4b:s1+s28], $0x80, s11, s28, $0xb8;
	[tilespmem:$0x1F300] =	vst v63  }
0x78: {  	[bflag:$0x0] =	sbarrier.arrive $0xFFFF  }
0x79: {  	_ =	swait.ge [sflag:s26], $0x1400  }
0x7a: {  	[sflag:s26] =	ssyncset.done $0x0  }
0x7b: {  	s12 =	simm.s32 $0x2780;
	[sflag:s26] =	ssyncadd.s32 $0xFFFFEC00  }
0x7c: {  	[spmem:s3] =	stream.indirect.scatter.add.f32 [tilespmem:s2], [sflag:$0x6], $0x80, s12, s28, $0xb8;
	[tilespmem:$0x1F300] =	vst v63  }
0x7d: {  	_ =	swait.ge [sflag:s25], $0x1400  }
0x7e: {  	[sflag:s25] =	ssyncset.done $0x0  }
0x7f: {  	s11 =	simm.s32 $0xC8;
	[sflag:s25] =	ssyncadd.s32 $0xFFFFEC00  }
0x80: {  	[tilespmem:s2], [sflag:$0x1] =	stream.indirect.gather [hbm4b:s1+s28], $0x80, s11, s28, $0xb8;
	[tilespmem:$0x1F300] =	vst v63  }
0x81: {  	_ =	swait.ge [sflag:s4], $0x1400  }
0x82: {  	[sflag:s4] =	ssyncset.done $0x0  }
0x83: {  	s12 =	simm.s32 $0x27A8;
	[sflag:s4] =	ssyncadd.s32 $0xFFFFEC00  }
0x84: {  	[spmem:s3] =	stream.indirect.scatter.add.f32 [tilespmem:s29], [sflag:$0x6], $0x80, s12, s28, $0xb8;
	[tilespmem:$0x1F300] =	vst v63  }
0x85: {  	_ =	swait.ge [sflag:s25], $0x1400  }
0x86: {  	[sflag:s25] =	ssyncset.done $0x0  }
0x87: {  	s11 =	simm.s32 $0xF0;
	[sflag:s25] =	ssyncadd.s32 $0xFFFFEC00  }
0x88: {  	[tilespmem:s29], [sflag:$0x2] =	stream.indirect.gather [hbm4b:s1+s28], $0x80, s11, s28, $0xb8;
	[tilespmem:$0x1F300] =	vst v63  }
0x89: {  	_ =	swait.ge [sflag:s5], $0x1400  }
0x8a: {  	[sflag:s5] =	ssyncset.done $0x0  }
0x8b: {  	s12 =	simm.s32 $0x27D0;
	[sflag:s5] =	ssyncadd.s32 $0xFFFFEC00  }
0x8c: {  	[spmem:s3] =	stream.indirect.scatter.add.f32 [tilespmem:s31], [sflag:$0x6], $0x80, s12, s28, $0xb8;
	[tilespmem:$0x1F300] =	vst v63  }
0x8d: {  	_ =	swait.ge [sflag:s25], $0x1400  }
0x8e: {  	[sflag:s25] =	ssyncset.done $0x0  }
0x8f: {  	s11 =	simm.s32 $0x118;
	[sflag:s25] =	ssyncadd.s32 $0xFFFFEC00  }
0x90: {  	[tilespmem:s31], [sflag:$0x3] =	stream.indirect.gather [hbm4b:s1+s28], $0x80, s11, s28, $0xb8;
	[tilespmem:$0x1F300] =	vst v63  }
0x91: {  	_ =	swait.ge [sflag:s6], $0x1400  }
0x92: {  	[sflag:s6] =	ssyncset.done $0x0  }
0x93: {  	s12 =	simm.s32 $0x27F8;
	[sflag:s6] =	ssyncadd.s32 $0xFFFFEC00  }
0x94: {  	[spmem:s3] =	stream.indirect.scatter.add.f32 [tilespmem:s0], [sflag:$0x6], $0x80, s12, s28, $0xb8;
	[tilespmem:$0x1F300] =	vst v63  }
0x95: {  	_ =	swait.ge [sflag:s25], $0x1400  }
0x96: {  	[sflag:s25] =	ssyncset.done $0x0  }
0x97: {  	s11 =	simm.s32 $0x140;
	[sflag:s25] =	ssyncadd.s32 $0xFFFFEC00  }
0x98: {  	[tilespmem:s0], [sflag:$0x4] =	stream.indirect.gather [hbm4b:s1+s28], $0x80, s11, s28, $0xb8;
	[tilespmem:$0x1F300] =	vst v63  }
0x99: {  	_ =	swait.ge [sflag:s8], $0x1400  }
0x9a: {  	[sflag:s8] =	ssyncset.done $0x0  }
0x9b: {  	s12 =	simm.s32 $0x2820;
	[sflag:s8] =	ssyncadd.s32 $0xFFFFEC00  }
0x9c: {  	[spmem:s3] =	stream.indirect.scatter.add.f32 [tilespmem:s30], [sflag:$0x6], $0x80, s12, s28, $0xb8;
	[tilespmem:$0x1F300] =	vst v63  }
0x9d: {  	_ =	swait.ge [sflag:s25], $0x1400  }
0x9e: {  	[sflag:s25] =	ssyncset.done $0x0  }
0x9f: {  	s10 =	simm.s32 $0x320;
	s11 =	simm.s32 $0x168;
	[sflag:s25] =	ssyncadd.s32 $0xFFFFEC00  }
.LBB2_4:
0xa0: {  	[tilespmem:s30], [sflag:$0x5] =	stream.indirect.gather [hbm4b:s1+s28], $0x80, s11, s28, $0xb8;
	[tilespmem:$0x1F300] =	vst v63  }
0xa1: {  	s11 =	smov.u32 s10  }
0xa2: {  	p0 =	sne.s32 s10, $0x9600;
	s10 =	sadd.s32 $0x320, s10;
	_ =	swait.ge [sflag:s26], $0x1400  }
0xa3: {  	s11 =	sshra.s32 s11, $0x2;
	[sflag:s26] =	ssyncset.done $0x0  }
0xa4: {  	s12 =	sadd.s32 $0x2780, s11;
	[sflag:s26] =	ssyncadd.s32 $0xFFFFEC00  }
0xa5: {  	[spmem:s3] =	stream.indirect.scatter.add.f32 [tilespmem:s2], [sflag:$0x6], $0x80, s12, s28, $0xb8;
	[tilespmem:$0x1F300] =	vst v63  }
0xa6: {  	_ =	swait.ge [sflag:s25], $0x1400  }
0xa7: {  	[sflag:s25] =	ssyncset.done $0x0  }
0xa8: {  	s12 =	sadd.s32 $0xC8, s11;
	[sflag:s25] =	ssyncadd.s32 $0xFFFFEC00  }
0xa9: {  	[tilespmem:s2], [sflag:$0x1] =	stream.indirect.gather [hbm4b:s1+s28], $0x80, s12, s28, $0xb8;
	[tilespmem:$0x1F300] =	vst v63  }
0xaa: {  	_ =	swait.ge [sflag:s4], $0x1400  }
0xab: {  	[sflag:s4] =	ssyncset.done $0x0  }
0xac: {  	s12 =	sadd.s32 $0x27A8, s11;
	[sflag:s4] =	ssyncadd.s32 $0xFFFFEC00  }
0xad: {  	[spmem:s3] =	stream.indirect.scatter.add.f32 [tilespmem:s29], [sflag:$0x6], $0x80, s12, s28, $0xb8;
	[tilespmem:$0x1F300] =	vst v63  }
0xae: {  	_ =	swait.ge [sflag:s25], $0x1400  }
0xaf: {  	[sflag:s25] =	ssyncset.done $0x0  }
0xb0: {  	s12 =	sadd.s32 $0xF0, s11;
	[sflag:s25] =	ssyncadd.s32 $0xFFFFEC00  }
0xb1: {  	[tilespmem:s29], [sflag:$0x2] =	stream.indirect.gather [hbm4b:s1+s28], $0x80, s12, s28, $0xb8;
	[tilespmem:$0x1F300] =	vst v63  }
0xb2: {  	_ =	swait.ge [sflag:s5], $0x1400  }
0xb3: {  	[sflag:s5] =	ssyncset.done $0x0  }
0xb4: {  	s12 =	sadd.s32 $0x27D0, s11;
	[sflag:s5] =	ssyncadd.s32 $0xFFFFEC00  }
0xb5: {  	[spmem:s3] =	stream.indirect.scatter.add.f32 [tilespmem:s31], [sflag:$0x6], $0x80, s12, s28, $0xb8;
	[tilespmem:$0x1F300] =	vst v63  }
0xb6: {  	_ =	swait.ge [sflag:s25], $0x1400  }
0xb7: {  	[sflag:s25] =	ssyncset.done $0x0  }
0xb8: {  	s12 =	sadd.s32 $0x118, s11;
	[sflag:s25] =	ssyncadd.s32 $0xFFFFEC00  }
0xb9: {  	[tilespmem:s31], [sflag:$0x3] =	stream.indirect.gather [hbm4b:s1+s28], $0x80, s12, s28, $0xb8;
	[tilespmem:$0x1F300] =	vst v63  }
0xba: {  	_ =	swait.ge [sflag:s6], $0x1400  }
0xbb: {  	[sflag:s6] =	ssyncset.done $0x0  }
0xbc: {  	s12 =	sadd.s32 $0x27F8, s11;
	[sflag:s6] =	ssyncadd.s32 $0xFFFFEC00  }
0xbd: {  	[spmem:s3] =	stream.indirect.scatter.add.f32 [tilespmem:s0], [sflag:$0x6], $0x80, s12, s28, $0xb8;
	[tilespmem:$0x1F300] =	vst v63  }
0xbe: {  	_ =	swait.ge [sflag:s25], $0x1400  }
0xbf: {  	[sflag:s25] =	ssyncset.done $0x0  }
0xc0: {  	s12 =	sadd.s32 $0x140, s11;
	[sflag:s25] =	ssyncadd.s32 $0xFFFFEC00  }
0xc1: {  	[tilespmem:s0], [sflag:$0x4] =	stream.indirect.gather [hbm4b:s1+s28], $0x80, s12, s28, $0xb8;
	[tilespmem:$0x1F300] =	vst v63  }
0xc2: {  	_ =	swait.ge [sflag:s8], $0x1400  }
0xc3: {  	[sflag:s8] =	ssyncset.done $0x0  }
.Ltmp1:
0xc4: {  	s12 =	sadd.s32 $0x2820, s11;
	[sflag:s8] =	ssyncadd.s32 $0xFFFFEC00;
	(pc) =	sbr.rel @p0 .LBB2_4-.Ltmp1, $4  }
0xc5: {  	[spmem:s3] =	stream.indirect.scatter.add.f32 [tilespmem:s30], [sflag:$0x6], $0x80, s12, s28, $0xb8;
	[tilespmem:$0x1F300] =	vst v63  }
0xc6: {  	_ =	swait.ge [sflag:s25], $0x1400  }
0xc7: {  	[sflag:s25] =	ssyncset.done $0x0  }
0xc8: {  	s11 =	sadd.s32 $0x168, s11;
	[sflag:s25] =	ssyncadd.s32 $0xFFFFEC00  }
0xc9: {  	[tilespmem:s30], [sflag:$0x5] =	stream.indirect.gather [hbm4b:s1+s28], $0x80, s11, s28, $0xb8;
	[tilespmem:$0x1F300] =	vst v63  }
0xca: {  	_ =	swait.ge [sflag:s26], $0x1400  }
0xcb: {  	[sflag:s26] =	ssyncset.done $0x0  }
0xcc: {  	s10 =	simm.s32 $0x4DC8;
	[sflag:s26] =	ssyncadd.s32 $0xFFFFEC00  }
0xcd: {  	[spmem:s3] =	stream.indirect.scatter.add.f32 [tilespmem:s2], [sflag:$0x6], $0x80, s10, s28, $0xb8;
	[tilespmem:$0x1F300] =	vst v63  }
0xce: {  	_ =	swait.ge [sflag:s25], $0x1400  }
0xcf: {  	[sflag:s25] =	ssyncset.done $0x0  }
0xd0: {  	[sflag:s25] =	ssyncadd.s32 $0xFFFFEC00  }
0xd1: {  	_ =	swait.ge [sflag:s4], $0x1400  }
0xd2: {  	[sflag:s4] =	ssyncset.done $0x0  }
0xd3: {  	s11 =	simm.s32 $0x4DF0;
	[sflag:s4] =	ssyncadd.s32 $0xFFFFEC00  }
0xd4: {  	[spmem:s3] =	stream.indirect.scatter.add.f32 [tilespmem:s29], [sflag:$0x6], $0x80, s11, s28, $0xb8;
	[tilespmem:$0x1F300] =	vst v63  }
0xd5: {  	_ =	swait.ge [sflag:s25], $0x1400  }
0xd6: {  	[sflag:s25] =	ssyncset.done $0x0  }
0xd7: {  	[sflag:s25] =	ssyncadd.s32 $0xFFFFEC00  }
0xd8: {  	_ =	swait.ge [sflag:s5], $0x1400  }
0xd9: {  	[sflag:s5] =	ssyncset.done $0x0  }
0xda: {  	s12 =	simm.s32 $0x4E18;
	[sflag:s5] =	ssyncadd.s32 $0xFFFFEC00  }
0xdb: {  	[spmem:s3] =	stream.indirect.scatter.add.f32 [tilespmem:s31], [sflag:$0x6], $0x80, s12, s28, $0xb8;
	[tilespmem:$0x1F300] =	vst v63  }
0xdc: {  	_ =	swait.ge [sflag:s25], $0x1400  }
0xdd: {  	[sflag:s25] =	ssyncset.done $0x0  }
0xde: {  	[sflag:s25] =	ssyncadd.s32 $0xFFFFEC00  }
0xdf: {  	_ =	swait.ge [sflag:s6], $0x1400  }
0xe0: {  	[sflag:s6] =	ssyncset.done $0x0  }
0xe1: {  	s11 =	simm.s32 $0x4E40;
	[sflag:s6] =	ssyncadd.s32 $0xFFFFEC00  }
0xe2: {  	[spmem:s3] =	stream.indirect.scatter.add.f32 [tilespmem:s0], [sflag:$0x6], $0x80, s11, s28, $0xb8;
	[tilespmem:$0x1F300] =	vst v63  }
0xe3: {  	_ =	swait.ge [sflag:s25], $0x1400  }
0xe4: {  	[sflag:s25] =	ssyncset.done $0x0  }
0xe5: {  	[sflag:s25] =	ssyncadd.s32 $0xFFFFEC00  }
0xe6: {  	_ =	swait.ge [sflag:s8], $0x1400  }
0xe7: {  	[sflag:s8] =	ssyncset.done $0x0  }
0xe8: {  	s12 =	simm.s32 $0x4E68;
	[sflag:s8] =	ssyncadd.s32 $0xFFFFEC00  }
0xe9: {  	[spmem:s3] =	stream.indirect.scatter.add.f32 [tilespmem:s30], [sflag:$0x6], $0x80, s12, s28, $0xb8;
	[tilespmem:$0x1F300] =	vst v63  }
0xea: {  	_ =	swait.ge [sflag:s25], $0x1400  }
0xeb: {  	[sflag:s25] =	ssyncset.done $0x0  }
0xec: {  	s11 =	stileid.u32;
	[sflag:s25] =	ssyncadd.s32 $0xFFFFEC00  }
0xed: {  	s10 =	sshll.u32 s11, $0x6;
	[bflag:$0x0] =	sbarrier.arrive $0xFFFF  }
0xee: {  	s11 =	sshrl.u32 s7, $0x3;
	s10 =	sor.u32 $0x1C06, s10;
	s12 =	rddreg [dreg:$0x6]  }
0xef: {  	[hbm:s12], [sflag:s10] =	dma.local [spmem:s11], $0x2800  }
0xf0: {  	_ =	swait.ge [sflag:s25], $0x2800  }
0xf1: {  	s9 =	sadd.s32 $0x1, s9;
	s12 =	rddreg [dreg:$0x7]  }
0xf2: {  	p0 =	sne.s32 s9, s12  }
.Ltmp2:
0xf3: {  	_ = 	snop;
	(pc) =	sbr.rel @p0 .LBB2_1-.Ltmp2, $3  }
0xf4: {  	_ =	sdelay $0x1  }
0xf5: {  	[sflag:s25] =	ssyncset.done $0x0  }
0xf6: {  	[sflag:s25] =	ssyncadd.s32 $0xFFFFD800  }
0xf7: {  	_ =	sfence.sel $0x180000  }
0xf8: {  	[bflag:$0x0] =	sbarrier.arrive $0xFFFF  }
0xf9: {  	_ =	strace $0x9000004D  }
0xfa: {  	s0 =	stileid.u32;
	[bflag:$0x2] =	sbarrier.arrive $0xFFFF  }
0xfb: {  	p0 =	sne.s32 s0, $0x0;
	s0 =	rddreg [dreg:$0x3]  }
0xfc: {  	s0 =	sadd.s32 @!p0 $0x100000, s0  }
0xfd: {  	[sflag:s0] =	ssyncadd.tile.s32 @!p0 $0x1;
	_ =	shalt  }
.Lfunc_end2:
_tile_overlayer_lowered:
.L_overlay_start_2:
0xfe: {  	(tag) =	ssettag $0x2  }
0xff: {  	s0 =	rddreg [dreg:$0x0];
	s2 =	stileid.u32  }
0x100: {  	s1 =	rddreg [dreg:$0x1];
	p0 =	sne.s32 s2, $0x0  }
0x101: {  	s3 =	rddreg [dreg:$0x2];
	[bflag:$0x3] =	sbarrier.arrive $0xFFFF;
	s2 =	simm.s32 @!p0 $0x1C06  }
0x102: {  	[timem:s3], [sflag:s2] =	dma.local @!p0 [hbm:s0], s1  }
0x103: {  	s0 =	simm.s32 @!p0 $0x6  }
0x104: {  	_ =	swait.ge @!p0 [sflag:s0], s1  }
0x105: {  	s1 =	ssub.s32 @!p0 $0x0, s1;
	[sflag:s0] =	ssyncset.done @!p0 $0x0  }
0x106: {  	[sflag:s0] =	ssyncadd.s32 @!p0 s1  }
0x107: {  	[bflag:$0x3] =	sbarrier.arrive $0xFFFF  }
0x108: {  	_ =	shalt  }

</sc_bundles>
